<compile_context>
chip_gen: v7x
topology: tpu7x:2x2x1
jax: 0.10.2.dev20260603
libtpu: 0.0.44.dev20260713+nightly
codegen_flags: <defaults>
</compile_context>

<pallas_src>
import functools

import jax
import jax.numpy as jnp
from jax import lax
from jax.experimental import pallas as pl
from jax.experimental.pallas import tpu as pltpu
from jax.experimental.pallas import tpu_sc as plsc

EMB = 64
B = 16384

NC = 2
NS = 16
NW = NC * NS
R = B // NW
GCHUNK = 128
CCHUNK = 16


def _body(user_hbm, item_hbm, loc_hbm, age_hbm, wf_hbm, wa_hbm, ba_hbm,
          ut_hbm, it_hbm, lt_hbm, out_hbm,
          idx_u, idx_i, idx_l, age_v, u_rows, i_rows, l_rows,
          acc_buf, wf_v, wa_v, ba_v, out_v, sem):
    wid = lax.axis_index("s") * NC + lax.axis_index("c")
    base = wid * R

    pltpu.sync_copy(user_hbm.at[pl.ds(base, R)], idx_u)
    pltpu.sync_copy(item_hbm.at[pl.ds(base, R)], idx_i)
    pltpu.sync_copy(loc_hbm.at[pl.ds(base, R)], idx_l)
    pltpu.sync_copy(age_hbm.at[pl.ds(base, R)], age_v)
    pltpu.sync_copy(wf_hbm, wf_v)
    pltpu.sync_copy(wa_hbm, wa_v)
    pltpu.sync_copy(ba_hbm, ba_v)

    copies = []
    for k in range(R // GCHUNK):
        sl = pl.ds(k * GCHUNK, GCHUNK)
        copies.append(pltpu.async_copy(ut_hbm.at[idx_u.at[sl]], u_rows.at[sl], sem))
        copies.append(pltpu.async_copy(it_hbm.at[idx_i.at[sl]], i_rows.at[sl], sem))
        copies.append(pltpu.async_copy(lt_hbm.at[idx_l.at[sl]], l_rows.at[sl], sem))
    for c in copies:
        c.wait()

    wfv = wf_v[...]
    wav = wa_v[...]
    bav = ba_v[...]
    w_sim = wfv[0]
    c1 = (wfv[9] * wav[0] + wfv[10] * wav[1]
          + wfv[11] * wav[2] + wfv[12] * wav[3])
    c2 = (wfv[9] * bav[0] + wfv[10] * bav[1]
          + wfv[11] * bav[2] + wfv[12] * bav[3] + wfv[13])
    lane = lax.iota(jnp.int32, CCHUNK)

    def chunk_body(c, carry):
        r0 = pl.multiple_of(c * CCHUNK, CCHUNK)
        for rr in range(CCHUNK):
            r = r0 + rr
            u0, u1 = plsc.unpack(u_rows[r, pl.ds(0, 32)],
                                 format=plsc.PackFormat.INTERLEAVED)
            v0, v1 = plsc.unpack(i_rows[r, pl.ds(0, 32)],
                                 format=plsc.PackFormat.INTERLEAVED)
            acc = u0 * v0 + u1 * v1
            u2, u3 = plsc.unpack(u_rows[r, pl.ds(32, 32)],
                                 format=plsc.PackFormat.INTERLEAVED)
            v2, v3 = plsc.unpack(i_rows[r, pl.ds(32, 32)],
                                 format=plsc.PackFormat.INTERLEAVED)
            acc = acc + u2 * v2 + u3 * v3
            acc_buf[rr, :] = acc
        sim = plsc.load_gather(acc_buf, [lane, jnp.zeros((16,), jnp.int32)])
        for j in range(1, 16):
            sim = sim + plsc.load_gather(acc_buf, [lane, jnp.full((16,), j, jnp.int32)])
        rows16 = r0 + lane
        loc_acc = jnp.zeros((16,), jnp.float32)
        for j in range(8):
            lv = plsc.load_gather(l_rows, [rows16, jnp.full((16,), j, jnp.int32)])
            loc_acc = loc_acc + lv * wfv[1 + j]
        a16 = age_v[pl.ds(r0, 16)]
        out_v[pl.ds(r0, 16)] = sim * w_sim + loc_acc + a16 * c1 + c2
        return carry

    lax.fori_loop(0, R // CCHUNK, chunk_body, 0)
    pltpu.sync_copy(out_v, out_hbm.at[pl.ds(base, R)])


_ncf = functools.partial(
    pl.kernel,
    mesh=plsc.VectorSubcoreMesh(core_axis_name="c", subcore_axis_name="s"),
    out_type=jax.ShapeDtypeStruct((B,), jnp.float32),
    compiler_params=pltpu.CompilerParams(
        needs_layout_passes=False, use_tc_tiling_on_sc=False),
    scratch_types=[
        pltpu.VMEM((R,), jnp.int32),
        pltpu.VMEM((R,), jnp.int32),
        pltpu.VMEM((R,), jnp.int32),
        pltpu.VMEM((R,), jnp.float32),
        pltpu.VMEM((R, EMB), jnp.bfloat16),
        pltpu.VMEM((R, EMB), jnp.bfloat16),
        pltpu.VMEM((R, 8), jnp.float32),
        pltpu.VMEM((CCHUNK, 16), jnp.float32),
        pltpu.VMEM((16,), jnp.float32),
        pltpu.VMEM((16,), jnp.float32),
        pltpu.VMEM((16,), jnp.float32),
        pltpu.VMEM((R,), jnp.float32),
        pltpu.SemaphoreType.DMA,
    ],
)(_body)


def kernel(user, item, location, age, user_table, item_table, loc_table,
           W_age, b_age, W_final, b_final):
    wf = jnp.concatenate([W_final[0], b_final, jnp.zeros((2,), jnp.float32)])
    wa = jnp.concatenate([W_age[:, 0], jnp.zeros((12,), jnp.float32)])
    ba = jnp.concatenate([b_age, jnp.zeros((12,), jnp.float32)])
    return _ncf(user, item, location, age.astype(jnp.float32), wf, wa, ba,
                user_table.astype(jnp.bfloat16), item_table.astype(jnp.bfloat16),
                loc_table)

# --- scband reference (transcript-rebuilt; emitter-appended) ---
"""Pipeline reference for scband-ncf-57707180589215 (READ-ONLY COPY).

The authoritative reference and input builder live on the scoring server;
editing this copy changes nothing except your own understanding.
"""

import jax, jax.numpy as jnp
import numpy as np

NUM_USERS = 1000000
NUM_ITEMS = 1000000
NUM_LOCS = 100000
EMB = 64
B = 16384


def setup_inputs(seed: int = 0) -> dict:
    key = jax.random.key(seed)
    ks = jax.random.split(key, 12)
    user = jax.random.randint(ks[0], (B,), 0, NUM_USERS, dtype=jnp.int64) if jax.config.jax_enable_x64 else jax.random.randint(ks[0], (B,), 0, NUM_USERS).astype(jnp.int32)
    item = jax.random.randint(ks[1], (B,), 0, NUM_ITEMS).astype(jnp.int32)
    location = jax.random.randint(ks[2], (B,), 0, NUM_LOCS).astype(jnp.int32)
    age = jax.random.uniform(ks[3], (B,), dtype=jnp.float32)
    user_table = jax.random.normal(ks[4], (NUM_USERS, EMB), dtype=jnp.float32) * 0.02
    item_table = jax.random.normal(ks[5], (NUM_ITEMS, EMB), dtype=jnp.float32) * 0.02
    loc_table = jax.random.normal(ks[6], (NUM_LOCS, 8), dtype=jnp.float32) * 0.02
    W_age = jax.random.normal(ks[7], (4, 1), dtype=jnp.float32) * 0.5
    b_age = jax.random.normal(ks[8], (4,), dtype=jnp.float32) * 0.1
    W_final = jax.random.normal(ks[9], (1, 13), dtype=jnp.float32) * 0.2
    b_final = jax.random.normal(ks[10], (1,), dtype=jnp.float32) * 0.1
    return {
        "user": user.astype(jnp.int32),
        "item": item,
        "location": location,
        "age": age,
        "user_table": user_table,
        "item_table": item_table,
        "loc_table": loc_table,
        "W_age": W_age,
        "b_age": b_age,
        "W_final": W_final,
        "b_final": b_final,
    }


def reference(user, item, location, age, user_table, item_table, loc_table, W_age, b_age, W_final, b_final):
    user_vec = jnp.take(user_table, user, axis=0)           # [B, 64]
    item_vec = jnp.take(item_table, item, axis=0)           # [B, 64]
    sim_score = jnp.sum(user_vec * item_vec, axis=1, keepdims=True)  # [B, 1]
    loc_vec = jnp.take(loc_table, location, axis=0)         # [B, 8]
    age_in = age[:, None]                                   # [B, 1]
    age_vec = age_in @ W_age.T + b_age                      # [B, 4]
    x = jnp.concatenate([sim_score, loc_vec, age_vec], axis=1)  # [B, 13]
    out = x @ W_final.T + b_final                           # [B, 1]
    return jnp.squeeze(out, axis=-1)                        # [B]

if __name__ == "__main__":
    import jax
    _d = setup_inputs()
    print(jax.jit(kernel)(*tuple(_d.values())))

</pallas_src>

<mosaic_0001>
#map = affine_map<(d0, d1) -> (0)>
#map1 = affine_map<(d0, d1) -> (0, 0)>
module attributes {stable_mosaic.version = 14 : i64} {
  func.func @_body(%arg0: i32, %arg1: i32, %arg2: memref<16384xi32, #tpu.memory_space<hbm>>, %arg3: memref<16384xi32, #tpu.memory_space<hbm>>, %arg4: memref<16384xi32, #tpu.memory_space<hbm>>, %arg5: memref<16384xf32, #tpu.memory_space<hbm>>, %arg6: memref<16xf32, #tpu.memory_space<hbm>>, %arg7: memref<16xf32, #tpu.memory_space<hbm>>, %arg8: memref<16xf32, #tpu.memory_space<hbm>>, %arg9: memref<1000000x64xbf16, #tpu.memory_space<hbm>>, %arg10: memref<1000000x64xbf16, #tpu.memory_space<hbm>>, %arg11: memref<100000x8xf32, #tpu.memory_space<hbm>>, %arg12: memref<16384xf32, #tpu.memory_space<hbm>>, %arg13: memref<512xi32, #tpu.memory_space<vmem>>, %arg14: memref<512xi32, #tpu.memory_space<vmem>>, %arg15: memref<512xi32, #tpu.memory_space<vmem>>, %arg16: memref<512xf32, #tpu.memory_space<vmem>>, %arg17: memref<512x64xbf16, #tpu.memory_space<vmem>>, %arg18: memref<512x64xbf16, #tpu.memory_space<vmem>>, %arg19: memref<512x8xf32, #tpu.memory_space<vmem>>, %arg20: memref<16x16xf32, #tpu.memory_space<vmem>>, %arg21: memref<16xf32, #tpu.memory_space<vmem>>, %arg22: memref<16xf32, #tpu.memory_space<vmem>>, %arg23: memref<16xf32, #tpu.memory_space<vmem>>, %arg24: memref<512xf32, #tpu.memory_space<vmem>>, %arg25: memref<!tpu.dma_semaphore, #tpu.memory_space<semaphore_mem>>) attributes {dimension_semantics = [#tpu.dimension_semantics<core_parallel>, #tpu.dimension_semantics<subcore_parallel>], iteration_bounds = array<i64: 2, 16>, scalar_prefetch = 0 : i64, scratch_operands = 13 : i64, tpu.core_type = #tpu.core_type<sc_vector_subcore>, window_params = [{transform_indices = #map}, {transform_indices = #map}, {transform_indices = #map}, {transform_indices = #map}, {transform_indices = #map}, {transform_indices = #map}, {transform_indices = #map}, {transform_indices = #map1}, {transform_indices = #map1}, {transform_indices = #map1}, {transform_indices = #map}]} {
    %mul3A = arith.constant 2 : i32
    %mul3A_0 = arith.muli %arg1, %mul3A : i32
    %add3A = arith.addi %mul3A_0, %arg0 : i32
    %mul3A_1 = arith.constant 512 : i32
    %mul3A_2 = arith.muli %add3A, %mul3A_1 : i32
    "tpu.region"() ({
      %run_scoped3A = tpu.sem_alloc : memref<!tpu.dma_semaphore, #tpu.memory_space<semaphore_mem>>
      %dma_start3A_252 = tpu.memref_slice %arg2[%mul3A_2] : memref<16384xi32, #tpu.memory_space<hbm>> -> memref<512xi32, #tpu.memory_space<hbm>>
      %dma_start3A_253 = tpu.memref_slice %arg2[%mul3A_2] : memref<16384xi32, #tpu.memory_space<hbm>> -> memref<512xi32, #tpu.memory_space<hbm>>
      tpu.enqueue_dma source(%dma_start3A_253 : memref<512xi32, #tpu.memory_space<hbm>>) target(%arg13 : memref<512xi32, #tpu.memory_space<vmem>>) target_semaphore(%run_scoped3A : memref<!tpu.dma_semaphore, #tpu.memory_space<semaphore_mem>>)
      %dma_wait3A_254 = tpu.memref_slice %arg2[%mul3A_2] : memref<16384xi32, #tpu.memory_space<hbm>> -> memref<512xi32, #tpu.memory_space<hbm>>
      %dma_wait3A_255 = tpu.memref_slice %arg2[%mul3A_2] : memref<16384xi32, #tpu.memory_space<hbm>> -> memref<512xi32, #tpu.memory_space<hbm>>
      tpu.wait_dma2 semaphore(%run_scoped3A : memref<!tpu.dma_semaphore, #tpu.memory_space<semaphore_mem>>) src(%dma_wait3A_255 : memref<512xi32, #tpu.memory_space<hbm>>) dst(%arg13 : memref<512xi32, #tpu.memory_space<vmem>>)
      tpu.yield
    }) : () -> ()
    "tpu.region"() ({
      %run_scoped3A = tpu.sem_alloc : memref<!tpu.dma_semaphore, #tpu.memory_space<semaphore_mem>>
      %dma_start3A_252 = tpu.memref_slice %arg3[%mul3A_2] : memref<16384xi32, #tpu.memory_space<hbm>> -> memref<512xi32, #tpu.memory_space<hbm>>
      %dma_start3A_253 = tpu.memref_slice %arg3[%mul3A_2] : memref<16384xi32, #tpu.memory_space<hbm>> -> memref<512xi32, #tpu.memory_space<hbm>>
      tpu.enqueue_dma source(%dma_start3A_253 : memref<512xi32, #tpu.memory_space<hbm>>) target(%arg14 : memref<512xi32, #tpu.memory_space<vmem>>) target_semaphore(%run_scoped3A : memref<!tpu.dma_semaphore, #tpu.memory_space<semaphore_mem>>)
      %dma_wait3A_254 = tpu.memref_slice %arg3[%mul3A_2] : memref<16384xi32, #tpu.memory_space<hbm>> -> memref<512xi32, #tpu.memory_space<hbm>>
      %dma_wait3A_255 = tpu.memref_slice %arg3[%mul3A_2] : memref<16384xi32, #tpu.memory_space<hbm>> -> memref<512xi32, #tpu.memory_space<hbm>>
      tpu.wait_dma2 semaphore(%run_scoped3A : memref<!tpu.dma_semaphore, #tpu.memory_space<semaphore_mem>>) src(%dma_wait3A_255 : memref<512xi32, #tpu.memory_space<hbm>>) dst(%arg14 : memref<512xi32, #tpu.memory_space<vmem>>)
      tpu.yield
    }) : () -> ()
    "tpu.region"() ({
      %run_scoped3A = tpu.sem_alloc : memref<!tpu.dma_semaphore, #tpu.memory_space<semaphore_mem>>
      %dma_start3A_252 = tpu.memref_slice %arg4[%mul3A_2] : memref<16384xi32, #tpu.memory_space<hbm>> -> memref<512xi32, #tpu.memory_space<hbm>>
      %dma_start3A_253 = tpu.memref_slice %arg4[%mul3A_2] : memref<16384xi32, #tpu.memory_space<hbm>> -> memref<512xi32, #tpu.memory_space<hbm>>
      tpu.enqueue_dma source(%dma_start3A_253 : memref<512xi32, #tpu.memory_space<hbm>>) target(%arg15 : memref<512xi32, #tpu.memory_space<vmem>>) target_semaphore(%run_scoped3A : memref<!tpu.dma_semaphore, #tpu.memory_space<semaphore_mem>>)
      %dma_wait3A_254 = tpu.memref_slice %arg4[%mul3A_2] : memref<16384xi32, #tpu.memory_space<hbm>> -> memref<512xi32, #tpu.memory_space<hbm>>
      %dma_wait3A_255 = tpu.memref_slice %arg4[%mul3A_2] : memref<16384xi32, #tpu.memory_space<hbm>> -> memref<512xi32, #tpu.memory_space<hbm>>
      tpu.wait_dma2 semaphore(%run_scoped3A : memref<!tpu.dma_semaphore, #tpu.memory_space<semaphore_mem>>) src(%dma_wait3A_255 : memref<512xi32, #tpu.memory_space<hbm>>) dst(%arg15 : memref<512xi32, #tpu.memory_space<vmem>>)
      tpu.yield
    }) : () -> ()
    "tpu.region"() ({
      %run_scoped3A = tpu.sem_alloc : memref<!tpu.dma_semaphore, #tpu.memory_space<semaphore_mem>>
      %dma_start3A_252 = tpu.memref_slice %arg5[%mul3A_2] : memref<16384xf32, #tpu.memory_space<hbm>> -> memref<512xf32, #tpu.memory_space<hbm>>
      %dma_start3A_253 = tpu.memref_slice %arg5[%mul3A_2] : memref<16384xf32, #tpu.memory_space<hbm>> -> memref<512xf32, #tpu.memory_space<hbm>>
      tpu.enqueue_dma source(%dma_start3A_253 : memref<512xf32, #tpu.memory_space<hbm>>) target(%arg16 : memref<512xf32, #tpu.memory_space<vmem>>) target_semaphore(%run_scoped3A : memref<!tpu.dma_semaphore, #tpu.memory_space<semaphore_mem>>)
      %dma_wait3A_254 = tpu.memref_slice %arg5[%mul3A_2] : memref<16384xf32, #tpu.memory_space<hbm>> -> memref<512xf32, #tpu.memory_space<hbm>>
      %dma_wait3A_255 = tpu.memref_slice %arg5[%mul3A_2] : memref<16384xf32, #tpu.memory_space<hbm>> -> memref<512xf32, #tpu.memory_space<hbm>>
      tpu.wait_dma2 semaphore(%run_scoped3A : memref<!tpu.dma_semaphore, #tpu.memory_space<semaphore_mem>>) src(%dma_wait3A_255 : memref<512xf32, #tpu.memory_space<hbm>>) dst(%arg16 : memref<512xf32, #tpu.memory_space<vmem>>)
      tpu.yield
    }) : () -> ()
    "tpu.region"() ({
      %run_scoped3A = tpu.sem_alloc : memref<!tpu.dma_semaphore, #tpu.memory_space<semaphore_mem>>
      tpu.enqueue_dma source(%arg6 : memref<16xf32, #tpu.memory_space<hbm>>) target(%arg21 : memref<16xf32, #tpu.memory_space<vmem>>) target_semaphore(%run_scoped3A : memref<!tpu.dma_semaphore, #tpu.memory_space<semaphore_mem>>)
      tpu.wait_dma2 semaphore(%run_scoped3A : memref<!tpu.dma_semaphore, #tpu.memory_space<semaphore_mem>>) src(%arg6 : memref<16xf32, #tpu.memory_space<hbm>>) dst(%arg21 : memref<16xf32, #tpu.memory_space<vmem>>)
      tpu.yield
    }) : () -> ()
    "tpu.region"() ({
      %run_scoped3A = tpu.sem_alloc : memref<!tpu.dma_semaphore, #tpu.memory_space<semaphore_mem>>
      tpu.enqueue_dma source(%arg7 : memref<16xf32, #tpu.memory_space<hbm>>) target(%arg22 : memref<16xf32, #tpu.memory_space<vmem>>) target_semaphore(%run_scoped3A : memref<!tpu.dma_semaphore, #tpu.memory_space<semaphore_mem>>)
      tpu.wait_dma2 semaphore(%run_scoped3A : memref<!tpu.dma_semaphore, #tpu.memory_space<semaphore_mem>>) src(%arg7 : memref<16xf32, #tpu.memory_space<hbm>>) dst(%arg22 : memref<16xf32, #tpu.memory_space<vmem>>)
      tpu.yield
    }) : () -> ()
    "tpu.region"() ({
      %run_scoped3A = tpu.sem_alloc : memref<!tpu.dma_semaphore, #tpu.memory_space<semaphore_mem>>
      tpu.enqueue_dma source(%arg8 : memref<16xf32, #tpu.memory_space<hbm>>) target(%arg23 : memref<16xf32, #tpu.memory_space<vmem>>) target_semaphore(%run_scoped3A : memref<!tpu.dma_semaphore, #tpu.memory_space<semaphore_mem>>)
      tpu.wait_dma2 semaphore(%run_scoped3A : memref<!tpu.dma_semaphore, #tpu.memory_space<semaphore_mem>>) src(%arg8 : memref<16xf32, #tpu.memory_space<hbm>>) dst(%arg23 : memref<16xf32, #tpu.memory_space<vmem>>)
      tpu.yield
    }) : () -> ()
    %dma_start3A = arith.constant 0 : i32
    %dma_start3A_3 = arith.constant 0 : i32
    %dma_start3A_4 = tpu.memref_slice %arg17[%dma_start3A, %dma_start3A_3] : memref<512x64xbf16, #tpu.memory_space<vmem>> -> memref<128x64xbf16, #tpu.memory_space<vmem>>
    %dma_start3A_5 = arith.constant 0 : i32
    %dma_start3A_6 = tpu.memref_slice %arg13[%dma_start3A_5] : memref<512xi32, #tpu.memory_space<vmem>> -> memref<128xi32, #tpu.memory_space<vmem>>
    %dma_start3A_7 = arith.constant 0 : i32
    %dma_start3A_8 = arith.constant 0 : i32
    %dma_start3A_9 = tpu.memref_slice %arg9[%dma_start3A_7, %dma_start3A_8] : memref<1000000x64xbf16, #tpu.memory_space<hbm>> -> memref<1000000x64xbf16, #tpu.memory_space<hbm>>
    tpu.enqueue_indirect_dma source(%dma_start3A_9 : memref<1000000x64xbf16, #tpu.memory_space<hbm>>) target(%dma_start3A_4 : memref<128x64xbf16, #tpu.memory_space<vmem>>) offsets(%dma_start3A_6 : memref<128xi32, #tpu.memory_space<vmem>>) semaphore(%arg25 : memref<!tpu.dma_semaphore, #tpu.memory_space<semaphore_mem>>)
    %dma_start3A_10 = arith.constant 0 : i32
    %dma_start3A_11 = arith.constant 0 : i32
    %dma_start3A_12 = tpu.memref_slice %arg18[%dma_start3A_10, %dma_start3A_11] : memref<512x64xbf16, #tpu.memory_space<vmem>> -> memref<128x64xbf16, #tpu.memory_space<vmem>>
    %dma_start3A_13 = arith.constant 0 : i32
    %dma_start3A_14 = tpu.memref_slice %arg14[%dma_start3A_13] : memref<512xi32, #tpu.memory_space<vmem>> -> memref<128xi32, #tpu.memory_space<vmem>>
    %dma_start3A_15 = arith.constant 0 : i32
    %dma_start3A_16 = arith.constant 0 : i32
    %dma_start3A_17 = tpu.memref_slice %arg10[%dma_start3A_15, %dma_start3A_16] : memref<1000000x64xbf16, #tpu.memory_space<hbm>> -> memref<1000000x64xbf16, #tpu.memory_space<hbm>>
    tpu.enqueue_indirect_dma source(%dma_start3A_17 : memref<1000000x64xbf16, #tpu.memory_space<hbm>>) target(%dma_start3A_12 : memref<128x64xbf16, #tpu.memory_space<vmem>>) offsets(%dma_start3A_14 : memref<128xi32, #tpu.memory_space<vmem>>) semaphore(%arg25 : memref<!tpu.dma_semaphore, #tpu.memory_space<semaphore_mem>>)
    %dma_start3A_18 = arith.constant 0 : i32
    %dma_start3A_19 = arith.constant 0 : i32
    %dma_start3A_20 = tpu.memref_slice %arg19[%dma_start3A_18, %dma_start3A_19] : memref<512x8xf32, #tpu.memory_space<vmem>> -> memref<128x8xf32, #tpu.memory_space<vmem>>
    %dma_start3A_21 = arith.constant 0 : i32
    %dma_start3A_22 = tpu.memref_slice %arg15[%dma_start3A_21] : memref<512xi32, #tpu.memory_space<vmem>> -> memref<128xi32, #tpu.memory_space<vmem>>
    %dma_start3A_23 = arith.constant 0 : i32
    %dma_start3A_24 = arith.constant 0 : i32
    %dma_start3A_25 = tpu.memref_slice %arg11[%dma_start3A_23, %dma_start3A_24] : memref<100000x8xf32, #tpu.memory_space<hbm>> -> memref<100000x8xf32, #tpu.memory_space<hbm>>
    tpu.enqueue_indirect_dma source(%dma_start3A_25 : memref<100000x8xf32, #tpu.memory_space<hbm>>) target(%dma_start3A_20 : memref<128x8xf32, #tpu.memory_space<vmem>>) offsets(%dma_start3A_22 : memref<128xi32, #tpu.memory_space<vmem>>) semaphore(%arg25 : memref<!tpu.dma_semaphore, #tpu.memory_space<semaphore_mem>>)
    %dma_start3A_26 = arith.constant 128 : i32
    %dma_start3A_27 = arith.constant 0 : i32
    %dma_start3A_28 = tpu.memref_slice %arg17[%dma_start3A_26, %dma_start3A_27] : memref<512x64xbf16, #tpu.memory_space<vmem>> -> memref<128x64xbf16, #tpu.memory_space<vmem>>
    %dma_start3A_29 = arith.constant 128 : i32
    %dma_start3A_30 = tpu.memref_slice %arg13[%dma_start3A_29] : memref<512xi32, #tpu.memory_space<vmem>> -> memref<128xi32, #tpu.memory_space<vmem>>
    %dma_start3A_31 = arith.constant 0 : i32
    %dma_start3A_32 = arith.constant 0 : i32
    %dma_start3A_33 = tpu.memref_slice %arg9[%dma_start3A_31, %dma_start3A_32] : memref<1000000x64xbf16, #tpu.memory_space<hbm>> -> memref<1000000x64xbf16, #tpu.memory_space<hbm>>
    tpu.enqueue_indirect_dma source(%dma_start3A_33 : memref<1000000x64xbf16, #tpu.memory_space<hbm>>) target(%dma_start3A_28 : memref<128x64xbf16, #tpu.memory_space<vmem>>) offsets(%dma_start3A_30 : memref<128xi32, #tpu.memory_space<vmem>>) semaphore(%arg25 : memref<!tpu.dma_semaphore, #tpu.memory_space<semaphore_mem>>)
    %dma_start3A_34 = arith.constant 128 : i32
    %dma_start3A_35 = arith.constant 0 : i32
    %dma_start3A_36 = tpu.memref_slice %arg18[%dma_start3A_34, %dma_start3A_35] : memref<512x64xbf16, #tpu.memory_space<vmem>> -> memref<128x64xbf16, #tpu.memory_space<vmem>>
    %dma_start3A_37 = arith.constant 128 : i32
    %dma_start3A_38 = tpu.memref_slice %arg14[%dma_start3A_37] : memref<512xi32, #tpu.memory_space<vmem>> -> memref<128xi32, #tpu.memory_space<vmem>>
    %dma_start3A_39 = arith.constant 0 : i32
    %dma_start3A_40 = arith.constant 0 : i32
    %dma_start3A_41 = tpu.memref_slice %arg10[%dma_start3A_39, %dma_start3A_40] : memref<1000000x64xbf16, #tpu.memory_space<hbm>> -> memref<1000000x64xbf16, #tpu.memory_space<hbm>>
    tpu.enqueue_indirect_dma source(%dma_start3A_41 : memref<1000000x64xbf16, #tpu.memory_space<hbm>>) target(%dma_start3A_36 : memref<128x64xbf16, #tpu.memory_space<vmem>>) offsets(%dma_start3A_38 : memref<128xi32, #tpu.memory_space<vmem>>) semaphore(%arg25 : memref<!tpu.dma_semaphore, #tpu.memory_space<semaphore_mem>>)
    %dma_start3A_42 = arith.constant 128 : i32
    %dma_start3A_43 = arith.constant 0 : i32
    %dma_start3A_44 = tpu.memref_slice %arg19[%dma_start3A_42, %dma_start3A_43] : memref<512x8xf32, #tpu.memory_space<vmem>> -> memref<128x8xf32, #tpu.memory_space<vmem>>
    %dma_start3A_45 = arith.constant 128 : i32
    %dma_start3A_46 = tpu.memref_slice %arg15[%dma_start3A_45] : memref<512xi32, #tpu.memory_space<vmem>> -> memref<128xi32, #tpu.memory_space<vmem>>
    %dma_start3A_47 = arith.constant 0 : i32
    %dma_start3A_48 = arith.constant 0 : i32
    %dma_start3A_49 = tpu.memref_slice %arg11[%dma_start3A_47, %dma_start3A_48] : memref<100000x8xf32, #tpu.memory_space<hbm>> -> memref<100000x8xf32, #tpu.memory_space<hbm>>
    tpu.enqueue_indirect_dma source(%dma_start3A_49 : memref<100000x8xf32, #tpu.memory_space<hbm>>) target(%dma_start3A_44 : memref<128x8xf32, #tpu.memory_space<vmem>>) offsets(%dma_start3A_46 : memref<128xi32, #tpu.memory_space<vmem>>) semaphore(%arg25 : memref<!tpu.dma_semaphore, #tpu.memory_space<semaphore_mem>>)
    %dma_start3A_50 = arith.constant 256 : i32
    %dma_start3A_51 = arith.constant 0 : i32
    %dma_start3A_52 = tpu.memref_slice %arg17[%dma_start3A_50, %dma_start3A_51] : memref<512x64xbf16, #tpu.memory_space<vmem>> -> memref<128x64xbf16, #tpu.memory_space<vmem>>
    %dma_start3A_53 = arith.constant 256 : i32
    %dma_start3A_54 = tpu.memref_slice %arg13[%dma_start3A_53] : memref<512xi32, #tpu.memory_space<vmem>> -> memref<128xi32, #tpu.memory_space<vmem>>
    %dma_start3A_55 = arith.constant 0 : i32
    %dma_start3A_56 = arith.constant 0 : i32
    %dma_start3A_57 = tpu.memref_slice %arg9[%dma_start3A_55, %dma_start3A_56] : memref<1000000x64xbf16, #tpu.memory_space<hbm>> -> memref<1000000x64xbf16, #tpu.memory_space<hbm>>
    tpu.enqueue_indirect_dma source(%dma_start3A_57 : memref<1000000x64xbf16, #tpu.memory_space<hbm>>) target(%dma_start3A_52 : memref<128x64xbf16, #tpu.memory_space<vmem>>) offsets(%dma_start3A_54 : memref<128xi32, #tpu.memory_space<vmem>>) semaphore(%arg25 : memref<!tpu.dma_semaphore, #tpu.memory_space<semaphore_mem>>)
    %dma_start3A_58 = arith.constant 256 : i32
    %dma_start3A_59 = arith.constant 0 : i32
    %dma_start3A_60 = tpu.memref_slice %arg18[%dma_start3A_58, %dma_start3A_59] : memref<512x64xbf16, #tpu.memory_space<vmem>> -> memref<128x64xbf16, #tpu.memory_space<vmem>>
    %dma_start3A_61 = arith.constant 256 : i32
    %dma_start3A_62 = tpu.memref_slice %arg14[%dma_start3A_61] : memref<512xi32, #tpu.memory_space<vmem>> -> memref<128xi32, #tpu.memory_space<vmem>>
    %dma_start3A_63 = arith.constant 0 : i32
    %dma_start3A_64 = arith.constant 0 : i32
    %dma_start3A_65 = tpu.memref_slice %arg10[%dma_start3A_63, %dma_start3A_64] : memref<1000000x64xbf16, #tpu.memory_space<hbm>> -> memref<1000000x64xbf16, #tpu.memory_space<hbm>>
    tpu.enqueue_indirect_dma source(%dma_start3A_65 : memref<1000000x64xbf16, #tpu.memory_space<hbm>>) target(%dma_start3A_60 : memref<128x64xbf16, #tpu.memory_space<vmem>>) offsets(%dma_start3A_62 : memref<128xi32, #tpu.memory_space<vmem>>) semaphore(%arg25 : memref<!tpu.dma_semaphore, #tpu.memory_space<semaphore_mem>>)
    %dma_start3A_66 = arith.constant 256 : i32
    %dma_start3A_67 = arith.constant 0 : i32
    %dma_start3A_68 = tpu.memref_slice %arg19[%dma_start3A_66, %dma_start3A_67] : memref<512x8xf32, #tpu.memory_space<vmem>> -> memref<128x8xf32, #tpu.memory_space<vmem>>
    %dma_start3A_69 = arith.constant 256 : i32
    %dma_start3A_70 = tpu.memref_slice %arg15[%dma_start3A_69] : memref<512xi32, #tpu.memory_space<vmem>> -> memref<128xi32, #tpu.memory_space<vmem>>
    %dma_start3A_71 = arith.constant 0 : i32
    %dma_start3A_72 = arith.constant 0 : i32
    %dma_start3A_73 = tpu.memref_slice %arg11[%dma_start3A_71, %dma_start3A_72] : memref<100000x8xf32, #tpu.memory_space<hbm>> -> memref<100000x8xf32, #tpu.memory_space<hbm>>
    tpu.enqueue_indirect_dma source(%dma_start3A_73 : memref<100000x8xf32, #tpu.memory_space<hbm>>) target(%dma_start3A_68 : memref<128x8xf32, #tpu.memory_space<vmem>>) offsets(%dma_start3A_70 : memref<128xi32, #tpu.memory_space<vmem>>) semaphore(%arg25 : memref<!tpu.dma_semaphore, #tpu.memory_space<semaphore_mem>>)
    %dma_start3A_74 = arith.constant 384 : i32
    %dma_start3A_75 = arith.constant 0 : i32
    %dma_start3A_76 = tpu.memref_slice %arg17[%dma_start3A_74, %dma_start3A_75] : memref<512x64xbf16, #tpu.memory_space<vmem>> -> memref<128x64xbf16, #tpu.memory_space<vmem>>
    %dma_start3A_77 = arith.constant 384 : i32
    %dma_start3A_78 = tpu.memref_slice %arg13[%dma_start3A_77] : memref<512xi32, #tpu.memory_space<vmem>> -> memref<128xi32, #tpu.memory_space<vmem>>
    %dma_start3A_79 = arith.constant 0 : i32
    %dma_start3A_80 = arith.constant 0 : i32
    %dma_start3A_81 = tpu.memref_slice %arg9[%dma_start3A_79, %dma_start3A_80] : memref<1000000x64xbf16, #tpu.memory_space<hbm>> -> memref<1000000x64xbf16, #tpu.memory_space<hbm>>
    tpu.enqueue_indirect_dma source(%dma_start3A_81 : memref<1000000x64xbf16, #tpu.memory_space<hbm>>) target(%dma_start3A_76 : memref<128x64xbf16, #tpu.memory_space<vmem>>) offsets(%dma_start3A_78 : memref<128xi32, #tpu.memory_space<vmem>>) semaphore(%arg25 : memref<!tpu.dma_semaphore, #tpu.memory_space<semaphore_mem>>)
    %dma_start3A_82 = arith.constant 384 : i32
    %dma_start3A_83 = arith.constant 0 : i32
    %dma_start3A_84 = tpu.memref_slice %arg18[%dma_start3A_82, %dma_start3A_83] : memref<512x64xbf16, #tpu.memory_space<vmem>> -> memref<128x64xbf16, #tpu.memory_space<vmem>>
    %dma_start3A_85 = arith.constant 384 : i32
    %dma_start3A_86 = tpu.memref_slice %arg14[%dma_start3A_85] : memref<512xi32, #tpu.memory_space<vmem>> -> memref<128xi32, #tpu.memory_space<vmem>>
    %dma_start3A_87 = arith.constant 0 : i32
    %dma_start3A_88 = arith.constant 0 : i32
    %dma_start3A_89 = tpu.memref_slice %arg10[%dma_start3A_87, %dma_start3A_88] : memref<1000000x64xbf16, #tpu.memory_space<hbm>> -> memref<1000000x64xbf16, #tpu.memory_space<hbm>>
    tpu.enqueue_indirect_dma source(%dma_start3A_89 : memref<1000000x64xbf16, #tpu.memory_space<hbm>>) target(%dma_start3A_84 : memref<128x64xbf16, #tpu.memory_space<vmem>>) offsets(%dma_start3A_86 : memref<128xi32, #tpu.memory_space<vmem>>) semaphore(%arg25 : memref<!tpu.dma_semaphore, #tpu.memory_space<semaphore_mem>>)
    %dma_start3A_90 = arith.constant 384 : i32
    %dma_start3A_91 = arith.constant 0 : i32
    %dma_start3A_92 = tpu.memref_slice %arg19[%dma_start3A_90, %dma_start3A_91] : memref<512x8xf32, #tpu.memory_space<vmem>> -> memref<128x8xf32, #tpu.memory_space<vmem>>
    %dma_start3A_93 = arith.constant 384 : i32
    %dma_start3A_94 = tpu.memref_slice %arg15[%dma_start3A_93] : memref<512xi32, #tpu.memory_space<vmem>> -> memref<128xi32, #tpu.memory_space<vmem>>
    %dma_start3A_95 = arith.constant 0 : i32
    %dma_start3A_96 = arith.constant 0 : i32
    %dma_start3A_97 = tpu.memref_slice %arg11[%dma_start3A_95, %dma_start3A_96] : memref<100000x8xf32, #tpu.memory_space<hbm>> -> memref<100000x8xf32, #tpu.memory_space<hbm>>
    tpu.enqueue_indirect_dma source(%dma_start3A_97 : memref<100000x8xf32, #tpu.memory_space<hbm>>) target(%dma_start3A_92 : memref<128x8xf32, #tpu.memory_space<vmem>>) offsets(%dma_start3A_94 : memref<128xi32, #tpu.memory_space<vmem>>) semaphore(%arg25 : memref<!tpu.dma_semaphore, #tpu.memory_space<semaphore_mem>>)
    %dma_wait3A = arith.constant 0 : i32
    %dma_wait3A_98 = arith.constant 0 : i32
    %dma_wait3A_99 = tpu.memref_slice %arg17[%dma_wait3A, %dma_wait3A_98] : memref<512x64xbf16, #tpu.memory_space<vmem>> -> memref<128x64xbf16, #tpu.memory_space<vmem>>
    %dma_wait3A_100 = arith.constant 0 : i32
    %dma_wait3A_101 = tpu.memref_slice %arg13[%dma_wait3A_100] : memref<512xi32, #tpu.memory_space<vmem>> -> memref<128xi32, #tpu.memory_space<vmem>>
    %dma_wait3A_102 = arith.constant 0 : i32
    %dma_wait3A_103 = arith.constant 0 : i32
    %dma_wait3A_104 = tpu.memref_slice %arg9[%dma_wait3A_102, %dma_wait3A_103] : memref<1000000x64xbf16, #tpu.memory_space<hbm>> -> memref<1000000x64xbf16, #tpu.memory_space<hbm>>
    tpu.wait_indirect_dma semaphore(%arg25 : memref<!tpu.dma_semaphore, #tpu.memory_space<semaphore_mem>>) src(%dma_wait3A_104 : memref<1000000x64xbf16, #tpu.memory_space<hbm>>) dst(%dma_wait3A_99 : memref<128x64xbf16, #tpu.memory_space<vmem>>)
    %dma_wait3A_105 = arith.constant 0 : i32
    %dma_wait3A_106 = arith.constant 0 : i32
    %dma_wait3A_107 = tpu.memref_slice %arg18[%dma_wait3A_105, %dma_wait3A_106] : memref<512x64xbf16, #tpu.memory_space<vmem>> -> memref<128x64xbf16, #tpu.memory_space<vmem>>
    %dma_wait3A_108 = arith.constant 0 : i32
    %dma_wait3A_109 = tpu.memref_slice %arg14[%dma_wait3A_108] : memref<512xi32, #tpu.memory_space<vmem>> -> memref<128xi32, #tpu.memory_space<vmem>>
    %dma_wait3A_110 = arith.constant 0 : i32
    %dma_wait3A_111 = arith.constant 0 : i32
    %dma_wait3A_112 = tpu.memref_slice %arg10[%dma_wait3A_110, %dma_wait3A_111] : memref<1000000x64xbf16, #tpu.memory_space<hbm>> -> memref<1000000x64xbf16, #tpu.memory_space<hbm>>
    tpu.wait_indirect_dma semaphore(%arg25 : memref<!tpu.dma_semaphore, #tpu.memory_space<semaphore_mem>>) src(%dma_wait3A_112 : memref<1000000x64xbf16, #tpu.memory_space<hbm>>) dst(%dma_wait3A_107 : memref<128x64xbf16, #tpu.memory_space<vmem>>)
    %dma_wait3A_113 = arith.constant 0 : i32
    %dma_wait3A_114 = arith.constant 0 : i32
    %dma_wait3A_115 = tpu.memref_slice %arg19[%dma_wait3A_113, %dma_wait3A_114] : memref<512x8xf32, #tpu.memory_space<vmem>> -> memref<128x8xf32, #tpu.memory_space<vmem>>
    %dma_wait3A_116 = arith.constant 0 : i32
    %dma_wait3A_117 = tpu.memref_slice %arg15[%dma_wait3A_116] : memref<512xi32, #tpu.memory_space<vmem>> -> memref<128xi32, #tpu.memory_space<vmem>>
    %dma_wait3A_118 = arith.constant 0 : i32
    %dma_wait3A_119 = arith.constant 0 : i32
    %dma_wait3A_120 = tpu.memref_slice %arg11[%dma_wait3A_118, %dma_wait3A_119] : memref<100000x8xf32, #tpu.memory_space<hbm>> -> memref<100000x8xf32, #tpu.memory_space<hbm>>
    tpu.wait_indirect_dma semaphore(%arg25 : memref<!tpu.dma_semaphore, #tpu.memory_space<semaphore_mem>>) src(%dma_wait3A_120 : memref<100000x8xf32, #tpu.memory_space<hbm>>) dst(%dma_wait3A_115 : memref<128x8xf32, #tpu.memory_space<vmem>>)
    %dma_wait3A_121 = arith.constant 128 : i32
    %dma_wait3A_122 = arith.constant 0 : i32
    %dma_wait3A_123 = tpu.memref_slice %arg17[%dma_wait3A_121, %dma_wait3A_122] : memref<512x64xbf16, #tpu.memory_space<vmem>> -> memref<128x64xbf16, #tpu.memory_space<vmem>>
    %dma_wait3A_124 = arith.constant 128 : i32
    %dma_wait3A_125 = tpu.memref_slice %arg13[%dma_wait3A_124] : memref<512xi32, #tpu.memory_space<vmem>> -> memref<128xi32, #tpu.memory_space<vmem>>
    %dma_wait3A_126 = arith.constant 0 : i32
    %dma_wait3A_127 = arith.constant 0 : i32
    %dma_wait3A_128 = tpu.memref_slice %arg9[%dma_wait3A_126, %dma_wait3A_127] : memref<1000000x64xbf16, #tpu.memory_space<hbm>> -> memref<1000000x64xbf16, #tpu.memory_space<hbm>>
    tpu.wait_indirect_dma semaphore(%arg25 : memref<!tpu.dma_semaphore, #tpu.memory_space<semaphore_mem>>) src(%dma_wait3A_128 : memref<1000000x64xbf16, #tpu.memory_space<hbm>>) dst(%dma_wait3A_123 : memref<128x64xbf16, #tpu.memory_space<vmem>>)
    %dma_wait3A_129 = arith.constant 128 : i32
    %dma_wait3A_130 = arith.constant 0 : i32
    %dma_wait3A_131 = tpu.memref_slice %arg18[%dma_wait3A_129, %dma_wait3A_130] : memref<512x64xbf16, #tpu.memory_space<vmem>> -> memref<128x64xbf16, #tpu.memory_space<vmem>>
    %dma_wait3A_132 = arith.constant 128 : i32
    %dma_wait3A_133 = tpu.memref_slice %arg14[%dma_wait3A_132] : memref<512xi32, #tpu.memory_space<vmem>> -> memref<128xi32, #tpu.memory_space<vmem>>
    %dma_wait3A_134 = arith.constant 0 : i32
    %dma_wait3A_135 = arith.constant 0 : i32
    %dma_wait3A_136 = tpu.memref_slice %arg10[%dma_wait3A_134, %dma_wait3A_135] : memref<1000000x64xbf16, #tpu.memory_space<hbm>> -> memref<1000000x64xbf16, #tpu.memory_space<hbm>>
    tpu.wait_indirect_dma semaphore(%arg25 : memref<!tpu.dma_semaphore, #tpu.memory_space<semaphore_mem>>) src(%dma_wait3A_136 : memref<1000000x64xbf16, #tpu.memory_space<hbm>>) dst(%dma_wait3A_131 : memref<128x64xbf16, #tpu.memory_space<vmem>>)
    %dma_wait3A_137 = arith.constant 128 : i32
    %dma_wait3A_138 = arith.constant 0 : i32
    %dma_wait3A_139 = tpu.memref_slice %arg19[%dma_wait3A_137, %dma_wait3A_138] : memref<512x8xf32, #tpu.memory_space<vmem>> -> memref<128x8xf32, #tpu.memory_space<vmem>>
    %dma_wait3A_140 = arith.constant 128 : i32
    %dma_wait3A_141 = tpu.memref_slice %arg15[%dma_wait3A_140] : memref<512xi32, #tpu.memory_space<vmem>> -> memref<128xi32, #tpu.memory_space<vmem>>
    %dma_wait3A_142 = arith.constant 0 : i32
    %dma_wait3A_143 = arith.constant 0 : i32
    %dma_wait3A_144 = tpu.memref_slice %arg11[%dma_wait3A_142, %dma_wait3A_143] : memref<100000x8xf32, #tpu.memory_space<hbm>> -> memref<100000x8xf32, #tpu.memory_space<hbm>>
    tpu.wait_indirect_dma semaphore(%arg25 : memref<!tpu.dma_semaphore, #tpu.memory_space<semaphore_mem>>) src(%dma_wait3A_144 : memref<100000x8xf32, #tpu.memory_space<hbm>>) dst(%dma_wait3A_139 : memref<128x8xf32, #tpu.memory_space<vmem>>)
    %dma_wait3A_145 = arith.constant 256 : i32
    %dma_wait3A_146 = arith.constant 0 : i32
    %dma_wait3A_147 = tpu.memref_slice %arg17[%dma_wait3A_145, %dma_wait3A_146] : memref<512x64xbf16, #tpu.memory_space<vmem>> -> memref<128x64xbf16, #tpu.memory_space<vmem>>
    %dma_wait3A_148 = arith.constant 256 : i32
    %dma_wait3A_149 = tpu.memref_slice %arg13[%dma_wait3A_148] : memref<512xi32, #tpu.memory_space<vmem>> -> memref<128xi32, #tpu.memory_space<vmem>>
    %dma_wait3A_150 = arith.constant 0 : i32
    %dma_wait3A_151 = arith.constant 0 : i32
    %dma_wait3A_152 = tpu.memref_slice %arg9[%dma_wait3A_150, %dma_wait3A_151] : memref<1000000x64xbf16, #tpu.memory_space<hbm>> -> memref<1000000x64xbf16, #tpu.memory_space<hbm>>
    tpu.wait_indirect_dma semaphore(%arg25 : memref<!tpu.dma_semaphore, #tpu.memory_space<semaphore_mem>>) src(%dma_wait3A_152 : memref<1000000x64xbf16, #tpu.memory_space<hbm>>) dst(%dma_wait3A_147 : memref<128x64xbf16, #tpu.memory_space<vmem>>)
    %dma_wait3A_153 = arith.constant 256 : i32
    %dma_wait3A_154 = arith.constant 0 : i32
    %dma_wait3A_155 = tpu.memref_slice %arg18[%dma_wait3A_153, %dma_wait3A_154] : memref<512x64xbf16, #tpu.memory_space<vmem>> -> memref<128x64xbf16, #tpu.memory_space<vmem>>
    %dma_wait3A_156 = arith.constant 256 : i32
    %dma_wait3A_157 = tpu.memref_slice %arg14[%dma_wait3A_156] : memref<512xi32, #tpu.memory_space<vmem>> -> memref<128xi32, #tpu.memory_space<vmem>>
    %dma_wait3A_158 = arith.constant 0 : i32
    %dma_wait3A_159 = arith.constant 0 : i32
    %dma_wait3A_160 = tpu.memref_slice %arg10[%dma_wait3A_158, %dma_wait3A_159] : memref<1000000x64xbf16, #tpu.memory_space<hbm>> -> memref<1000000x64xbf16, #tpu.memory_space<hbm>>
    tpu.wait_indirect_dma semaphore(%arg25 : memref<!tpu.dma_semaphore, #tpu.memory_space<semaphore_mem>>) src(%dma_wait3A_160 : memref<1000000x64xbf16, #tpu.memory_space<hbm>>) dst(%dma_wait3A_155 : memref<128x64xbf16, #tpu.memory_space<vmem>>)
    %dma_wait3A_161 = arith.constant 256 : i32
    %dma_wait3A_162 = arith.constant 0 : i32
    %dma_wait3A_163 = tpu.memref_slice %arg19[%dma_wait3A_161, %dma_wait3A_162] : memref<512x8xf32, #tpu.memory_space<vmem>> -> memref<128x8xf32, #tpu.memory_space<vmem>>
    %dma_wait3A_164 = arith.constant 256 : i32
    %dma_wait3A_165 = tpu.memref_slice %arg15[%dma_wait3A_164] : memref<512xi32, #tpu.memory_space<vmem>> -> memref<128xi32, #tpu.memory_space<vmem>>
    %dma_wait3A_166 = arith.constant 0 : i32
    %dma_wait3A_167 = arith.constant 0 : i32
    %dma_wait3A_168 = tpu.memref_slice %arg11[%dma_wait3A_166, %dma_wait3A_167] : memref<100000x8xf32, #tpu.memory_space<hbm>> -> memref<100000x8xf32, #tpu.memory_space<hbm>>
    tpu.wait_indirect_dma semaphore(%arg25 : memref<!tpu.dma_semaphore, #tpu.memory_space<semaphore_mem>>) src(%dma_wait3A_168 : memref<100000x8xf32, #tpu.memory_space<hbm>>) dst(%dma_wait3A_163 : memref<128x8xf32, #tpu.memory_space<vmem>>)
    %dma_wait3A_169 = arith.constant 384 : i32
    %dma_wait3A_170 = arith.constant 0 : i32
    %dma_wait3A_171 = tpu.memref_slice %arg17[%dma_wait3A_169, %dma_wait3A_170] : memref<512x64xbf16, #tpu.memory_space<vmem>> -> memref<128x64xbf16, #tpu.memory_space<vmem>>
    %dma_wait3A_172 = arith.constant 384 : i32
    %dma_wait3A_173 = tpu.memref_slice %arg13[%dma_wait3A_172] : memref<512xi32, #tpu.memory_space<vmem>> -> memref<128xi32, #tpu.memory_space<vmem>>
    %dma_wait3A_174 = arith.constant 0 : i32
    %dma_wait3A_175 = arith.constant 0 : i32
    %dma_wait3A_176 = tpu.memref_slice %arg9[%dma_wait3A_174, %dma_wait3A_175] : memref<1000000x64xbf16, #tpu.memory_space<hbm>> -> memref<1000000x64xbf16, #tpu.memory_space<hbm>>
    tpu.wait_indirect_dma semaphore(%arg25 : memref<!tpu.dma_semaphore, #tpu.memory_space<semaphore_mem>>) src(%dma_wait3A_176 : memref<1000000x64xbf16, #tpu.memory_space<hbm>>) dst(%dma_wait3A_171 : memref<128x64xbf16, #tpu.memory_space<vmem>>)
    %dma_wait3A_177 = arith.constant 384 : i32
    %dma_wait3A_178 = arith.constant 0 : i32
    %dma_wait3A_179 = tpu.memref_slice %arg18[%dma_wait3A_177, %dma_wait3A_178] : memref<512x64xbf16, #tpu.memory_space<vmem>> -> memref<128x64xbf16, #tpu.memory_space<vmem>>
    %dma_wait3A_180 = arith.constant 384 : i32
    %dma_wait3A_181 = tpu.memref_slice %arg14[%dma_wait3A_180] : memref<512xi32, #tpu.memory_space<vmem>> -> memref<128xi32, #tpu.memory_space<vmem>>
    %dma_wait3A_182 = arith.constant 0 : i32
    %dma_wait3A_183 = arith.constant 0 : i32
    %dma_wait3A_184 = tpu.memref_slice %arg10[%dma_wait3A_182, %dma_wait3A_183] : memref<1000000x64xbf16, #tpu.memory_space<hbm>> -> memref<1000000x64xbf16, #tpu.memory_space<hbm>>
    tpu.wait_indirect_dma semaphore(%arg25 : memref<!tpu.dma_semaphore, #tpu.memory_space<semaphore_mem>>) src(%dma_wait3A_184 : memref<1000000x64xbf16, #tpu.memory_space<hbm>>) dst(%dma_wait3A_179 : memref<128x64xbf16, #tpu.memory_space<vmem>>)
    %dma_wait3A_185 = arith.constant 384 : i32
    %dma_wait3A_186 = arith.constant 0 : i32
    %dma_wait3A_187 = tpu.memref_slice %arg19[%dma_wait3A_185, %dma_wait3A_186] : memref<512x8xf32, #tpu.memory_space<vmem>> -> memref<128x8xf32, #tpu.memory_space<vmem>>
    %dma_wait3A_188 = arith.constant 384 : i32
    %dma_wait3A_189 = tpu.memref_slice %arg15[%dma_wait3A_188] : memref<512xi32, #tpu.memory_space<vmem>> -> memref<128xi32, #tpu.memory_space<vmem>>
    %dma_wait3A_190 = arith.constant 0 : i32
    %dma_wait3A_191 = arith.constant 0 : i32
    %dma_wait3A_192 = tpu.memref_slice %arg11[%dma_wait3A_190, %dma_wait3A_191] : memref<100000x8xf32, #tpu.memory_space<hbm>> -> memref<100000x8xf32, #tpu.memory_space<hbm>>
    tpu.wait_indirect_dma semaphore(%arg25 : memref<!tpu.dma_semaphore, #tpu.memory_space<semaphore_mem>>) src(%dma_wait3A_192 : memref<100000x8xf32, #tpu.memory_space<hbm>>) dst(%dma_wait3A_187 : memref<128x8xf32, #tpu.memory_space<vmem>>)
    %get3A = arith.constant 0 : index
    %get3A_193 = tpu.vector_load %arg21[%get3A] {strides = array<i32>} : memref<16xf32, #tpu.memory_space<vmem>>, vector<16xf32>,
    %get3A_194 = arith.constant 0 : index
    %get3A_195 = tpu.vector_load %arg22[%get3A_194] {strides = array<i32>} : memref<16xf32, #tpu.memory_space<vmem>>, vector<16xf32>,
    %get3A_196 = arith.constant 0 : index
    %get3A_197 = tpu.vector_load %arg23[%get3A_196] {strides = array<i32>} : memref<16xf32, #tpu.memory_space<vmem>>, vector<16xf32>,
    %slice3A = vector.extract_strided_slice %get3A_193 {offsets = [0], sizes = [1], strides = [1]} : vector<16xf32> to vector<1xf32>
    %squeeze3A = vector.extract %slice3A[0] : f32 from vector<1xf32>
    %slice3A_198 = vector.extract_strided_slice %get3A_193 {offsets = [9], sizes = [1], strides = [1]} : vector<16xf32> to vector<1xf32>
    %squeeze3A_199 = vector.extract %slice3A_198[0] : f32 from vector<1xf32>
    %slice3A_200 = vector.extract_strided_slice %get3A_195 {offsets = [0], sizes = [1], strides = [1]} : vector<16xf32> to vector<1xf32>
    %squeeze3A_201 = vector.extract %slice3A_200[0] : f32 from vector<1xf32>
    %mul3A_202 = arith.mulf %squeeze3A_199, %squeeze3A_201 : f32
    %slice3A_203 = vector.extract_strided_slice %get3A_193 {offsets = [10], sizes = [1], strides = [1]} : vector<16xf32> to vector<1xf32>
    %squeeze3A_204 = vector.extract %slice3A_203[0] : f32 from vector<1xf32>
    %slice3A_205 = vector.extract_strided_slice %get3A_195 {offsets = [1], sizes = [1], strides = [1]} : vector<16xf32> to vector<1xf32>
    %squeeze3A_206 = vector.extract %slice3A_205[0] : f32 from vector<1xf32>
    %mul3A_207 = arith.mulf %squeeze3A_204, %squeeze3A_206 : f32
    %add3A_208 = arith.addf %mul3A_202, %mul3A_207 : f32
    %slice3A_209 = vector.extract_strided_slice %get3A_193 {offsets = [11], sizes = [1], strides = [1]} : vector<16xf32> to vector<1xf32>
    %squeeze3A_210 = vector.extract %slice3A_209[0] : f32 from vector<1xf32>
    %slice3A_211 = vector.extract_strided_slice %get3A_195 {offsets = [2], sizes = [1], strides = [1]} : vector<16xf32> to vector<1xf32>
    %squeeze3A_212 = vector.extract %slice3A_211[0] : f32 from vector<1xf32>
    %mul3A_213 = arith.mulf %squeeze3A_210, %squeeze3A_212 : f32
    %add3A_214 = arith.addf %add3A_208, %mul3A_213 : f32
    %slice3A_215 = vector.extract_strided_slice %get3A_193 {offsets = [12], sizes = [1], strides = [1]} : vector<16xf32> to vector<1xf32>
    %squeeze3A_216 = vector.extract %slice3A_215[0] : f32 from vector<1xf32>
    %slice3A_217 = vector.extract_strided_slice %get3A_195 {offsets = [3], sizes = [1], strides = [1]} : vector<16xf32> to vector<1xf32>
    %squeeze3A_218 = vector.extract %slice3A_217[0] : f32 from vector<1xf32>
    %mul3A_219 = arith.mulf %squeeze3A_216, %squeeze3A_218 : f32
    %add3A_220 = arith.addf %add3A_214, %mul3A_219 : f32
    %slice3A_221 = vector.extract_strided_slice %get3A_193 {offsets = [9], sizes = [1], strides = [1]} : vector<16xf32> to vector<1xf32>
    %squeeze3A_222 = vector.extract %slice3A_221[0] : f32 from vector<1xf32>
    %slice3A_223 = vector.extract_strided_slice %get3A_197 {offsets = [0], sizes = [1], strides = [1]} : vector<16xf32> to vector<1xf32>
    %squeeze3A_224 = vector.extract %slice3A_223[0] : f32 from vector<1xf32>
    %mul3A_225 = arith.mulf %squeeze3A_222, %squeeze3A_224 : f32
    %slice3A_226 = vector.extract_strided_slice %get3A_193 {offsets = [10], sizes = [1], strides = [1]} : vector<16xf32> to vector<1xf32>
    %squeeze3A_227 = vector.extract %slice3A_226[0] : f32 from vector<1xf32>
    %slice3A_228 = vector.extract_strided_slice %get3A_197 {offsets = [1], sizes = [1], strides = [1]} : vector<16xf32> to vector<1xf32>
    %squeeze3A_229 = vector.extract %slice3A_228[0] : f32 from vector<1xf32>
    %mul3A_230 = arith.mulf %squeeze3A_227, %squeeze3A_229 : f32
    %add3A_231 = arith.addf %mul3A_225, %mul3A_230 : f32
    %slice3A_232 = vector.extract_strided_slice %get3A_193 {offsets = [11], sizes = [1], strides = [1]} : vector<16xf32> to vector<1xf32>
    %squeeze3A_233 = vector.extract %slice3A_232[0] : f32 from vector<1xf32>
    %slice3A_234 = vector.extract_strided_slice %get3A_197 {offsets = [2], sizes = [1], strides = [1]} : vector<16xf32> to vector<1xf32>
    %squeeze3A_235 = vector.extract %slice3A_234[0] : f32 from vector<1xf32>
    %mul3A_236 = arith.mulf %squeeze3A_233, %squeeze3A_235 : f32
    %add3A_237 = arith.addf %add3A_231, %mul3A_236 : f32
    %slice3A_238 = vector.extract_strided_slice %get3A_193 {offsets = [12], sizes = [1], strides = [1]} : vector<16xf32> to vector<1xf32>
    %squeeze3A_239 = vector.extract %slice3A_238[0] : f32 from vector<1xf32>
    %slice3A_240 = vector.extract_strided_slice %get3A_197 {offsets = [3], sizes = [1], strides = [1]} : vector<16xf32> to vector<1xf32>
    %squeeze3A_241 = vector.extract %slice3A_240[0] : f32 from vector<1xf32>
    %mul3A_242 = arith.mulf %squeeze3A_239, %squeeze3A_241 : f32
    %add3A_243 = arith.addf %add3A_237, %mul3A_242 : f32
    %slice3A_244 = vector.extract_strided_slice %get3A_193 {offsets = [13], sizes = [1], strides = [1]} : vector<16xf32> to vector<1xf32>
    %squeeze3A_245 = vector.extract %slice3A_244[0] : f32 from vector<1xf32>
    %add3A_246 = arith.addf %add3A_243, %squeeze3A_245 : f32
    %iota3A = tpu.iota {dimensions = array<i32: 0>} : vector<16xi32>
    %scan3A = arith.constant 0 : i32
    %scan3A_247 = arith.constant 0 : i32
    %scan3A_248 = arith.constant 32 : i32
    %scan3A_249 = arith.addi %scan3A_247, %scan3A_248 : i32
    %scan3A_250 = arith.constant 1 : i32
    scf.for %scan3A_252 = %scan3A_247 to %scan3A_249 step %scan3A_250  : i32 {
      %mul3A_253 = arith.constant 16 : i32
      %mul3A_254 = arith.muli %scan3A_252, %mul3A_253 : i32
      %multiple_of3A = tpu.assume_multiple %mul3A_254, 16 : i32
      %add3A_255 = arith.constant 0 : i32
      %add3A_256 = arith.addi %multiple_of3A, %add3A_255 : i32
      %get3A_257 = arith.index_cast %add3A_256 : i32 to index
      %get3A_258 = arith.constant 0 : index
      %get3A_259 = tpu.vector_load %arg17[%get3A_257, %get3A_258] {strides = array<i32>} : memref<512x64xbf16, #tpu.memory_space<vmem>>, vector<32xbf16>,
      %unpack3A = tpu.unpack_subelements %get3A_259, 0 {pack_format = #tpu.pack_format<interleaved>} : vector<32xbf16> -> vector<16xf32>
      %unpack3A_260 = tpu.unpack_subelements %get3A_259, 1 {pack_format = #tpu.pack_format<interleaved>} : vector<32xbf16> -> vector<16xf32>
      %get3A_261 = arith.index_cast %add3A_256 : i32 to index
      %get3A_262 = arith.constant 0 : index
      %get3A_263 = tpu.vector_load %arg18[%get3A_261, %get3A_262] {strides = array<i32>} : memref<512x64xbf16, #tpu.memory_space<vmem>>, vector<32xbf16>,
      %unpack3A_264 = tpu.unpack_subelements %get3A_263, 0 {pack_format = #tpu.pack_format<interleaved>} : vector<32xbf16> -> vector<16xf32>
      %unpack3A_265 = tpu.unpack_subelements %get3A_263, 1 {pack_format = #tpu.pack_format<interleaved>} : vector<32xbf16> -> vector<16xf32>
      %mul3A_266 = arith.mulf %unpack3A, %unpack3A_264 : vector<16xf32>
      %mul3A_267 = arith.mulf %unpack3A_260, %unpack3A_265 : vector<16xf32>
      %add3A_268 = arith.addf %mul3A_266, %mul3A_267 : vector<16xf32>
      %get3A_269 = arith.index_cast %add3A_256 : i32 to index
      %get3A_270 = arith.constant 32 : index
      %get3A_271 = tpu.vector_load %arg17[%get3A_269, %get3A_270] {strides = array<i32>} : memref<512x64xbf16, #tpu.memory_space<vmem>>, vector<32xbf16>,
      %unpack3A_272 = tpu.unpack_subelements %get3A_271, 0 {pack_format = #tpu.pack_format<interleaved>} : vector<32xbf16> -> vector<16xf32>
      %unpack3A_273 = tpu.unpack_subelements %get3A_271, 1 {pack_format = #tpu.pack_format<interleaved>} : vector<32xbf16> -> vector<16xf32>
      %get3A_274 = arith.index_cast %add3A_256 : i32 to index
      %get3A_275 = arith.constant 32 : index
      %get3A_276 = tpu.vector_load %arg18[%get3A_274, %get3A_275] {strides = array<i32>} : memref<512x64xbf16, #tpu.memory_space<vmem>>, vector<32xbf16>,
      %unpack3A_277 = tpu.unpack_subelements %get3A_276, 0 {pack_format = #tpu.pack_format<interleaved>} : vector<32xbf16> -> vector<16xf32>
      %unpack3A_278 = tpu.unpack_subelements %get3A_276, 1 {pack_format = #tpu.pack_format<interleaved>} : vector<32xbf16> -> vector<16xf32>
      %mul3A_279 = arith.mulf %unpack3A_272, %unpack3A_277 : vector<16xf32>
      %add3A_280 = arith.addf %add3A_268, %mul3A_279 : vector<16xf32>
      %mul3A_281 = arith.mulf %unpack3A_273, %unpack3A_278 : vector<16xf32>
      %add3A_282 = arith.addf %add3A_280, %mul3A_281 : vector<16xf32>
      %swap3A = arith.constant 0 : i32
      %swap3A_283 = arith.index_cast %swap3A : i32 to index
      %swap3A_284 = arith.constant 0 : index
      %swap3A_285 = tpu.vector_load %arg20[%swap3A_283, %swap3A_284] {strides = array<i32>} : memref<16x16xf32, #tpu.memory_space<vmem>>, vector<16xf32>,
      tpu.vector_store %arg20[%swap3A_283, %swap3A_284], %add3A_282 {strides = array<i32>} : memref<16x16xf32, #tpu.memory_space<vmem>>, vector<16xf32>,
      %add3A_286 = arith.constant 1 : i32
      %add3A_287 = arith.addi %multiple_of3A, %add3A_286 : i32
      %get3A_288 = arith.index_cast %add3A_287 : i32 to index
      %get3A_289 = arith.constant 0 : index
      %get3A_290 = tpu.vector_load %arg17[%get3A_288, %get3A_289] {strides = array<i32>} : memref<512x64xbf16, #tpu.memory_space<vmem>>, vector<32xbf16>,
      %unpack3A_291 = tpu.unpack_subelements %get3A_290, 0 {pack_format = #tpu.pack_format<interleaved>} : vector<32xbf16> -> vector<16xf32>
      %unpack3A_292 = tpu.unpack_subelements %get3A_290, 1 {pack_format = #tpu.pack_format<interleaved>} : vector<32xbf16> -> vector<16xf32>
      %get3A_293 = arith.index_cast %add3A_287 : i32 to index
      %get3A_294 = arith.constant 0 : index
      %get3A_295 = tpu.vector_load %arg18[%get3A_293, %get3A_294] {strides = array<i32>} : memref<512x64xbf16, #tpu.memory_space<vmem>>, vector<32xbf16>,
      %unpack3A_296 = tpu.unpack_subelements %get3A_295, 0 {pack_format = #tpu.pack_format<interleaved>} : vector<32xbf16> -> vector<16xf32>
      %unpack3A_297 = tpu.unpack_subelements %get3A_295, 1 {pack_format = #tpu.pack_format<interleaved>} : vector<32xbf16> -> vector<16xf32>
      %mul3A_298 = arith.mulf %unpack3A_291, %unpack3A_296 : vector<16xf32>
      %mul3A_299 = arith.mulf %unpack3A_292, %unpack3A_297 : vector<16xf32>
      %add3A_300 = arith.addf %mul3A_298, %mul3A_299 : vector<16xf32>
      %get3A_301 = arith.index_cast %add3A_287 : i32 to index
      %get3A_302 = arith.constant 32 : index
      %get3A_303 = tpu.vector_load %arg17[%get3A_301, %get3A_302] {strides = array<i32>} : memref<512x64xbf16, #tpu.memory_space<vmem>>, vector<32xbf16>,
      %unpack3A_304 = tpu.unpack_subelements %get3A_303, 0 {pack_format = #tpu.pack_format<interleaved>} : vector<32xbf16> -> vector<16xf32>
      %unpack3A_305 = tpu.unpack_subelements %get3A_303, 1 {pack_format = #tpu.pack_format<interleaved>} : vector<32xbf16> -> vector<16xf32>
      %get3A_306 = arith.index_cast %add3A_287 : i32 to index
      %get3A_307 = arith.constant 32 : index
      %get3A_308 = tpu.vector_load %arg18[%get3A_306, %get3A_307] {strides = array<i32>} : memref<512x64xbf16, #tpu.memory_space<vmem>>, vector<32xbf16>,
      %unpack3A_309 = tpu.unpack_subelements %get3A_308, 0 {pack_format = #tpu.pack_format<interleaved>} : vector<32xbf16> -> vector<16xf32>
      %unpack3A_310 = tpu.unpack_subelements %get3A_308, 1 {pack_format = #tpu.pack_format<interleaved>} : vector<32xbf16> -> vector<16xf32>
      %mul3A_311 = arith.mulf %unpack3A_304, %unpack3A_309 : vector<16xf32>
      %add3A_312 = arith.addf %add3A_300, %mul3A_311 : vector<16xf32>
      %mul3A_313 = arith.mulf %unpack3A_305, %unpack3A_310 : vector<16xf32>
      %add3A_314 = arith.addf %add3A_312, %mul3A_313 : vector<16xf32>
      %swap3A_315 = arith.constant 1 : i32
      %swap3A_316 = arith.index_cast %swap3A_315 : i32 to index
      %swap3A_317 = arith.constant 0 : index
      %swap3A_318 = tpu.vector_load %arg20[%swap3A_316, %swap3A_317] {strides = array<i32>} : memref<16x16xf32, #tpu.memory_space<vmem>>, vector<16xf32>,
      tpu.vector_store %arg20[%swap3A_316, %swap3A_317], %add3A_314 {strides = array<i32>} : memref<16x16xf32, #tpu.memory_space<vmem>>, vector<16xf32>,
      %add3A_319 = arith.constant 2 : i32
      %add3A_320 = arith.addi %multiple_of3A, %add3A_319 : i32
      %get3A_321 = arith.index_cast %add3A_320 : i32 to index
      %get3A_322 = arith.constant 0 : index
      %get3A_323 = tpu.vector_load %arg17[%get3A_321, %get3A_322] {strides = array<i32>} : memref<512x64xbf16, #tpu.memory_space<vmem>>, vector<32xbf16>,
      %unpack3A_324 = tpu.unpack_subelements %get3A_323, 0 {pack_format = #tpu.pack_format<interleaved>} : vector<32xbf16> -> vector<16xf32>
      %unpack3A_325 = tpu.unpack_subelements %get3A_323, 1 {pack_format = #tpu.pack_format<interleaved>} : vector<32xbf16> -> vector<16xf32>
      %get3A_326 = arith.index_cast %add3A_320 : i32 to index
      %get3A_327 = arith.constant 0 : index
      %get3A_328 = tpu.vector_load %arg18[%get3A_326, %get3A_327] {strides = array<i32>} : memref<512x64xbf16, #tpu.memory_space<vmem>>, vector<32xbf16>,
      %unpack3A_329 = tpu.unpack_subelements %get3A_328, 0 {pack_format = #tpu.pack_format<interleaved>} : vector<32xbf16> -> vector<16xf32>
      %unpack3A_330 = tpu.unpack_subelements %get3A_328, 1 {pack_format = #tpu.pack_format<interleaved>} : vector<32xbf16> -> vector<16xf32>
      %mul3A_331 = arith.mulf %unpack3A_324, %unpack3A_329 : vector<16xf32>
      %mul3A_332 = arith.mulf %unpack3A_325, %unpack3A_330 : vector<16xf32>
      %add3A_333 = arith.addf %mul3A_331, %mul3A_332 : vector<16xf32>
      %get3A_334 = arith.index_cast %add3A_320 : i32 to index
      %get3A_335 = arith.constant 32 : index
      %get3A_336 = tpu.vector_load %arg17[%get3A_334, %get3A_335] {strides = array<i32>} : memref<512x64xbf16, #tpu.memory_space<vmem>>, vector<32xbf16>,
      %unpack3A_337 = tpu.unpack_subelements %get3A_336, 0 {pack_format = #tpu.pack_format<interleaved>} : vector<32xbf16> -> vector<16xf32>
      %unpack3A_338 = tpu.unpack_subelements %get3A_336, 1 {pack_format = #tpu.pack_format<interleaved>} : vector<32xbf16> -> vector<16xf32>
      %get3A_339 = arith.index_cast %add3A_320 : i32 to index
      %get3A_340 = arith.constant 32 : index
      %get3A_341 = tpu.vector_load %arg18[%get3A_339, %get3A_340] {strides = array<i32>} : memref<512x64xbf16, #tpu.memory_space<vmem>>, vector<32xbf16>,
      %unpack3A_342 = tpu.unpack_subelements %get3A_341, 0 {pack_format = #tpu.pack_format<interleaved>} : vector<32xbf16> -> vector<16xf32>
      %unpack3A_343 = tpu.unpack_subelements %get3A_341, 1 {pack_format = #tpu.pack_format<interleaved>} : vector<32xbf16> -> vector<16xf32>
      %mul3A_344 = arith.mulf %unpack3A_337, %unpack3A_342 : vector<16xf32>
      %add3A_345 = arith.addf %add3A_333, %mul3A_344 : vector<16xf32>
      %mul3A_346 = arith.mulf %unpack3A_338, %unpack3A_343 : vector<16xf32>
      %add3A_347 = arith.addf %add3A_345, %mul3A_346 : vector<16xf32>
      %swap3A_348 = arith.constant 2 : i32
      %swap3A_349 = arith.index_cast %swap3A_348 : i32 to index
      %swap3A_350 = arith.constant 0 : index
      %swap3A_351 = tpu.vector_load %arg20[%swap3A_349, %swap3A_350] {strides = array<i32>} : memref<16x16xf32, #tpu.memory_space<vmem>>, vector<16xf32>,
      tpu.vector_store %arg20[%swap3A_349, %swap3A_350], %add3A_347 {strides = array<i32>} : memref<16x16xf32, #tpu.memory_space<vmem>>, vector<16xf32>,
      %add3A_352 = arith.constant 3 : i32
      %add3A_353 = arith.addi %multiple_of3A, %add3A_352 : i32
      %get3A_354 = arith.index_cast %add3A_353 : i32 to index
      %get3A_355 = arith.constant 0 : index
      %get3A_356 = tpu.vector_load %arg17[%get3A_354, %get3A_355] {strides = array<i32>} : memref<512x64xbf16, #tpu.memory_space<vmem>>, vector<32xbf16>,
      %unpack3A_357 = tpu.unpack_subelements %get3A_356, 0 {pack_format = #tpu.pack_format<interleaved>} : vector<32xbf16> -> vector<16xf32>
      %unpack3A_358 = tpu.unpack_subelements %get3A_356, 1 {pack_format = #tpu.pack_format<interleaved>} : vector<32xbf16> -> vector<16xf32>
      %get3A_359 = arith.index_cast %add3A_353 : i32 to index
      %get3A_360 = arith.constant 0 : index
      %get3A_361 = tpu.vector_load %arg18[%get3A_359, %get3A_360] {strides = array<i32>} : memref<512x64xbf16, #tpu.memory_space<vmem>>, vector<32xbf16>,
      %unpack3A_362 = tpu.unpack_subelements %get3A_361, 0 {pack_format = #tpu.pack_format<interleaved>} : vector<32xbf16> -> vector<16xf32>
      %unpack3A_363 = tpu.unpack_subelements %get3A_361, 1 {pack_format = #tpu.pack_format<interleaved>} : vector<32xbf16> -> vector<16xf32>
      %mul3A_364 = arith.mulf %unpack3A_357, %unpack3A_362 : vector<16xf32>
      %mul3A_365 = arith.mulf %unpack3A_358, %unpack3A_363 : vector<16xf32>
      %add3A_366 = arith.addf %mul3A_364, %mul3A_365 : vector<16xf32>
      %get3A_367 = arith.index_cast %add3A_353 : i32 to index
      %get3A_368 = arith.constant 32 : index
      %get3A_369 = tpu.vector_load %arg17[%get3A_367, %get3A_368] {strides = array<i32>} : memref<512x64xbf16, #tpu.memory_space<vmem>>, vector<32xbf16>,
      %unpack3A_370 = tpu.unpack_subelements %get3A_369, 0 {pack_format = #tpu.pack_format<interleaved>} : vector<32xbf16> -> vector<16xf32>
      %unpack3A_371 = tpu.unpack_subelements %get3A_369, 1 {pack_format = #tpu.pack_format<interleaved>} : vector<32xbf16> -> vector<16xf32>
      %get3A_372 = arith.index_cast %add3A_353 : i32 to index
      %get3A_373 = arith.constant 32 : index
      %get3A_374 = tpu.vector_load %arg18[%get3A_372, %get3A_373] {strides = array<i32>} : memref<512x64xbf16, #tpu.memory_space<vmem>>, vector<32xbf16>,
      %unpack3A_375 = tpu.unpack_subelements %get3A_374, 0 {pack_format = #tpu.pack_format<interleaved>} : vector<32xbf16> -> vector<16xf32>
      %unpack3A_376 = tpu.unpack_subelements %get3A_374, 1 {pack_format = #tpu.pack_format<interleaved>} : vector<32xbf16> -> vector<16xf32>
      %mul3A_377 = arith.mulf %unpack3A_370, %unpack3A_375 : vector<16xf32>
      %add3A_378 = arith.addf %add3A_366, %mul3A_377 : vector<16xf32>
      %mul3A_379 = arith.mulf %unpack3A_371, %unpack3A_376 : vector<16xf32>
      %add3A_380 = arith.addf %add3A_378, %mul3A_379 : vector<16xf32>
      %swap3A_381 = arith.constant 3 : i32
      %swap3A_382 = arith.index_cast %swap3A_381 : i32 to index
      %swap3A_383 = arith.constant 0 : index
      %swap3A_384 = tpu.vector_load %arg20[%swap3A_382, %swap3A_383] {strides = array<i32>} : memref<16x16xf32, #tpu.memory_space<vmem>>, vector<16xf32>,
      tpu.vector_store %arg20[%swap3A_382, %swap3A_383], %add3A_380 {strides = array<i32>} : memref<16x16xf32, #tpu.memory_space<vmem>>, vector<16xf32>,
      %add3A_385 = arith.constant 4 : i32
      %add3A_386 = arith.addi %multiple_of3A, %add3A_385 : i32
      %get3A_387 = arith.index_cast %add3A_386 : i32 to index
      %get3A_388 = arith.constant 0 : index
      %get3A_389 = tpu.vector_load %arg17[%get3A_387, %get3A_388] {strides = array<i32>} : memref<512x64xbf16, #tpu.memory_space<vmem>>, vector<32xbf16>,
      %unpack3A_390 = tpu.unpack_subelements %get3A_389, 0 {pack_format = #tpu.pack_format<interleaved>} : vector<32xbf16> -> vector<16xf32>
      %unpack3A_391 = tpu.unpack_subelements %get3A_389, 1 {pack_format = #tpu.pack_format<interleaved>} : vector<32xbf16> -> vector<16xf32>
      %get3A_392 = arith.index_cast %add3A_386 : i32 to index
      %get3A_393 = arith.constant 0 : index
      %get3A_394 = tpu.vector_load %arg18[%get3A_392, %get3A_393] {strides = array<i32>} : memref<512x64xbf16, #tpu.memory_space<vmem>>, vector<32xbf16>,
      %unpack3A_395 = tpu.unpack_subelements %get3A_394, 0 {pack_format = #tpu.pack_format<interleaved>} : vector<32xbf16> -> vector<16xf32>
      %unpack3A_396 = tpu.unpack_subelements %get3A_394, 1 {pack_format = #tpu.pack_format<interleaved>} : vector<32xbf16> -> vector<16xf32>
      %mul3A_397 = arith.mulf %unpack3A_390, %unpack3A_395 : vector<16xf32>
      %mul3A_398 = arith.mulf %unpack3A_391, %unpack3A_396 : vector<16xf32>
      %add3A_399 = arith.addf %mul3A_397, %mul3A_398 : vector<16xf32>
      %get3A_400 = arith.index_cast %add3A_386 : i32 to index
      %get3A_401 = arith.constant 32 : index
      %get3A_402 = tpu.vector_load %arg17[%get3A_400, %get3A_401] {strides = array<i32>} : memref<512x64xbf16, #tpu.memory_space<vmem>>, vector<32xbf16>,
      %unpack3A_403 = tpu.unpack_subelements %get3A_402, 0 {pack_format = #tpu.pack_format<interleaved>} : vector<32xbf16> -> vector<16xf32>
      %unpack3A_404 = tpu.unpack_subelements %get3A_402, 1 {pack_format = #tpu.pack_format<interleaved>} : vector<32xbf16> -> vector<16xf32>
      %get3A_405 = arith.index_cast %add3A_386 : i32 to index
      %get3A_406 = arith.constant 32 : index
      %get3A_407 = tpu.vector_load %arg18[%get3A_405, %get3A_406] {strides = array<i32>} : memref<512x64xbf16, #tpu.memory_space<vmem>>, vector<32xbf16>,
      %unpack3A_408 = tpu.unpack_subelements %get3A_407, 0 {pack_format = #tpu.pack_format<interleaved>} : vector<32xbf16> -> vector<16xf32>
      %unpack3A_409 = tpu.unpack_subelements %get3A_407, 1 {pack_format = #tpu.pack_format<interleaved>} : vector<32xbf16> -> vector<16xf32>
      %mul3A_410 = arith.mulf %unpack3A_403, %unpack3A_408 : vector<16xf32>
      %add3A_411 = arith.addf %add3A_399, %mul3A_410 : vector<16xf32>
      %mul3A_412 = arith.mulf %unpack3A_404, %unpack3A_409 : vector<16xf32>
      %add3A_413 = arith.addf %add3A_411, %mul3A_412 : vector<16xf32>
      %swap3A_414 = arith.constant 4 : i32
      %swap3A_415 = arith.index_cast %swap3A_414 : i32 to index
      %swap3A_416 = arith.constant 0 : index
      %swap3A_417 = tpu.vector_load %arg20[%swap3A_415, %swap3A_416] {strides = array<i32>} : memref<16x16xf32, #tpu.memory_space<vmem>>, vector<16xf32>,
      tpu.vector_store %arg20[%swap3A_415, %swap3A_416], %add3A_413 {strides = array<i32>} : memref<16x16xf32, #tpu.memory_space<vmem>>, vector<16xf32>,
      %add3A_418 = arith.constant 5 : i32
      %add3A_419 = arith.addi %multiple_of3A, %add3A_418 : i32
      %get3A_420 = arith.index_cast %add3A_419 : i32 to index
      %get3A_421 = arith.constant 0 : index
      %get3A_422 = tpu.vector_load %arg17[%get3A_420, %get3A_421] {strides = array<i32>} : memref<512x64xbf16, #tpu.memory_space<vmem>>, vector<32xbf16>,
      %unpack3A_423 = tpu.unpack_subelements %get3A_422, 0 {pack_format = #tpu.pack_format<interleaved>} : vector<32xbf16> -> vector<16xf32>
      %unpack3A_424 = tpu.unpack_subelements %get3A_422, 1 {pack_format = #tpu.pack_format<interleaved>} : vector<32xbf16> -> vector<16xf32>
      %get3A_425 = arith.index_cast %add3A_419 : i32 to index
      %get3A_426 = arith.constant 0 : index
      %get3A_427 = tpu.vector_load %arg18[%get3A_425, %get3A_426] {strides = array<i32>} : memref<512x64xbf16, #tpu.memory_space<vmem>>, vector<32xbf16>,
      %unpack3A_428 = tpu.unpack_subelements %get3A_427, 0 {pack_format = #tpu.pack_format<interleaved>} : vector<32xbf16> -> vector<16xf32>
      %unpack3A_429 = tpu.unpack_subelements %get3A_427, 1 {pack_format = #tpu.pack_format<interleaved>} : vector<32xbf16> -> vector<16xf32>
      %mul3A_430 = arith.mulf %unpack3A_423, %unpack3A_428 : vector<16xf32>
      %mul3A_431 = arith.mulf %unpack3A_424, %unpack3A_429 : vector<16xf32>
      %add3A_432 = arith.addf %mul3A_430, %mul3A_431 : vector<16xf32>
      %get3A_433 = arith.index_cast %add3A_419 : i32 to index
      %get3A_434 = arith.constant 32 : index
      %get3A_435 = tpu.vector_load %arg17[%get3A_433, %get3A_434] {strides = array<i32>} : memref<512x64xbf16, #tpu.memory_space<vmem>>, vector<32xbf16>,
      %unpack3A_436 = tpu.unpack_subelements %get3A_435, 0 {pack_format = #tpu.pack_format<interleaved>} : vector<32xbf16> -> vector<16xf32>
      %unpack3A_437 = tpu.unpack_subelements %get3A_435, 1 {pack_format = #tpu.pack_format<interleaved>} : vector<32xbf16> -> vector<16xf32>
      %get3A_438 = arith.index_cast %add3A_419 : i32 to index
      %get3A_439 = arith.constant 32 : index
      %get3A_440 = tpu.vector_load %arg18[%get3A_438, %get3A_439] {strides = array<i32>} : memref<512x64xbf16, #tpu.memory_space<vmem>>, vector<32xbf16>,
      %unpack3A_441 = tpu.unpack_subelements %get3A_440, 0 {pack_format = #tpu.pack_format<interleaved>} : vector<32xbf16> -> vector<16xf32>
      %unpack3A_442 = tpu.unpack_subelements %get3A_440, 1 {pack_format = #tpu.pack_format<interleaved>} : vector<32xbf16> -> vector<16xf32>
      %mul3A_443 = arith.mulf %unpack3A_436, %unpack3A_441 : vector<16xf32>
      %add3A_444 = arith.addf %add3A_432, %mul3A_443 : vector<16xf32>
      %mul3A_445 = arith.mulf %unpack3A_437, %unpack3A_442 : vector<16xf32>
      %add3A_446 = arith.addf %add3A_444, %mul3A_445 : vector<16xf32>
      %swap3A_447 = arith.constant 5 : i32
      %swap3A_448 = arith.index_cast %swap3A_447 : i32 to index
      %swap3A_449 = arith.constant 0 : index
      %swap3A_450 = tpu.vector_load %arg20[%swap3A_448, %swap3A_449] {strides = array<i32>} : memref<16x16xf32, #tpu.memory_space<vmem>>, vector<16xf32>,
      tpu.vector_store %arg20[%swap3A_448, %swap3A_449], %add3A_446 {strides = array<i32>} : memref<16x16xf32, #tpu.memory_space<vmem>>, vector<16xf32>,
      %add3A_451 = arith.constant 6 : i32
      %add3A_452 = arith.addi %multiple_of3A, %add3A_451 : i32
      %get3A_453 = arith.index_cast %add3A_452 : i32 to index
      %get3A_454 = arith.constant 0 : index
      %get3A_455 = tpu.vector_load %arg17[%get3A_453, %get3A_454] {strides = array<i32>} : memref<512x64xbf16, #tpu.memory_space<vmem>>, vector<32xbf16>,
      %unpack3A_456 = tpu.unpack_subelements %get3A_455, 0 {pack_format = #tpu.pack_format<interleaved>} : vector<32xbf16> -> vector<16xf32>
      %unpack3A_457 = tpu.unpack_subelements %get3A_455, 1 {pack_format = #tpu.pack_format<interleaved>} : vector<32xbf16> -> vector<16xf32>
      %get3A_458 = arith.index_cast %add3A_452 : i32 to index
      %get3A_459 = arith.constant 0 : index
      %get3A_460 = tpu.vector_load %arg18[%get3A_458, %get3A_459] {strides = array<i32>} : memref<512x64xbf16, #tpu.memory_space<vmem>>, vector<32xbf16>,
      %unpack3A_461 = tpu.unpack_subelements %get3A_460, 0 {pack_format = #tpu.pack_format<interleaved>} : vector<32xbf16> -> vector<16xf32>
      %unpack3A_462 = tpu.unpack_subelements %get3A_460, 1 {pack_format = #tpu.pack_format<interleaved>} : vector<32xbf16> -> vector<16xf32>
      %mul3A_463 = arith.mulf %unpack3A_456, %unpack3A_461 : vector<16xf32>
      %mul3A_464 = arith.mulf %unpack3A_457, %unpack3A_462 : vector<16xf32>
      %add3A_465 = arith.addf %mul3A_463, %mul3A_464 : vector<16xf32>
      %get3A_466 = arith.index_cast %add3A_452 : i32 to index
      %get3A_467 = arith.constant 32 : index
      %get3A_468 = tpu.vector_load %arg17[%get3A_466, %get3A_467] {strides = array<i32>} : memref<512x64xbf16, #tpu.memory_space<vmem>>, vector<32xbf16>,
      %unpack3A_469 = tpu.unpack_subelements %get3A_468, 0 {pack_format = #tpu.pack_format<interleaved>} : vector<32xbf16> -> vector<16xf32>
      %unpack3A_470 = tpu.unpack_subelements %get3A_468, 1 {pack_format = #tpu.pack_format<interleaved>} : vector<32xbf16> -> vector<16xf32>
      %get3A_471 = arith.index_cast %add3A_452 : i32 to index
      %get3A_472 = arith.constant 32 : index
      %get3A_473 = tpu.vector_load %arg18[%get3A_471, %get3A_472] {strides = array<i32>} : memref<512x64xbf16, #tpu.memory_space<vmem>>, vector<32xbf16>,
      %unpack3A_474 = tpu.unpack_subelements %get3A_473, 0 {pack_format = #tpu.pack_format<interleaved>} : vector<32xbf16> -> vector<16xf32>
      %unpack3A_475 = tpu.unpack_subelements %get3A_473, 1 {pack_format = #tpu.pack_format<interleaved>} : vector<32xbf16> -> vector<16xf32>
      %mul3A_476 = arith.mulf %unpack3A_469, %unpack3A_474 : vector<16xf32>
      %add3A_477 = arith.addf %add3A_465, %mul3A_476 : vector<16xf32>
      %mul3A_478 = arith.mulf %unpack3A_470, %unpack3A_475 : vector<16xf32>
      %add3A_479 = arith.addf %add3A_477, %mul3A_478 : vector<16xf32>
      %swap3A_480 = arith.constant 6 : i32
      %swap3A_481 = arith.index_cast %swap3A_480 : i32 to index
      %swap3A_482 = arith.constant 0 : index
      %swap3A_483 = tpu.vector_load %arg20[%swap3A_481, %swap3A_482] {strides = array<i32>} : memref<16x16xf32, #tpu.memory_space<vmem>>, vector<16xf32>,
      tpu.vector_store %arg20[%swap3A_481, %swap3A_482], %add3A_479 {strides = array<i32>} : memref<16x16xf32, #tpu.memory_space<vmem>>, vector<16xf32>,
      %add3A_484 = arith.constant 7 : i32
      %add3A_485 = arith.addi %multiple_of3A, %add3A_484 : i32
      %get3A_486 = arith.index_cast %add3A_485 : i32 to index
      %get3A_487 = arith.constant 0 : index
      %get3A_488 = tpu.vector_load %arg17[%get3A_486, %get3A_487] {strides = array<i32>} : memref<512x64xbf16, #tpu.memory_space<vmem>>, vector<32xbf16>,
      %unpack3A_489 = tpu.unpack_subelements %get3A_488, 0 {pack_format = #tpu.pack_format<interleaved>} : vector<32xbf16> -> vector<16xf32>
      %unpack3A_490 = tpu.unpack_subelements %get3A_488, 1 {pack_format = #tpu.pack_format<interleaved>} : vector<32xbf16> -> vector<16xf32>
      %get3A_491 = arith.index_cast %add3A_485 : i32 to index
      %get3A_492 = arith.constant 0 : index
      %get3A_493 = tpu.vector_load %arg18[%get3A_491, %get3A_492] {strides = array<i32>} : memref<512x64xbf16, #tpu.memory_space<vmem>>, vector<32xbf16>,
      %unpack3A_494 = tpu.unpack_subelements %get3A_493, 0 {pack_format = #tpu.pack_format<interleaved>} : vector<32xbf16> -> vector<16xf32>
      %unpack3A_495 = tpu.unpack_subelements %get3A_493, 1 {pack_format = #tpu.pack_format<interleaved>} : vector<32xbf16> -> vector<16xf32>
      %mul3A_496 = arith.mulf %unpack3A_489, %unpack3A_494 : vector<16xf32>
      %mul3A_497 = arith.mulf %unpack3A_490, %unpack3A_495 : vector<16xf32>
      %add3A_498 = arith.addf %mul3A_496, %mul3A_497 : vector<16xf32>
      %get3A_499 = arith.index_cast %add3A_485 : i32 to index
      %get3A_500 = arith.constant 32 : index
      %get3A_501 = tpu.vector_load %arg17[%get3A_499, %get3A_500] {strides = array<i32>} : memref<512x64xbf16, #tpu.memory_space<vmem>>, vector<32xbf16>,
      %unpack3A_502 = tpu.unpack_subelements %get3A_501, 0 {pack_format = #tpu.pack_format<interleaved>} : vector<32xbf16> -> vector<16xf32>
      %unpack3A_503 = tpu.unpack_subelements %get3A_501, 1 {pack_format = #tpu.pack_format<interleaved>} : vector<32xbf16> -> vector<16xf32>
      %get3A_504 = arith.index_cast %add3A_485 : i32 to index
      %get3A_505 = arith.constant 32 : index
      %get3A_506 = tpu.vector_load %arg18[%get3A_504, %get3A_505] {strides = array<i32>} : memref<512x64xbf16, #tpu.memory_space<vmem>>, vector<32xbf16>,
      %unpack3A_507 = tpu.unpack_subelements %get3A_506, 0 {pack_format = #tpu.pack_format<interleaved>} : vector<32xbf16> -> vector<16xf32>
      %unpack3A_508 = tpu.unpack_subelements %get3A_506, 1 {pack_format = #tpu.pack_format<interleaved>} : vector<32xbf16> -> vector<16xf32>
      %mul3A_509 = arith.mulf %unpack3A_502, %unpack3A_507 : vector<16xf32>
      %add3A_510 = arith.addf %add3A_498, %mul3A_509 : vector<16xf32>
      %mul3A_511 = arith.mulf %unpack3A_503, %unpack3A_508 : vector<16xf32>
      %add3A_512 = arith.addf %add3A_510, %mul3A_511 : vector<16xf32>
      %swap3A_513 = arith.constant 7 : i32
      %swap3A_514 = arith.index_cast %swap3A_513 : i32 to index
      %swap3A_515 = arith.constant 0 : index
      %swap3A_516 = tpu.vector_load %arg20[%swap3A_514, %swap3A_515] {strides = array<i32>} : memref<16x16xf32, #tpu.memory_space<vmem>>, vector<16xf32>,
      tpu.vector_store %arg20[%swap3A_514, %swap3A_515], %add3A_512 {strides = array<i32>} : memref<16x16xf32, #tpu.memory_space<vmem>>, vector<16xf32>,
      %add3A_517 = arith.constant 8 : i32
      %add3A_518 = arith.addi %multiple_of3A, %add3A_517 : i32
      %get3A_519 = arith.index_cast %add3A_518 : i32 to index
      %get3A_520 = arith.constant 0 : index
      %get3A_521 = tpu.vector_load %arg17[%get3A_519, %get3A_520] {strides = array<i32>} : memref<512x64xbf16, #tpu.memory_space<vmem>>, vector<32xbf16>,
      %unpack3A_522 = tpu.unpack_subelements %get3A_521, 0 {pack_format = #tpu.pack_format<interleaved>} : vector<32xbf16> -> vector<16xf32>
      %unpack3A_523 = tpu.unpack_subelements %get3A_521, 1 {pack_format = #tpu.pack_format<interleaved>} : vector<32xbf16> -> vector<16xf32>
      %get3A_524 = arith.index_cast %add3A_518 : i32 to index
      %get3A_525 = arith.constant 0 : index
      %get3A_526 = tpu.vector_load %arg18[%get3A_524, %get3A_525] {strides = array<i32>} : memref<512x64xbf16, #tpu.memory_space<vmem>>, vector<32xbf16>,
      %unpack3A_527 = tpu.unpack_subelements %get3A_526, 0 {pack_format = #tpu.pack_format<interleaved>} : vector<32xbf16> -> vector<16xf32>
      %unpack3A_528 = tpu.unpack_subelements %get3A_526, 1 {pack_format = #tpu.pack_format<interleaved>} : vector<32xbf16> -> vector<16xf32>
      %mul3A_529 = arith.mulf %unpack3A_522, %unpack3A_527 : vector<16xf32>
      %mul3A_530 = arith.mulf %unpack3A_523, %unpack3A_528 : vector<16xf32>
      %add3A_531 = arith.addf %mul3A_529, %mul3A_530 : vector<16xf32>
      %get3A_532 = arith.index_cast %add3A_518 : i32 to index
      %get3A_533 = arith.constant 32 : index
      %get3A_534 = tpu.vector_load %arg17[%get3A_532, %get3A_533] {strides = array<i32>} : memref<512x64xbf16, #tpu.memory_space<vmem>>, vector<32xbf16>,
      %unpack3A_535 = tpu.unpack_subelements %get3A_534, 0 {pack_format = #tpu.pack_format<interleaved>} : vector<32xbf16> -> vector<16xf32>
      %unpack3A_536 = tpu.unpack_subelements %get3A_534, 1 {pack_format = #tpu.pack_format<interleaved>} : vector<32xbf16> -> vector<16xf32>
      %get3A_537 = arith.index_cast %add3A_518 : i32 to index
      %get3A_538 = arith.constant 32 : index
      %get3A_539 = tpu.vector_load %arg18[%get3A_537, %get3A_538] {strides = array<i32>} : memref<512x64xbf16, #tpu.memory_space<vmem>>, vector<32xbf16>,
      %unpack3A_540 = tpu.unpack_subelements %get3A_539, 0 {pack_format = #tpu.pack_format<interleaved>} : vector<32xbf16> -> vector<16xf32>
      %unpack3A_541 = tpu.unpack_subelements %get3A_539, 1 {pack_format = #tpu.pack_format<interleaved>} : vector<32xbf16> -> vector<16xf32>
      %mul3A_542 = arith.mulf %unpack3A_535, %unpack3A_540 : vector<16xf32>
      %add3A_543 = arith.addf %add3A_531, %mul3A_542 : vector<16xf32>
      %mul3A_544 = arith.mulf %unpack3A_536, %unpack3A_541 : vector<16xf32>
      %add3A_545 = arith.addf %add3A_543, %mul3A_544 : vector<16xf32>
      %swap3A_546 = arith.constant 8 : i32
      %swap3A_547 = arith.index_cast %swap3A_546 : i32 to index
      %swap3A_548 = arith.constant 0 : index
      %swap3A_549 = tpu.vector_load %arg20[%swap3A_547, %swap3A_548] {strides = array<i32>} : memref<16x16xf32, #tpu.memory_space<vmem>>, vector<16xf32>,
      tpu.vector_store %arg20[%swap3A_547, %swap3A_548], %add3A_545 {strides = array<i32>} : memref<16x16xf32, #tpu.memory_space<vmem>>, vector<16xf32>,
      %add3A_550 = arith.constant 9 : i32
      %add3A_551 = arith.addi %multiple_of3A, %add3A_550 : i32
      %get3A_552 = arith.index_cast %add3A_551 : i32 to index
      %get3A_553 = arith.constant 0 : index
      %get3A_554 = tpu.vector_load %arg17[%get3A_552, %get3A_553] {strides = array<i32>} : memref<512x64xbf16, #tpu.memory_space<vmem>>, vector<32xbf16>,
      %unpack3A_555 = tpu.unpack_subelements %get3A_554, 0 {pack_format = #tpu.pack_format<interleaved>} : vector<32xbf16> -> vector<16xf32>
      %unpack3A_556 = tpu.unpack_subelements %get3A_554, 1 {pack_format = #tpu.pack_format<interleaved>} : vector<32xbf16> -> vector<16xf32>
      %get3A_557 = arith.index_cast %add3A_551 : i32 to index
      %get3A_558 = arith.constant 0 : index
      %get3A_559 = tpu.vector_load %arg18[%get3A_557, %get3A_558] {strides = array<i32>} : memref<512x64xbf16, #tpu.memory_space<vmem>>, vector<32xbf16>,
      %unpack3A_560 = tpu.unpack_subelements %get3A_559, 0 {pack_format = #tpu.pack_format<interleaved>} : vector<32xbf16> -> vector<16xf32>
      %unpack3A_561 = tpu.unpack_subelements %get3A_559, 1 {pack_format = #tpu.pack_format<interleaved>} : vector<32xbf16> -> vector<16xf32>
      %mul3A_562 = arith.mulf %unpack3A_555, %unpack3A_560 : vector<16xf32>
      %mul3A_563 = arith.mulf %unpack3A_556, %unpack3A_561 : vector<16xf32>
      %add3A_564 = arith.addf %mul3A_562, %mul3A_563 : vector<16xf32>
      %get3A_565 = arith.index_cast %add3A_551 : i32 to index
      %get3A_566 = arith.constant 32 : index
      %get3A_567 = tpu.vector_load %arg17[%get3A_565, %get3A_566] {strides = array<i32>} : memref<512x64xbf16, #tpu.memory_space<vmem>>, vector<32xbf16>,
      %unpack3A_568 = tpu.unpack_subelements %get3A_567, 0 {pack_format = #tpu.pack_format<interleaved>} : vector<32xbf16> -> vector<16xf32>
      %unpack3A_569 = tpu.unpack_subelements %get3A_567, 1 {pack_format = #tpu.pack_format<interleaved>} : vector<32xbf16> -> vector<16xf32>
      %get3A_570 = arith.index_cast %add3A_551 : i32 to index
      %get3A_571 = arith.constant 32 : index
      %get3A_572 = tpu.vector_load %arg18[%get3A_570, %get3A_571] {strides = array<i32>} : memref<512x64xbf16, #tpu.memory_space<vmem>>, vector<32xbf16>,
      %unpack3A_573 = tpu.unpack_subelements %get3A_572, 0 {pack_format = #tpu.pack_format<interleaved>} : vector<32xbf16> -> vector<16xf32>
      %unpack3A_574 = tpu.unpack_subelements %get3A_572, 1 {pack_format = #tpu.pack_format<interleaved>} : vector<32xbf16> -> vector<16xf32>
      %mul3A_575 = arith.mulf %unpack3A_568, %unpack3A_573 : vector<16xf32>
      %add3A_576 = arith.addf %add3A_564, %mul3A_575 : vector<16xf32>
      %mul3A_577 = arith.mulf %unpack3A_569, %unpack3A_574 : vector<16xf32>
      %add3A_578 = arith.addf %add3A_576, %mul3A_577 : vector<16xf32>
      %swap3A_579 = arith.constant 9 : i32
      %swap3A_580 = arith.index_cast %swap3A_579 : i32 to index
      %swap3A_581 = arith.constant 0 : index
      %swap3A_582 = tpu.vector_load %arg20[%swap3A_580, %swap3A_581] {strides = array<i32>} : memref<16x16xf32, #tpu.memory_space<vmem>>, vector<16xf32>,
      tpu.vector_store %arg20[%swap3A_580, %swap3A_581], %add3A_578 {strides = array<i32>} : memref<16x16xf32, #tpu.memory_space<vmem>>, vector<16xf32>,
      %add3A_583 = arith.constant 10 : i32
      %add3A_584 = arith.addi %multiple_of3A, %add3A_583 : i32
      %get3A_585 = arith.index_cast %add3A_584 : i32 to index
      %get3A_586 = arith.constant 0 : index
      %get3A_587 = tpu.vector_load %arg17[%get3A_585, %get3A_586] {strides = array<i32>} : memref<512x64xbf16, #tpu.memory_space<vmem>>, vector<32xbf16>,
      %unpack3A_588 = tpu.unpack_subelements %get3A_587, 0 {pack_format = #tpu.pack_format<interleaved>} : vector<32xbf16> -> vector<16xf32>
      %unpack3A_589 = tpu.unpack_subelements %get3A_587, 1 {pack_format = #tpu.pack_format<interleaved>} : vector<32xbf16> -> vector<16xf32>
      %get3A_590 = arith.index_cast %add3A_584 : i32 to index
      %get3A_591 = arith.constant 0 : index
      %get3A_592 = tpu.vector_load %arg18[%get3A_590, %get3A_591] {strides = array<i32>} : memref<512x64xbf16, #tpu.memory_space<vmem>>, vector<32xbf16>,
      %unpack3A_593 = tpu.unpack_subelements %get3A_592, 0 {pack_format = #tpu.pack_format<interleaved>} : vector<32xbf16> -> vector<16xf32>
      %unpack3A_594 = tpu.unpack_subelements %get3A_592, 1 {pack_format = #tpu.pack_format<interleaved>} : vector<32xbf16> -> vector<16xf32>
      %mul3A_595 = arith.mulf %unpack3A_588, %unpack3A_593 : vector<16xf32>
      %mul3A_596 = arith.mulf %unpack3A_589, %unpack3A_594 : vector<16xf32>
      %add3A_597 = arith.addf %mul3A_595, %mul3A_596 : vector<16xf32>
      %get3A_598 = arith.index_cast %add3A_584 : i32 to index
      %get3A_599 = arith.constant 32 : index
      %get3A_600 = tpu.vector_load %arg17[%get3A_598, %get3A_599] {strides = array<i32>} : memref<512x64xbf16, #tpu.memory_space<vmem>>, vector<32xbf16>,
      %unpack3A_601 = tpu.unpack_subelements %get3A_600, 0 {pack_format = #tpu.pack_format<interleaved>} : vector<32xbf16> -> vector<16xf32>
      %unpack3A_602 = tpu.unpack_subelements %get3A_600, 1 {pack_format = #tpu.pack_format<interleaved>} : vector<32xbf16> -> vector<16xf32>
      %get3A_603 = arith.index_cast %add3A_584 : i32 to index
      %get3A_604 = arith.constant 32 : index
      %get3A_605 = tpu.vector_load %arg18[%get3A_603, %get3A_604] {strides = array<i32>} : memref<512x64xbf16, #tpu.memory_space<vmem>>, vector<32xbf16>,
      %unpack3A_606 = tpu.unpack_subelements %get3A_605, 0 {pack_format = #tpu.pack_format<interleaved>} : vector<32xbf16> -> vector<16xf32>
      %unpack3A_607 = tpu.unpack_subelements %get3A_605, 1 {pack_format = #tpu.pack_format<interleaved>} : vector<32xbf16> -> vector<16xf32>
      %mul3A_608 = arith.mulf %unpack3A_601, %unpack3A_606 : vector<16xf32>
      %add3A_609 = arith.addf %add3A_597, %mul3A_608 : vector<16xf32>
      %mul3A_610 = arith.mulf %unpack3A_602, %unpack3A_607 : vector<16xf32>
      %add3A_611 = arith.addf %add3A_609, %mul3A_610 : vector<16xf32>
      %swap3A_612 = arith.constant 10 : i32
      %swap3A_613 = arith.index_cast %swap3A_612 : i32 to index
      %swap3A_614 = arith.constant 0 : index
      %swap3A_615 = tpu.vector_load %arg20[%swap3A_613, %swap3A_614] {strides = array<i32>} : memref<16x16xf32, #tpu.memory_space<vmem>>, vector<16xf32>,
      tpu.vector_store %arg20[%swap3A_613, %swap3A_614], %add3A_611 {strides = array<i32>} : memref<16x16xf32, #tpu.memory_space<vmem>>, vector<16xf32>,
      %add3A_616 = arith.constant 11 : i32
      %add3A_617 = arith.addi %multiple_of3A, %add3A_616 : i32
      %get3A_618 = arith.index_cast %add3A_617 : i32 to index
      %get3A_619 = arith.constant 0 : index
      %get3A_620 = tpu.vector_load %arg17[%get3A_618, %get3A_619] {strides = array<i32>} : memref<512x64xbf16, #tpu.memory_space<vmem>>, vector<32xbf16>,
      %unpack3A_621 = tpu.unpack_subelements %get3A_620, 0 {pack_format = #tpu.pack_format<interleaved>} : vector<32xbf16> -> vector<16xf32>
      %unpack3A_622 = tpu.unpack_subelements %get3A_620, 1 {pack_format = #tpu.pack_format<interleaved>} : vector<32xbf16> -> vector<16xf32>
      %get3A_623 = arith.index_cast %add3A_617 : i32 to index
      %get3A_624 = arith.constant 0 : index
      %get3A_625 = tpu.vector_load %arg18[%get3A_623, %get3A_624] {strides = array<i32>} : memref<512x64xbf16, #tpu.memory_space<vmem>>, vector<32xbf16>,
      %unpack3A_626 = tpu.unpack_subelements %get3A_625, 0 {pack_format = #tpu.pack_format<interleaved>} : vector<32xbf16> -> vector<16xf32>
      %unpack3A_627 = tpu.unpack_subelements %get3A_625, 1 {pack_format = #tpu.pack_format<interleaved>} : vector<32xbf16> -> vector<16xf32>
      %mul3A_628 = arith.mulf %unpack3A_621, %unpack3A_626 : vector<16xf32>
      %mul3A_629 = arith.mulf %unpack3A_622, %unpack3A_627 : vector<16xf32>
      %add3A_630 = arith.addf %mul3A_628, %mul3A_629 : vector<16xf32>
      %get3A_631 = arith.index_cast %add3A_617 : i32 to index
      %get3A_632 = arith.constant 32 : index
      %get3A_633 = tpu.vector_load %arg17[%get3A_631, %get3A_632] {strides = array<i32>} : memref<512x64xbf16, #tpu.memory_space<vmem>>, vector<32xbf16>,
      %unpack3A_634 = tpu.unpack_subelements %get3A_633, 0 {pack_format = #tpu.pack_format<interleaved>} : vector<32xbf16> -> vector<16xf32>
      %unpack3A_635 = tpu.unpack_subelements %get3A_633, 1 {pack_format = #tpu.pack_format<interleaved>} : vector<32xbf16> -> vector<16xf32>
      %get3A_636 = arith.index_cast %add3A_617 : i32 to index
      %get3A_637 = arith.constant 32 : index
      %get3A_638 = tpu.vector_load %arg18[%get3A_636, %get3A_637] {strides = array<i32>} : memref<512x64xbf16, #tpu.memory_space<vmem>>, vector<32xbf16>,
      %unpack3A_639 = tpu.unpack_subelements %get3A_638, 0 {pack_format = #tpu.pack_format<interleaved>} : vector<32xbf16> -> vector<16xf32>
      %unpack3A_640 = tpu.unpack_subelements %get3A_638, 1 {pack_format = #tpu.pack_format<interleaved>} : vector<32xbf16> -> vector<16xf32>
      %mul3A_641 = arith.mulf %unpack3A_634, %unpack3A_639 : vector<16xf32>
      %add3A_642 = arith.addf %add3A_630, %mul3A_641 : vector<16xf32>
      %mul3A_643 = arith.mulf %unpack3A_635, %unpack3A_640 : vector<16xf32>
      %add3A_644 = arith.addf %add3A_642, %mul3A_643 : vector<16xf32>
      %swap3A_645 = arith.constant 11 : i32
      %swap3A_646 = arith.index_cast %swap3A_645 : i32 to index
      %swap3A_647 = arith.constant 0 : index
      %swap3A_648 = tpu.vector_load %arg20[%swap3A_646, %swap3A_647] {strides = array<i32>} : memref<16x16xf32, #tpu.memory_space<vmem>>, vector<16xf32>,
      tpu.vector_store %arg20[%swap3A_646, %swap3A_647], %add3A_644 {strides = array<i32>} : memref<16x16xf32, #tpu.memory_space<vmem>>, vector<16xf32>,
      %add3A_649 = arith.constant 12 : i32
      %add3A_650 = arith.addi %multiple_of3A, %add3A_649 : i32
      %get3A_651 = arith.index_cast %add3A_650 : i32 to index
      %get3A_652 = arith.constant 0 : index
      %get3A_653 = tpu.vector_load %arg17[%get3A_651, %get3A_652] {strides = array<i32>} : memref<512x64xbf16, #tpu.memory_space<vmem>>, vector<32xbf16>,
      %unpack3A_654 = tpu.unpack_subelements %get3A_653, 0 {pack_format = #tpu.pack_format<interleaved>} : vector<32xbf16> -> vector<16xf32>
      %unpack3A_655 = tpu.unpack_subelements %get3A_653, 1 {pack_format = #tpu.pack_format<interleaved>} : vector<32xbf16> -> vector<16xf32>
      %get3A_656 = arith.index_cast %add3A_650 : i32 to index
      %get3A_657 = arith.constant 0 : index
      %get3A_658 = tpu.vector_load %arg18[%get3A_656, %get3A_657] {strides = array<i32>} : memref<512x64xbf16, #tpu.memory_space<vmem>>, vector<32xbf16>,
      %unpack3A_659 = tpu.unpack_subelements %get3A_658, 0 {pack_format = #tpu.pack_format<interleaved>} : vector<32xbf16> -> vector<16xf32>
      %unpack3A_660 = tpu.unpack_subelements %get3A_658, 1 {pack_format = #tpu.pack_format<interleaved>} : vector<32xbf16> -> vector<16xf32>
      %mul3A_661 = arith.mulf %unpack3A_654, %unpack3A_659 : vector<16xf32>
      %mul3A_662 = arith.mulf %unpack3A_655, %unpack3A_660 : vector<16xf32>
      %add3A_663 = arith.addf %mul3A_661, %mul3A_662 : vector<16xf32>
      %get3A_664 = arith.index_cast %add3A_650 : i32 to index
      %get3A_665 = arith.constant 32 : index
      %get3A_666 = tpu.vector_load %arg17[%get3A_664, %get3A_665] {strides = array<i32>} : memref<512x64xbf16, #tpu.memory_space<vmem>>, vector<32xbf16>,
      %unpack3A_667 = tpu.unpack_subelements %get3A_666, 0 {pack_format = #tpu.pack_format<interleaved>} : vector<32xbf16> -> vector<16xf32>
      %unpack3A_668 = tpu.unpack_subelements %get3A_666, 1 {pack_format = #tpu.pack_format<interleaved>} : vector<32xbf16> -> vector<16xf32>
      %get3A_669 = arith.index_cast %add3A_650 : i32 to index
      %get3A_670 = arith.constant 32 : index
      %get3A_671 = tpu.vector_load %arg18[%get3A_669, %get3A_670] {strides = array<i32>} : memref<512x64xbf16, #tpu.memory_space<vmem>>, vector<32xbf16>,
      %unpack3A_672 = tpu.unpack_subelements %get3A_671, 0 {pack_format = #tpu.pack_format<interleaved>} : vector<32xbf16> -> vector<16xf32>
      %unpack3A_673 = tpu.unpack_subelements %get3A_671, 1 {pack_format = #tpu.pack_format<interleaved>} : vector<32xbf16> -> vector<16xf32>
      %mul3A_674 = arith.mulf %unpack3A_667, %unpack3A_672 : vector<16xf32>
      %add3A_675 = arith.addf %add3A_663, %mul3A_674 : vector<16xf32>
      %mul3A_676 = arith.mulf %unpack3A_668, %unpack3A_673 : vector<16xf32>
      %add3A_677 = arith.addf %add3A_675, %mul3A_676 : vector<16xf32>
      %swap3A_678 = arith.constant 12 : i32
      %swap3A_679 = arith.index_cast %swap3A_678 : i32 to index
      %swap3A_680 = arith.constant 0 : index
      %swap3A_681 = tpu.vector_load %arg20[%swap3A_679, %swap3A_680] {strides = array<i32>} : memref<16x16xf32, #tpu.memory_space<vmem>>, vector<16xf32>,
      tpu.vector_store %arg20[%swap3A_679, %swap3A_680], %add3A_677 {strides = array<i32>} : memref<16x16xf32, #tpu.memory_space<vmem>>, vector<16xf32>,
      %add3A_682 = arith.constant 13 : i32
      %add3A_683 = arith.addi %multiple_of3A, %add3A_682 : i32
      %get3A_684 = arith.index_cast %add3A_683 : i32 to index
      %get3A_685 = arith.constant 0 : index
      %get3A_686 = tpu.vector_load %arg17[%get3A_684, %get3A_685] {strides = array<i32>} : memref<512x64xbf16, #tpu.memory_space<vmem>>, vector<32xbf16>,
      %unpack3A_687 = tpu.unpack_subelements %get3A_686, 0 {pack_format = #tpu.pack_format<interleaved>} : vector<32xbf16> -> vector<16xf32>
      %unpack3A_688 = tpu.unpack_subelements %get3A_686, 1 {pack_format = #tpu.pack_format<interleaved>} : vector<32xbf16> -> vector<16xf32>
      %get3A_689 = arith.index_cast %add3A_683 : i32 to index
      %get3A_690 = arith.constant 0 : index
      %get3A_691 = tpu.vector_load %arg18[%get3A_689, %get3A_690] {strides = array<i32>} : memref<512x64xbf16, #tpu.memory_space<vmem>>, vector<32xbf16>,
      %unpack3A_692 = tpu.unpack_subelements %get3A_691, 0 {pack_format = #tpu.pack_format<interleaved>} : vector<32xbf16> -> vector<16xf32>
      %unpack3A_693 = tpu.unpack_subelements %get3A_691, 1 {pack_format = #tpu.pack_format<interleaved>} : vector<32xbf16> -> vector<16xf32>
      %mul3A_694 = arith.mulf %unpack3A_687, %unpack3A_692 : vector<16xf32>
      %mul3A_695 = arith.mulf %unpack3A_688, %unpack3A_693 : vector<16xf32>
      %add3A_696 = arith.addf %mul3A_694, %mul3A_695 : vector<16xf32>
      %get3A_697 = arith.index_cast %add3A_683 : i32 to index
      %get3A_698 = arith.constant 32 : index
      %get3A_699 = tpu.vector_load %arg17[%get3A_697, %get3A_698] {strides = array<i32>} : memref<512x64xbf16, #tpu.memory_space<vmem>>, vector<32xbf16>,
      %unpack3A_700 = tpu.unpack_subelements %get3A_699, 0 {pack_format = #tpu.pack_format<interleaved>} : vector<32xbf16> -> vector<16xf32>
      %unpack3A_701 = tpu.unpack_subelements %get3A_699, 1 {pack_format = #tpu.pack_format<interleaved>} : vector<32xbf16> -> vector<16xf32>
      %get3A_702 = arith.index_cast %add3A_683 : i32 to index
      %get3A_703 = arith.constant 32 : index
      %get3A_704 = tpu.vector_load %arg18[%get3A_702, %get3A_703] {strides = array<i32>} : memref<512x64xbf16, #tpu.memory_space<vmem>>, vector<32xbf16>,
      %unpack3A_705 = tpu.unpack_subelements %get3A_704, 0 {pack_format = #tpu.pack_format<interleaved>} : vector<32xbf16> -> vector<16xf32>
      %unpack3A_706 = tpu.unpack_subelements %get3A_704, 1 {pack_format = #tpu.pack_format<interleaved>} : vector<32xbf16> -> vector<16xf32>
      %mul3A_707 = arith.mulf %unpack3A_700, %unpack3A_705 : vector<16xf32>
      %add3A_708 = arith.addf %add3A_696, %mul3A_707 : vector<16xf32>
      %mul3A_709 = arith.mulf %unpack3A_701, %unpack3A_706 : vector<16xf32>
      %add3A_710 = arith.addf %add3A_708, %mul3A_709 : vector<16xf32>
      %swap3A_711 = arith.constant 13 : i32
      %swap3A_712 = arith.index_cast %swap3A_711 : i32 to index
      %swap3A_713 = arith.constant 0 : index
      %swap3A_714 = tpu.vector_load %arg20[%swap3A_712, %swap3A_713] {strides = array<i32>} : memref<16x16xf32, #tpu.memory_space<vmem>>, vector<16xf32>,
      tpu.vector_store %arg20[%swap3A_712, %swap3A_713], %add3A_710 {strides = array<i32>} : memref<16x16xf32, #tpu.memory_space<vmem>>, vector<16xf32>,
      %add3A_715 = arith.constant 14 : i32
      %add3A_716 = arith.addi %multiple_of3A, %add3A_715 : i32
      %get3A_717 = arith.index_cast %add3A_716 : i32 to index
      %get3A_718 = arith.constant 0 : index
      %get3A_719 = tpu.vector_load %arg17[%get3A_717, %get3A_718] {strides = array<i32>} : memref<512x64xbf16, #tpu.memory_space<vmem>>, vector<32xbf16>,
      %unpack3A_720 = tpu.unpack_subelements %get3A_719, 0 {pack_format = #tpu.pack_format<interleaved>} : vector<32xbf16> -> vector<16xf32>
      %unpack3A_721 = tpu.unpack_subelements %get3A_719, 1 {pack_format = #tpu.pack_format<interleaved>} : vector<32xbf16> -> vector<16xf32>
      %get3A_722 = arith.index_cast %add3A_716 : i32 to index
      %get3A_723 = arith.constant 0 : index
      %get3A_724 = tpu.vector_load %arg18[%get3A_722, %get3A_723] {strides = array<i32>} : memref<512x64xbf16, #tpu.memory_space<vmem>>, vector<32xbf16>,
      %unpack3A_725 = tpu.unpack_subelements %get3A_724, 0 {pack_format = #tpu.pack_format<interleaved>} : vector<32xbf16> -> vector<16xf32>
      %unpack3A_726 = tpu.unpack_subelements %get3A_724, 1 {pack_format = #tpu.pack_format<interleaved>} : vector<32xbf16> -> vector<16xf32>
      %mul3A_727 = arith.mulf %unpack3A_720, %unpack3A_725 : vector<16xf32>
      %mul3A_728 = arith.mulf %unpack3A_721, %unpack3A_726 : vector<16xf32>
      %add3A_729 = arith.addf %mul3A_727, %mul3A_728 : vector<16xf32>
      %get3A_730 = arith.index_cast %add3A_716 : i32 to index
      %get3A_731 = arith.constant 32 : index
      %get3A_732 = tpu.vector_load %arg17[%get3A_730, %get3A_731] {strides = array<i32>} : memref<512x64xbf16, #tpu.memory_space<vmem>>, vector<32xbf16>,
      %unpack3A_733 = tpu.unpack_subelements %get3A_732, 0 {pack_format = #tpu.pack_format<interleaved>} : vector<32xbf16> -> vector<16xf32>
      %unpack3A_734 = tpu.unpack_subelements %get3A_732, 1 {pack_format = #tpu.pack_format<interleaved>} : vector<32xbf16> -> vector<16xf32>
      %get3A_735 = arith.index_cast %add3A_716 : i32 to index
      %get3A_736 = arith.constant 32 : index
      %get3A_737 = tpu.vector_load %arg18[%get3A_735, %get3A_736] {strides = array<i32>} : memref<512x64xbf16, #tpu.memory_space<vmem>>, vector<32xbf16>,
      %unpack3A_738 = tpu.unpack_subelements %get3A_737, 0 {pack_format = #tpu.pack_format<interleaved>} : vector<32xbf16> -> vector<16xf32>
      %unpack3A_739 = tpu.unpack_subelements %get3A_737, 1 {pack_format = #tpu.pack_format<interleaved>} : vector<32xbf16> -> vector<16xf32>
      %mul3A_740 = arith.mulf %unpack3A_733, %unpack3A_738 : vector<16xf32>
      %add3A_741 = arith.addf %add3A_729, %mul3A_740 : vector<16xf32>
      %mul3A_742 = arith.mulf %unpack3A_734, %unpack3A_739 : vector<16xf32>
      %add3A_743 = arith.addf %add3A_741, %mul3A_742 : vector<16xf32>
      %swap3A_744 = arith.constant 14 : i32
      %swap3A_745 = arith.index_cast %swap3A_744 : i32 to index
      %swap3A_746 = arith.constant 0 : index
      %swap3A_747 = tpu.vector_load %arg20[%swap3A_745, %swap3A_746] {strides = array<i32>} : memref<16x16xf32, #tpu.memory_space<vmem>>, vector<16xf32>,
      tpu.vector_store %arg20[%swap3A_745, %swap3A_746], %add3A_743 {strides = array<i32>} : memref<16x16xf32, #tpu.memory_space<vmem>>, vector<16xf32>,
      %add3A_748 = arith.constant 15 : i32
      %add3A_749 = arith.addi %multiple_of3A, %add3A_748 : i32
      %get3A_750 = arith.index_cast %add3A_749 : i32 to index
      %get3A_751 = arith.constant 0 : index
      %get3A_752 = tpu.vector_load %arg17[%get3A_750, %get3A_751] {strides = array<i32>} : memref<512x64xbf16, #tpu.memory_space<vmem>>, vector<32xbf16>,
      %unpack3A_753 = tpu.unpack_subelements %get3A_752, 0 {pack_format = #tpu.pack_format<interleaved>} : vector<32xbf16> -> vector<16xf32>
      %unpack3A_754 = tpu.unpack_subelements %get3A_752, 1 {pack_format = #tpu.pack_format<interleaved>} : vector<32xbf16> -> vector<16xf32>
      %get3A_755 = arith.index_cast %add3A_749 : i32 to index
      %get3A_756 = arith.constant 0 : index
      %get3A_757 = tpu.vector_load %arg18[%get3A_755, %get3A_756] {strides = array<i32>} : memref<512x64xbf16, #tpu.memory_space<vmem>>, vector<32xbf16>,
      %unpack3A_758 = tpu.unpack_subelements %get3A_757, 0 {pack_format = #tpu.pack_format<interleaved>} : vector<32xbf16> -> vector<16xf32>
      %unpack3A_759 = tpu.unpack_subelements %get3A_757, 1 {pack_format = #tpu.pack_format<interleaved>} : vector<32xbf16> -> vector<16xf32>
      %mul3A_760 = arith.mulf %unpack3A_753, %unpack3A_758 : vector<16xf32>
      %mul3A_761 = arith.mulf %unpack3A_754, %unpack3A_759 : vector<16xf32>
      %add3A_762 = arith.addf %mul3A_760, %mul3A_761 : vector<16xf32>
      %get3A_763 = arith.index_cast %add3A_749 : i32 to index
      %get3A_764 = arith.constant 32 : index
      %get3A_765 = tpu.vector_load %arg17[%get3A_763, %get3A_764] {strides = array<i32>} : memref<512x64xbf16, #tpu.memory_space<vmem>>, vector<32xbf16>,
      %unpack3A_766 = tpu.unpack_subelements %get3A_765, 0 {pack_format = #tpu.pack_format<interleaved>} : vector<32xbf16> -> vector<16xf32>
      %unpack3A_767 = tpu.unpack_subelements %get3A_765, 1 {pack_format = #tpu.pack_format<interleaved>} : vector<32xbf16> -> vector<16xf32>
      %get3A_768 = arith.index_cast %add3A_749 : i32 to index
      %get3A_769 = arith.constant 32 : index
      %get3A_770 = tpu.vector_load %arg18[%get3A_768, %get3A_769] {strides = array<i32>} : memref<512x64xbf16, #tpu.memory_space<vmem>>, vector<32xbf16>,
      %unpack3A_771 = tpu.unpack_subelements %get3A_770, 0 {pack_format = #tpu.pack_format<interleaved>} : vector<32xbf16> -> vector<16xf32>
      %unpack3A_772 = tpu.unpack_subelements %get3A_770, 1 {pack_format = #tpu.pack_format<interleaved>} : vector<32xbf16> -> vector<16xf32>
      %mul3A_773 = arith.mulf %unpack3A_766, %unpack3A_771 : vector<16xf32>
      %add3A_774 = arith.addf %add3A_762, %mul3A_773 : vector<16xf32>
      %mul3A_775 = arith.mulf %unpack3A_767, %unpack3A_772 : vector<16xf32>
      %add3A_776 = arith.addf %add3A_774, %mul3A_775 : vector<16xf32>
      %swap3A_777 = arith.constant 15 : i32
      %swap3A_778 = arith.index_cast %swap3A_777 : i32 to index
      %swap3A_779 = arith.constant 0 : index
      %swap3A_780 = tpu.vector_load %arg20[%swap3A_778, %swap3A_779] {strides = array<i32>} : memref<16x16xf32, #tpu.memory_space<vmem>>, vector<16xf32>,
      tpu.vector_store %arg20[%swap3A_778, %swap3A_779], %add3A_776 {strides = array<i32>} : memref<16x16xf32, #tpu.memory_space<vmem>>, vector<16xf32>,
      %broadcast_in_dim3A = arith.constant 0 : i32
      %broadcast_in_dim3A_781 = vector.broadcast %broadcast_in_dim3A : i32 to vector<16xi32>
      %gather3A = tpu.vector_load_idx %arg20[%iota3A, %broadcast_in_dim3A_781] : memref<16x16xf32, #tpu.memory_space<vmem>>[vector<16xi32>, vector<16xi32>], vector<16xf32>,
      %broadcast_in_dim3A_782 = arith.constant 1 : i32
      %broadcast_in_dim3A_783 = vector.broadcast %broadcast_in_dim3A_782 : i32 to vector<16xi32>
      %gather3A_784 = tpu.vector_load_idx %arg20[%iota3A, %broadcast_in_dim3A_783] : memref<16x16xf32, #tpu.memory_space<vmem>>[vector<16xi32>, vector<16xi32>], vector<16xf32>,
      %add3A_785 = arith.addf %gather3A, %gather3A_784 : vector<16xf32>
      %broadcast_in_dim3A_786 = arith.constant 2 : i32
      %broadcast_in_dim3A_787 = vector.broadcast %broadcast_in_dim3A_786 : i32 to vector<16xi32>
      %gather3A_788 = tpu.vector_load_idx %arg20[%iota3A, %broadcast_in_dim3A_787] : memref<16x16xf32, #tpu.memory_space<vmem>>[vector<16xi32>, vector<16xi32>], vector<16xf32>,
      %add3A_789 = arith.addf %add3A_785, %gather3A_788 : vector<16xf32>
      %broadcast_in_dim3A_790 = arith.constant 3 : i32
      %broadcast_in_dim3A_791 = vector.broadcast %broadcast_in_dim3A_790 : i32 to vector<16xi32>
      %gather3A_792 = tpu.vector_load_idx %arg20[%iota3A, %broadcast_in_dim3A_791] : memref<16x16xf32, #tpu.memory_space<vmem>>[vector<16xi32>, vector<16xi32>], vector<16xf32>,
      %add3A_793 = arith.addf %add3A_789, %gather3A_792 : vector<16xf32>
      %broadcast_in_dim3A_794 = arith.constant 4 : i32
      %broadcast_in_dim3A_795 = vector.broadcast %broadcast_in_dim3A_794 : i32 to vector<16xi32>
      %gather3A_796 = tpu.vector_load_idx %arg20[%iota3A, %broadcast_in_dim3A_795] : memref<16x16xf32, #tpu.memory_space<vmem>>[vector<16xi32>, vector<16xi32>], vector<16xf32>,
      %add3A_797 = arith.addf %add3A_793, %gather3A_796 : vector<16xf32>
      %broadcast_in_dim3A_798 = arith.constant 5 : i32
      %broadcast_in_dim3A_799 = vector.broadcast %broadcast_in_dim3A_798 : i32 to vector<16xi32>
      %gather3A_800 = tpu.vector_load_idx %arg20[%iota3A, %broadcast_in_dim3A_799] : memref<16x16xf32, #tpu.memory_space<vmem>>[vector<16xi32>, vector<16xi32>], vector<16xf32>,
      %add3A_801 = arith.addf %add3A_797, %gather3A_800 : vector<16xf32>
      %broadcast_in_dim3A_802 = arith.constant 6 : i32
      %broadcast_in_dim3A_803 = vector.broadcast %broadcast_in_dim3A_802 : i32 to vector<16xi32>
      %gather3A_804 = tpu.vector_load_idx %arg20[%iota3A, %broadcast_in_dim3A_803] : memref<16x16xf32, #tpu.memory_space<vmem>>[vector<16xi32>, vector<16xi32>], vector<16xf32>,
      %add3A_805 = arith.addf %add3A_801, %gather3A_804 : vector<16xf32>
      %broadcast_in_dim3A_806 = arith.constant 7 : i32
      %broadcast_in_dim3A_807 = vector.broadcast %broadcast_in_dim3A_806 : i32 to vector<16xi32>
      %gather3A_808 = tpu.vector_load_idx %arg20[%iota3A, %broadcast_in_dim3A_807] : memref<16x16xf32, #tpu.memory_space<vmem>>[vector<16xi32>, vector<16xi32>], vector<16xf32>,
      %add3A_809 = arith.addf %add3A_805, %gather3A_808 : vector<16xf32>
      %broadcast_in_dim3A_810 = arith.constant 8 : i32
      %broadcast_in_dim3A_811 = vector.broadcast %broadcast_in_dim3A_810 : i32 to vector<16xi32>
      %gather3A_812 = tpu.vector_load_idx %arg20[%iota3A, %broadcast_in_dim3A_811] : memref<16x16xf32, #tpu.memory_space<vmem>>[vector<16xi32>, vector<16xi32>], vector<16xf32>,
      %add3A_813 = arith.addf %add3A_809, %gather3A_812 : vector<16xf32>
      %broadcast_in_dim3A_814 = arith.constant 9 : i32
      %broadcast_in_dim3A_815 = vector.broadcast %broadcast_in_dim3A_814 : i32 to vector<16xi32>
      %gather3A_816 = tpu.vector_load_idx %arg20[%iota3A, %broadcast_in_dim3A_815] : memref<16x16xf32, #tpu.memory_space<vmem>>[vector<16xi32>, vector<16xi32>], vector<16xf32>,
      %add3A_817 = arith.addf %add3A_813, %gather3A_816 : vector<16xf32>
      %broadcast_in_dim3A_818 = arith.constant 10 : i32
      %broadcast_in_dim3A_819 = vector.broadcast %broadcast_in_dim3A_818 : i32 to vector<16xi32>
      %gather3A_820 = tpu.vector_load_idx %arg20[%iota3A, %broadcast_in_dim3A_819] : memref<16x16xf32, #tpu.memory_space<vmem>>[vector<16xi32>, vector<16xi32>], vector<16xf32>,
      %add3A_821 = arith.addf %add3A_817, %gather3A_820 : vector<16xf32>
      %broadcast_in_dim3A_822 = arith.constant 11 : i32
      %broadcast_in_dim3A_823 = vector.broadcast %broadcast_in_dim3A_822 : i32 to vector<16xi32>
      %gather3A_824 = tpu.vector_load_idx %arg20[%iota3A, %broadcast_in_dim3A_823] : memref<16x16xf32, #tpu.memory_space<vmem>>[vector<16xi32>, vector<16xi32>], vector<16xf32>,
      %add3A_825 = arith.addf %add3A_821, %gather3A_824 : vector<16xf32>
      %broadcast_in_dim3A_826 = arith.constant 12 : i32
      %broadcast_in_dim3A_827 = vector.broadcast %broadcast_in_dim3A_826 : i32 to vector<16xi32>
      %gather3A_828 = tpu.vector_load_idx %arg20[%iota3A, %broadcast_in_dim3A_827] : memref<16x16xf32, #tpu.memory_space<vmem>>[vector<16xi32>, vector<16xi32>], vector<16xf32>,
      %add3A_829 = arith.addf %add3A_825, %gather3A_828 : vector<16xf32>
      %broadcast_in_dim3A_830 = arith.constant 13 : i32
      %broadcast_in_dim3A_831 = vector.broadcast %broadcast_in_dim3A_830 : i32 to vector<16xi32>
      %gather3A_832 = tpu.vector_load_idx %arg20[%iota3A, %broadcast_in_dim3A_831] : memref<16x16xf32, #tpu.memory_space<vmem>>[vector<16xi32>, vector<16xi32>], vector<16xf32>,
      %add3A_833 = arith.addf %add3A_829, %gather3A_832 : vector<16xf32>
      %broadcast_in_dim3A_834 = arith.constant 14 : i32
      %broadcast_in_dim3A_835 = vector.broadcast %broadcast_in_dim3A_834 : i32 to vector<16xi32>
      %gather3A_836 = tpu.vector_load_idx %arg20[%iota3A, %broadcast_in_dim3A_835] : memref<16x16xf32, #tpu.memory_space<vmem>>[vector<16xi32>, vector<16xi32>], vector<16xf32>,
      %add3A_837 = arith.addf %add3A_833, %gather3A_836 : vector<16xf32>
      %broadcast_in_dim3A_838 = arith.constant 15 : i32
      %broadcast_in_dim3A_839 = vector.broadcast %broadcast_in_dim3A_838 : i32 to vector<16xi32>
      %gather3A_840 = tpu.vector_load_idx %arg20[%iota3A, %broadcast_in_dim3A_839] : memref<16x16xf32, #tpu.memory_space<vmem>>[vector<16xi32>, vector<16xi32>], vector<16xf32>,
      %add3A_841 = arith.addf %add3A_837, %gather3A_840 : vector<16xf32>
      %add3A_842 = vector.broadcast %multiple_of3A : i32 to vector<16xi32>
      %add3A_843 = arith.addi %add3A_842, %iota3A : vector<16xi32>
      %broadcast_in_dim3A_844 = arith.constant 0.000000e+00 : f32
      %broadcast_in_dim3A_845 = vector.broadcast %broadcast_in_dim3A_844 : f32 to vector<16xf32>
      %broadcast_in_dim3A_846 = arith.constant 0 : i32
      %broadcast_in_dim3A_847 = vector.broadcast %broadcast_in_dim3A_846 : i32 to vector<16xi32>
      %gather3A_848 = tpu.vector_load_idx %arg19[%add3A_843, %broadcast_in_dim3A_847] : memref<512x8xf32, #tpu.memory_space<vmem>>[vector<16xi32>, vector<16xi32>], vector<16xf32>,
      %slice3A_849 = vector.extract_strided_slice %get3A_193 {offsets = [1], sizes = [1], strides = [1]} : vector<16xf32> to vector<1xf32>
      %squeeze3A_850 = vector.extract %slice3A_849[0] : f32 from vector<1xf32>
      %mul3A_851 = vector.broadcast %squeeze3A_850 : f32 to vector<16xf32>
      %mul3A_852 = arith.mulf %gather3A_848, %mul3A_851 : vector<16xf32>
      %add3A_853 = arith.addf %broadcast_in_dim3A_845, %mul3A_852 : vector<16xf32>
      %broadcast_in_dim3A_854 = arith.constant 1 : i32
      %broadcast_in_dim3A_855 = vector.broadcast %broadcast_in_dim3A_854 : i32 to vector<16xi32>
      %gather3A_856 = tpu.vector_load_idx %arg19[%add3A_843, %broadcast_in_dim3A_855] : memref<512x8xf32, #tpu.memory_space<vmem>>[vector<16xi32>, vector<16xi32>], vector<16xf32>,
      %slice3A_857 = vector.extract_strided_slice %get3A_193 {offsets = [2], sizes = [1], strides = [1]} : vector<16xf32> to vector<1xf32>
      %squeeze3A_858 = vector.extract %slice3A_857[0] : f32 from vector<1xf32>
      %mul3A_859 = vector.broadcast %squeeze3A_858 : f32 to vector<16xf32>
      %mul3A_860 = arith.mulf %gather3A_856, %mul3A_859 : vector<16xf32>
      %add3A_861 = arith.addf %add3A_853, %mul3A_860 : vector<16xf32>
      %broadcast_in_dim3A_862 = arith.constant 2 : i32
      %broadcast_in_dim3A_863 = vector.broadcast %broadcast_in_dim3A_862 : i32 to vector<16xi32>
      %gather3A_864 = tpu.vector_load_idx %arg19[%add3A_843, %broadcast_in_dim3A_863] : memref<512x8xf32, #tpu.memory_space<vmem>>[vector<16xi32>, vector<16xi32>], vector<16xf32>,
      %slice3A_865 = vector.extract_strided_slice %get3A_193 {offsets = [3], sizes = [1], strides = [1]} : vector<16xf32> to vector<1xf32>
      %squeeze3A_866 = vector.extract %slice3A_865[0] : f32 from vector<1xf32>
      %mul3A_867 = vector.broadcast %squeeze3A_866 : f32 to vector<16xf32>
      %mul3A_868 = arith.mulf %gather3A_864, %mul3A_867 : vector<16xf32>
      %add3A_869 = arith.addf %add3A_861, %mul3A_868 : vector<16xf32>
      %broadcast_in_dim3A_870 = arith.constant 3 : i32
      %broadcast_in_dim3A_871 = vector.broadcast %broadcast_in_dim3A_870 : i32 to vector<16xi32>
      %gather3A_872 = tpu.vector_load_idx %arg19[%add3A_843, %broadcast_in_dim3A_871] : memref<512x8xf32, #tpu.memory_space<vmem>>[vector<16xi32>, vector<16xi32>], vector<16xf32>,
      %slice3A_873 = vector.extract_strided_slice %get3A_193 {offsets = [4], sizes = [1], strides = [1]} : vector<16xf32> to vector<1xf32>
      %squeeze3A_874 = vector.extract %slice3A_873[0] : f32 from vector<1xf32>
      %mul3A_875 = vector.broadcast %squeeze3A_874 : f32 to vector<16xf32>
      %mul3A_876 = arith.mulf %gather3A_872, %mul3A_875 : vector<16xf32>
      %add3A_877 = arith.addf %add3A_869, %mul3A_876 : vector<16xf32>
      %broadcast_in_dim3A_878 = arith.constant 4 : i32
      %broadcast_in_dim3A_879 = vector.broadcast %broadcast_in_dim3A_878 : i32 to vector<16xi32>
      %gather3A_880 = tpu.vector_load_idx %arg19[%add3A_843, %broadcast_in_dim3A_879] : memref<512x8xf32, #tpu.memory_space<vmem>>[vector<16xi32>, vector<16xi32>], vector<16xf32>,
      %slice3A_881 = vector.extract_strided_slice %get3A_193 {offsets = [5], sizes = [1], strides = [1]} : vector<16xf32> to vector<1xf32>
      %squeeze3A_882 = vector.extract %slice3A_881[0] : f32 from vector<1xf32>
      %mul3A_883 = vector.broadcast %squeeze3A_882 : f32 to vector<16xf32>
      %mul3A_884 = arith.mulf %gather3A_880, %mul3A_883 : vector<16xf32>
      %add3A_885 = arith.addf %add3A_877, %mul3A_884 : vector<16xf32>
      %broadcast_in_dim3A_886 = arith.constant 5 : i32
      %broadcast_in_dim3A_887 = vector.broadcast %broadcast_in_dim3A_886 : i32 to vector<16xi32>
      %gather3A_888 = tpu.vector_load_idx %arg19[%add3A_843, %broadcast_in_dim3A_887] : memref<512x8xf32, #tpu.memory_space<vmem>>[vector<16xi32>, vector<16xi32>], vector<16xf32>,
      %slice3A_889 = vector.extract_strided_slice %get3A_193 {offsets = [6], sizes = [1], strides = [1]} : vector<16xf32> to vector<1xf32>
      %squeeze3A_890 = vector.extract %slice3A_889[0] : f32 from vector<1xf32>
      %mul3A_891 = vector.broadcast %squeeze3A_890 : f32 to vector<16xf32>
      %mul3A_892 = arith.mulf %gather3A_888, %mul3A_891 : vector<16xf32>
      %add3A_893 = arith.addf %add3A_885, %mul3A_892 : vector<16xf32>
      %broadcast_in_dim3A_894 = arith.constant 6 : i32
      %broadcast_in_dim3A_895 = vector.broadcast %broadcast_in_dim3A_894 : i32 to vector<16xi32>
      %gather3A_896 = tpu.vector_load_idx %arg19[%add3A_843, %broadcast_in_dim3A_895] : memref<512x8xf32, #tpu.memory_space<vmem>>[vector<16xi32>, vector<16xi32>], vector<16xf32>,
      %slice3A_897 = vector.extract_strided_slice %get3A_193 {offsets = [7], sizes = [1], strides = [1]} : vector<16xf32> to vector<1xf32>
      %squeeze3A_898 = vector.extract %slice3A_897[0] : f32 from vector<1xf32>
      %mul3A_899 = vector.broadcast %squeeze3A_898 : f32 to vector<16xf32>
      %mul3A_900 = arith.mulf %gather3A_896, %mul3A_899 : vector<16xf32>
      %add3A_901 = arith.addf %add3A_893, %mul3A_900 : vector<16xf32>
      %broadcast_in_dim3A_902 = arith.constant 7 : i32
      %broadcast_in_dim3A_903 = vector.broadcast %broadcast_in_dim3A_902 : i32 to vector<16xi32>
      %gather3A_904 = tpu.vector_load_idx %arg19[%add3A_843, %broadcast_in_dim3A_903] : memref<512x8xf32, #tpu.memory_space<vmem>>[vector<16xi32>, vector<16xi32>], vector<16xf32>,
      %slice3A_905 = vector.extract_strided_slice %get3A_193 {offsets = [8], sizes = [1], strides = [1]} : vector<16xf32> to vector<1xf32>
      %squeeze3A_906 = vector.extract %slice3A_905[0] : f32 from vector<1xf32>
      %mul3A_907 = vector.broadcast %squeeze3A_906 : f32 to vector<16xf32>
      %mul3A_908 = arith.mulf %gather3A_904, %mul3A_907 : vector<16xf32>
      %add3A_909 = arith.addf %add3A_901, %mul3A_908 : vector<16xf32>
      %get3A_910 = arith.index_cast %multiple_of3A : i32 to index
      %get3A_911 = tpu.vector_load %arg16[%get3A_910] {strides = array<i32>} : memref<512xf32, #tpu.memory_space<vmem>>, vector<16xf32>,
      %mul3A_912 = vector.broadcast %squeeze3A : f32 to vector<16xf32>
      %mul3A_913 = arith.mulf %add3A_841, %mul3A_912 : vector<16xf32>
      %add3A_914 = arith.addf %mul3A_913, %add3A_909 : vector<16xf32>
      %mul3A_915 = vector.broadcast %add3A_220 : f32 to vector<16xf32>
      %mul3A_916 = arith.mulf %get3A_911, %mul3A_915 : vector<16xf32>
      %add3A_917 = arith.addf %add3A_914, %mul3A_916 : vector<16xf32>
      %add3A_918 = vector.broadcast %add3A_246 : f32 to vector<16xf32>
      %add3A_919 = arith.addf %add3A_917, %add3A_918 : vector<16xf32>
      %swap3A_920 = arith.index_cast %multiple_of3A : i32 to index
      %swap3A_921 = tpu.vector_load %arg24[%swap3A_920] {strides = array<i32>} : memref<512xf32, #tpu.memory_space<vmem>>, vector<16xf32>,
      tpu.vector_store %arg24[%swap3A_920], %add3A_919 {strides = array<i32>} : memref<512xf32, #tpu.memory_space<vmem>>, vector<16xf32>,
    }
    %scan3A_251 = arith.constant 32 : i32
    "tpu.region"() ({
      %run_scoped3A = tpu.sem_alloc : memref<!tpu.dma_semaphore, #tpu.memory_space<semaphore_mem>>
      %dma_start3A_252 = tpu.memref_slice %arg12[%mul3A_2] : memref<16384xf32, #tpu.memory_space<hbm>> -> memref<512xf32, #tpu.memory_space<hbm>>
      %dma_start3A_253 = tpu.memref_slice %arg12[%mul3A_2] : memref<16384xf32, #tpu.memory_space<hbm>> -> memref<512xf32, #tpu.memory_space<hbm>>
      tpu.enqueue_dma source(%arg24 : memref<512xf32, #tpu.memory_space<vmem>>) target(%dma_start3A_253 : memref<512xf32, #tpu.memory_space<hbm>>) target_semaphore(%run_scoped3A : memref<!tpu.dma_semaphore, #tpu.memory_space<semaphore_mem>>)
      %dma_wait3A_254 = tpu.memref_slice %arg12[%mul3A_2] : memref<16384xf32, #tpu.memory_space<hbm>> -> memref<512xf32, #tpu.memory_space<hbm>>
      %dma_wait3A_255 = tpu.memref_slice %arg12[%mul3A_2] : memref<16384xf32, #tpu.memory_space<hbm>> -> memref<512xf32, #tpu.memory_space<hbm>>
      tpu.wait_dma2 semaphore(%run_scoped3A : memref<!tpu.dma_semaphore, #tpu.memory_space<semaphore_mem>>) src(%arg24 : memref<512xf32, #tpu.memory_space<vmem>>) dst(%dma_wait3A_255 : memref<512xf32, #tpu.memory_space<hbm>>)
      tpu.yield
    }) : () -> ()
    return
  }
}

</mosaic_0001>

<sc_bundles>
// kernel: kernel.3.cloned.1.call-start
scs
__scs_entry_jumppad:
0x0: {  	(pc) =	sbr.rel $0x88, $3  }
0x1: {  	(tag) =	ssettag $0x0;
	lr =	simm.s32 $0x1  }
0x2: {  	[smem:$0x3F96] =	sst lr;
	_ =	strace $0xD0000000  }
0x3: {  	_ = 	snop  }
0x4: {  	_ = 	snop  }
0x5: {  	_ = 	snop  }
0x6: {  	_ = 	snop  }
0x7: {  	_ = 	snop  }
__scs_overlays_trampoline_lowered:
0x8: {  	[smem:$0x3FA5] =	sst s0  }
0x9: {  	[smem:$0x3FA6] =	sst s1  }
0xa: {  	[smem:$0x3FA7] =	sst s2  }
0xb: {  	[smem:$0x3FA8] =	sst s3  }
0xc: {  	[smem:$0x3FA9] =	sst s4  }
0xd: {  	[smem:$0x3FAA] =	sst s5  }
0xe: {  	[smem:$0x3FAB] =	sst s6  }
0xf: {  	[smem:$0x3FAC] =	sst s7  }
0x10: {  	[smem:$0x3FAD] =	sst s8  }
0x11: {  	[smem:$0x3FAE] =	sst s9;
	s0 =	simm.s32 @!p0 $0x0  }
0x12: {  	s1 =	sld [smem:$0x3F94];
	s0 =	simm.s32 @p0 $0x1  }
0x13: {  	[smem:$0x3FAF] =	sst s0;
	s0 =	simm.s32 @!p1 $0x0  }
0x14: {  	s2 =	sld [smem:$0x3F93];
	s0 =	simm.s32 @p1 $0x1  }
0x15: {  	[smem:$0x3FB0] =	sst s0;
	s0 =	simm.s32 @!p2 $0x0  }
0x16: {  	s3 =	sld [smem:$0x3FDB];
	s0 =	simm.s32 @p2 $0x1  }
0x17: {  	s4 =	simm.s32 $0x1BF5;
	[smem:$0x3FB2] =	sst s0  }
0x18: {  	s0 =	sld [smem:$0x3F95];
	_ =	swait.ge [sflag:s4], $0x0  }
0x19: {  	s7 =	sld [smem:$0x3F96]  }
0x1a: {  	s8 =	sadd.s32 $0xFFFFE003, lr  }
0x1b: {  	s9 =	sadd.s32 $0xFFFFFEF7, lr;
	s5 =	simm.s32 $0xFFFFFFFF;
	p2 =	slt.u32 s8, $0xFFFFF086  }
0x1c: {  	p1 =	slt.u32 s9, $0xF7A;
	s5 =	simm.s32 @!p2 $0x0  }
0x1d: {  	s5 =	simm.s32 @p1 $0x1;
	p0 =	seq.s32 s7, s2  }
0x1e: {  	s7 =	smul.u32 @!p0 $0xF7A, s2;
	p2 =	seq.s32 @!p0 s5, $0x0  }
0x1f: {  	s9 =	smul.u32 $0xF7A, s1;
	s8 =	simm.s32 @!p0 $0x1BF5;
	p2 =	por !p2, p0  }
0x20: {  	[sflag:s8] =	ssyncset.s32 @!p0 $0xFFFFF086;
	s6 =	sadd.s32 @!p0 s3, s7;
	s7 =	simm.s32 @!p0 $0x108  }
0x21: {  	s3 =	sadd.s32 s3, s9;
	s6 =	sadd.s32 @!p0 $0x88, s6;
	s7 =	simm.s32 @p2 $0x1082  }
0x22: {  	[simem:s7], [sflag:s8] =	dma.local @!p0 [hbm:s6], $0xF7A  }
0x23: {  	s9 =	sor.u32 $0xD0000000, s2;
	s6 =	simm.s32 $0x108;
	_ =	swait.ge @!p0 [sflag:s8], $0x0  }
0x24: {  	s3 =	sadd.s32 $0x88, s3;
	s6 =	simm.s32 @!p1 $0x1082;
	[sflag:s4] =	ssyncset.s32 $0xFFFFF086  }
0x25: {  	[simem:s6], [sflag:s4] =	dma.local [hbm:s3], $0xF7A  }
0x26: {  	[smem:$0x3F96] =	sst s1;
	(tag) =	ssettag s2;
	_ =	strace s9  }
0x27: {  	s1 =	sld [smem:$0x3FA6]  }
0x28: {  	s2 =	sld [smem:$0x3FA7]  }
0x29: {  	s4 =	sld [smem:$0x3FA9]  }
0x2a: {  	p0 =	seq.s32 s5, $0x0;
	s5 =	sld [smem:$0x3FAA]  }
0x2b: {  	s6 =	sld [smem:$0x3FAB]  }
0x2c: {  	s7 =	sld [smem:$0x3FAC]  }
0x2d: {  	s3 =	simm.s32 $0x108;
	s8 =	sld [smem:$0x3FAD]  }
0x2e: {  	s3 =	simm.s32 @!p0 $0x1082;
	s9 =	sld [smem:$0x3FAE]  }
0x2f: {  	lr =	sadd.s32 s0, s3;
	s0 =	sld [smem:$0x3FA5]  }
0x30: {  	s3 =	sld [smem:$0x3FA8]  }
0x31: {  	[smem:$0x3FB1] =	sst s10  }
0x32: {  	s10 =	sld [smem:$0x3FAF];
	_ =	sdelay $0x3  }
0x33: {  	p0 =	seq.s32 s10, $0x1;
	s10 =	sld [smem:$0x3FB1];
	_ =	sdelay $0x3  }
0x34: {  	[smem:$0x3FB1] =	sst s10  }
0x35: {  	s10 =	sld [smem:$0x3FB0];
	_ =	sdelay $0x3  }
0x36: {  	p1 =	seq.s32 s10, $0x1;
	s10 =	sld [smem:$0x3FB1];
	_ =	sdelay $0x3  }
0x37: {  	[smem:$0x3FB1] =	sst s10  }
0x38: {  	s10 =	sld [smem:$0x3FB2]  }
0x39: {  	_ = 	snop;
	(pc) =	sbr.ind lr, $3  }
0x3a: {  	_ = 	snop  }
0x3b: {  	_ = 	snop  }
0x3c: {  	p2 =	seq.s32 s10, $0x1;
	s10 =	sld [smem:$0x3FB1]  }
0x3d: {  	_ =	shalt  }
0x3e: {  	_ =	shalt  }
0x3f: {  	_ =	shalt  }
0x40: {  	_ =	shalt  }
0x41: {  	_ =	shalt  }
0x42: {  	_ =	shalt  }
0x43: {  	_ =	shalt  }
0x44: {  	_ =	shalt  }
0x45: {  	_ =	shalt  }
0x46: {  	_ =	shalt  }
0x47: {  	_ =	shalt  }
0x48: {  	_ =	shalt  }
0x49: {  	_ =	shalt  }
0x4a: {  	_ =	shalt  }
0x4b: {  	_ =	shalt  }
0x4c: {  	_ =	shalt  }
0x4d: {  	_ =	shalt  }
0x4e: {  	_ =	shalt  }
0x4f: {  	_ =	shalt  }
0x50: {  	_ =	shalt  }
0x51: {  	_ =	shalt  }
0x52: {  	_ =	shalt  }
0x53: {  	_ =	shalt  }
0x54: {  	_ =	shalt  }
0x55: {  	_ =	shalt  }
0x56: {  	_ =	shalt  }
0x57: {  	_ =	shalt  }
0x58: {  	_ =	shalt  }
0x59: {  	_ =	shalt  }
0x5a: {  	_ =	shalt  }
0x5b: {  	_ =	shalt  }
0x5c: {  	_ =	shalt  }
0x5d: {  	_ =	shalt  }
0x5e: {  	_ =	shalt  }
0x5f: {  	_ =	shalt  }
0x60: {  	_ =	shalt  }
0x61: {  	_ =	shalt  }
0x62: {  	_ =	shalt  }
0x63: {  	_ =	shalt  }
0x64: {  	_ =	shalt  }
0x65: {  	_ =	shalt  }
0x66: {  	_ =	shalt  }
0x67: {  	_ =	shalt  }
0x68: {  	_ =	shalt  }
0x69: {  	_ =	shalt  }
0x6a: {  	_ =	shalt  }
0x6b: {  	_ =	shalt  }
0x6c: {  	_ =	shalt  }
0x6d: {  	_ =	shalt  }
0x6e: {  	_ =	shalt  }
0x6f: {  	_ =	shalt  }
0x70: {  	_ =	shalt  }
0x71: {  	_ =	shalt  }
0x72: {  	_ =	shalt  }
0x73: {  	_ =	shalt  }
0x74: {  	_ =	shalt  }
0x75: {  	_ =	shalt  }
0x76: {  	_ =	shalt  }
0x77: {  	_ =	shalt  }
0x78: {  	_ =	shalt  }
0x79: {  	_ =	shalt  }
0x7a: {  	_ =	shalt  }
0x7b: {  	_ =	shalt  }
0x7c: {  	_ =	shalt  }
0x7d: {  	_ =	shalt  }
0x7e: {  	_ =	shalt  }
0x7f: {  	_ =	shalt  }
0x80: {  	_ =	shalt  }
0x81: {  	_ =	shalt  }
0x82: {  	_ =	shalt  }
0x83: {  	_ =	shalt  }
0x84: {  	_ =	shalt  }
0x85: {  	_ =	shalt  }
0x86: {  	_ =	shalt  }
0x87: {  	_ =	shalt  }
.Lfunc_end0:
.L_simem_size_0:
called_computation.4_lowered:
.L_overlay_start_0:
0x88: {  	s2 =	sld [smem:$0x3FD9]  }
0x89: {  	s3 =	sld [smem:$0x3FFE];
	_ =	sdelay $0x1  }
0x8a: {  	s1 =	srdreg.scid  }
0x8b: {  	s0 =	sand.u32 $0x1, s1  }
0x8c: {  	s17 =	sshll.u32 s0, $0xA;
	s2 =	sadd.s32 s3, s2  }
0x8d: {  	s2 =	sadd.s32 s2, s17  }
0x8e: {  	[smem:$0x3FBD] =	sst s2  }
0x8f: {  	_ = 	snop  }
0x90: {  	s2 =	sld [smem:$0x3FC9]  }
0x91: {  	s18 =	sld [smem:$0x3FC8]  }
0x92: {  	s4 =	sld [smem:$0x3FC7]  }
0x93: {  	s5 =	sld [smem:$0x3FC6]  }
0x94: {  	s6 =	sld [smem:$0x3FD0];
	(tm) =	ssettm $0x1  }
0x95: {  	s7 =	sld [smem:$0x3FFB];
	_ =	sdelay $0x3  }
0x96: {  	_ =	strace s7  }
0x97: {  	s7 =	sld [smem:$0x3FFC];
	_ =	sdelay $0x3  }
0x98: {  	_ =	strace s7  }
0x99: {  	s7 =	sld [smem:$0x3FFD];
	_ =	sdelay $0x3  }
0x9a: {  	_ =	strace s7  }
0x9b: {  	_ =	strace $0x8FFFFFFF  }
0x9c: {  	s19 =	sld [smem:$0x3FDB];
	_ =	sdelay $0x1  }
0x9d: {  	s8 =	simm.s32 $_scs_section_size  }
0x9e: {  	s9 =	simm.s32 $_size__tile_overlayer_lowered;
	s10 =	simm.s32 $_tile_overlayer_lowered  }
0x9f: {  	s22 =	simm.s32 $0x1BFF;
	s21 =	sshll.u32 s10, $0x1;
	s7 =	sadd.s32 s8, s19  }
0xa0: {  	s11 =	simm.s32 $0x0;
	s20 =	sshll.u32 s9, $0x1;
	s9 =	sadd.s32 s21, s7  }
0xa1: {  	[timem:s11], [sflag:s22] =	dma.local [hbm:s9], s20  }
0xa2: {  	_ =	swait.ge [sflag:s22], s20  }
0xa3: {  	s8 =	ssub.s32 $0x0, s20;
	[sflag:s22] =	ssyncset.done $0x0  }
0xa4: {  	[sflag:s22] =	ssyncadd.s32 s8;
	_ =	sdelay $0x1  }
0xa5: {  	s23 =	simm.s32 $0x1B8B  }
0xa6: {  	_ =	swait.ge [sflag:s23], $0x1  }
0xa7: {  	[sflag:s23] =	ssyncset.done $0x0  }
0xa8: {  	s25 =	simm.s32 $0x1B8E;
	s24 =	sld [smem:$0x3FFE];
	[sflag:s23] =	ssyncadd.s32 $0xFFFFFFFF  }
0xa9: {  	s26 =	simm.s32 $execute0_lowered;
	[smem:$0x3FD2] =	sst s25  }
0xaa: {  	s9 =	sshll.u32 s26, $0x1;
	_ =	strace $0x80000052;
	[dreg:$0x1] =	wrdreg $0xFFFFFFFF  }
0xab: {  	s28 =	simm.s32 $_size_execute0_lowered;
	s7 =	sadd.s32 s7, s9;
	[dreg:$0x0] =	wrdreg $0x0  }
0xac: {  	s9 =	sshll.u32 s28, $0x1;
	[dreg:$0x2] =	wrdreg s7  }
0xad: {  	[dreg:$0x3] =	wrdreg s9  }
0xae: {  	[dreg:$0x4] =	wrdreg $0xC0  }
0xaf: {  	_ =	task [dreg:s11], $0x5FFFF  }
0xb0: {  	[dreg:$0x1] =	wrdreg $0xFFFFFFFF  }
0xb1: {  	[dreg:$0x0] =	wrdreg $0x60  }
0xb2: {  	[dreg:$0x2] =	wrdreg s2  }
0xb3: {  	[dreg:$0x3] =	wrdreg s18  }
0xb4: {  	[dreg:$0x4] =	wrdreg s4  }
0xb5: {  	[dreg:$0x5] =	wrdreg s5  }
0xb6: {  	[dreg:$0x6] =	wrdreg s24  }
0xb7: {  	[dreg:$0x7] =	wrdreg s6  }
0xb8: {  	[dreg:$0x8] =	wrdreg $0x9  }
0xb9: {  	_ =	task.clear_ibuf [dreg:s11], $0x9FFFF;
	_ =	strace $0x90000052  }
0xba: {  	s29 =	simm.s32 $0x9;
	_ =	strace $0x80000054  }
0xbb: {  	_ =	swait.ge [sflag:s29], $0x1  }
0xbc: {  	[sflag:s29] =	ssyncadd.s32 $0xFFFFFFFF  }
0xbd: {  	_ =	strace $0x90000054  }
0xbe: {  	_ =	sfence  }
0xbf: {  	s30 =	sld [smem:$0x0];
	_ =	sdelay $0x2  }
0xc0: {  	s31 =	sshll.u32 s1, $0xD;
	s1 =	sshrl.u32 s1, $0x2  }
0xc1: {  	s3 =	sand.u32 $0x4000, s31;
	s1 =	sadd.s32 s1, s30  }
0xc2: {  	s0 =	sor.u32 s3, s0;
	s1 =	sshll.u32 s1, $0x11  }
0xc3: {  	s0 =	sor.u32 s1, s0  }
0xc4: {  	s0 =	sadd.s32 $0x8F2B, s0  }
0xc5: {  	[sflag:s0] =	ssyncadd.remote.s32 $0x1  }
0xc6: {  	_ =	sfence.sel $0xFFFF  }
0xc7: {  	[dreg:$0x0] =	wrdreg $0xFFFFFFFF;
	(pc) =	sbr.abs _section_cstart, $3  }
0xc8: {  	[dreg:$0x1] =	wrdreg $0xFFFFFFFF  }
0xc9: {  	_ =	task.clear_ibuf [dreg:s11], $0x2FFFF;
	_ =	strace $0x9FFFFFFF  }
0xca: {  	(tm) =	ssettm $0x7FFFFFFF  }
0xcb: {  	_ =	shalt  }
tec
execute0_lowered:
.L_overlay_start_1:
0x0: {  	(tag) =	ssettag $0x1  }
0x1: {  	s0 =	rddreg [dreg:$0x0]  }
0x2: {  	s3 =	rddreg [dreg:$0x1]  }
0x3: {  	s11 =	rddreg [dreg:$0x2]  }
0x4: {  	s12 =	rddreg [dreg:$0x3]  }
0x5: {  	s8 =	rddreg [dreg:$0x4]  }
0x6: {  	s13 =	rddreg [dreg:$0x5];
	s1 =	simm.s32 $0x0;
	s7 =	srdreg.scid  }
0x7: {  	s10 =	stileid.u32;
	s16 =	simm.s32 $0x200;
	s17 =	simm.s32 $0x400  }
0x8: {  	s21 =	simm.s32 $0x80;
	s24 =	simm.s32 $0x8800;
	s31 =	simm.s32 $0x9800  }
0x9: {  	v16 =	vlaneseq.u32;
	s30 =	simm.s32 $0x1;
	s2 =	sadd.s32 $0xF44800, s8;
	s4 =	sadd.s32 $0xF44600, s8  }
0xa: {  	[smem:$0x7FF] =	sst s1;
	s5 =	sadd.s32 $0xF44400, s8;
	s6 =	sadd.s32 $0x7A3000, s8;
	v0 =	vmul.u32 $0x10, v16  }
0xb: {  	s7 =	sand.u32 $0x1, s7;
	s10 =	sshll.u32 s10, $0x7;
	v16 =	vmul.u32 $0x8, v16;
	_ =	strace $0x80000053  }
0xc: {  	s9 =	ssub.s32 $0x2, s7;
	s14 =	sshll.u32 s7, $0x6;
	s7 =	sadd.s32 $0x1C00, s8;
	v1 =	vor.u32 $0x1, v0;
	v2 =	vor.u32 $0x2, v0;
	v3 =	vor.u32 $0x3, v0  }
0xd: {  	s8 =	sadd.s32 $0x10CAE00, s8;
	s15 =	sshrl.u32 s9, $0x1;
	s14 =	sor.u32 s14, s10;
	v4 =	vor.u32 $0x4, v0;
	v5 =	vor.u32 $0x5, v0;
	v6 =	vor.u32 $0x6, v0  }
0xe: {  	v7 =	vor.u32 $0x7, v0;
	v8 =	vor.u32 $0x8, v0;
	v9 =	vor.u32 $0x9, v0;
	s15 =	ssub.s32 s9, s15;
	s9 =	sadd.s32 s0, s14;
	s10 =	sadd.s32 s3, s14  }
0xf: {  	v10 =	vor.u32 $0xA, v0;
	v11 =	vor.u32 $0xB, v0;
	v12 =	vor.u32 $0xC, v0;
	s11 =	sadd.s32 s11, s14;
	s12 =	sadd.s32 s12, s14;
	s13 =	sadd.s32 s13, s14  }
0x10: {  	v13 =	vor.u32 $0xD, v0;
	v14 =	vor.u32 $0xE, v0;
	v15 =	vor.u32 $0xF, v0;
	s3 =	simm.s32 $0x0;
	s14 =	smax.u32 s15, $0x1;
	s15 =	simm.s32 $0x2  }
.LBB2_1:
0x11: {  	[tilespmem:s1], [sflag:$0x2] =	stream.linear.gather [hbm4b:s9+s1], $0x200, $0x38;
	[tilespmem:$0x9B30] =	vst v63  }
0x12: {  	_ =	swait.ge [sflag:s15], $0x200  }
0x13: {  	[sflag:s15] =	ssyncset.done $0x0  }
0x14: {  	[sflag:s15] =	ssyncadd.s32 $0xFFFFFE00  }
0x15: {  	[tilespmem:s16], [sflag:$0x2] =	stream.linear.gather [hbm4b:s10+s1], $0x200, $0x38;
	[tilespmem:$0x9B30] =	vst v63  }
0x16: {  	_ =	swait.ge [sflag:s15], $0x200  }
0x17: {  	[sflag:s15] =	ssyncset.done $0x0  }
0x18: {  	[sflag:s15] =	ssyncadd.s32 $0xFFFFFE00  }
0x19: {  	[tilespmem:s17], [sflag:$0x2] =	stream.linear.gather [hbm4b:s11+s1], $0x200, $0x38;
	[tilespmem:$0x9B30] =	vst v63  }
0x1a: {  	_ =	swait.ge [sflag:s15], $0x200  }
0x1b: {  	[sflag:s15] =	ssyncset.done $0x0  }
0x1c: {  	s18 =	simm.s32 $0x600;
	[sflag:s15] =	ssyncadd.s32 $0xFFFFFE00  }
0x1d: {  	[tilespmem:s18], [sflag:$0x2] =	stream.linear.gather [hbm4b:s12+s1], $0x200, $0x38;
	[tilespmem:$0x9B30] =	vst v63  }
0x1e: {  	_ =	swait.ge [sflag:s15], $0x200  }
0x1f: {  	[sflag:s15] =	ssyncset.done $0x0  }
0x20: {  	s0 =	simm.s32 $0x9900;
	[sflag:s15] =	ssyncadd.s32 $0xFFFFFE00  }
0x21: {  	[tilespmem:s0], [sflag:$0x2] =	stream.linear.gather [hbm4b:s2+s1], $0x10, $0x38;
	[tilespmem:$0x9B30] =	vst v63  }
0x22: {  	_ =	swait.ge [sflag:s15], $0x10  }
0x23: {  	[sflag:s15] =	ssyncset.done $0x0  }
0x24: {  	s28 =	simm.s32 $0x9910;
	[sflag:s15] =	ssyncadd.s32 $0xFFFFFFF0  }
0x25: {  	[tilespmem:s28], [sflag:$0x2] =	stream.linear.gather [hbm4b:s4+s1], $0x10, $0x38;
	[tilespmem:$0x9B30] =	vst v63  }
0x26: {  	_ =	swait.ge [sflag:s15], $0x10  }
0x27: {  	[sflag:s15] =	ssyncset.done $0x0  }
0x28: {  	s29 =	simm.s32 $0x9920;
	[sflag:s15] =	ssyncadd.s32 $0xFFFFFFF0  }
0x29: {  	[tilespmem:s29], [sflag:$0x2] =	stream.linear.gather [hbm4b:s5+s1], $0x10, $0x38;
	[tilespmem:$0x9B30] =	vst v63  }
0x2a: {  	_ =	swait.ge [sflag:s15], $0x10  }
0x2b: {  	[sflag:s15] =	ssyncset.done $0x0  }
0x2c: {  	s19 =	simm.s32 $0x800;
	[sflag:s15] =	ssyncadd.s32 $0xFFFFFFF0  }
0x2d: {  	[tilespmem:s19], [sflag:$0x1] =	stream.indirect.gather [hbm4b:s6+s21], $0x20, s1, s21, $0xb8;
	[tilespmem:$0x9B30] =	vst v63  }
0x2e: {  	s20 =	simm.s32 $0x4800  }
0x2f: {  	[tilespmem:s20], [sflag:$0x1] =	stream.indirect.gather [hbm4b:s7+s21], $0x20, s16, s21, $0xb8;
	[tilespmem:$0x9B30] =	vst v63  }
0x30: {  	_ = 	snop  }
0x31: {  	[tilespmem:s24], [sflag:$0x1] =	stream.indirect.gather [hbm4b:s8+s21], $0x8, s17, s21, $0xb8;
	[tilespmem:$0x9B30] =	vst v63  }
0x32: {  	s22 =	simm.s32 $0x1800  }
0x33: {  	[tilespmem:s22], [sflag:$0x1] =	stream.indirect.gather [hbm4b:s6+s21], $0x20, s21, s21, $0xb8;
	[tilespmem:$0x9B30] =	vst v63  }
0x34: {  	s23 =	simm.s32 $0x280;
	s19 =	simm.s32 $0x5800  }
0x35: {  	[tilespmem:s19], [sflag:$0x1] =	stream.indirect.gather [hbm4b:s7+s21], $0x20, s23, s21, $0xb8;
	[tilespmem:$0x9B30] =	vst v63  }
0x36: {  	s25 =	simm.s32 $0x480;
	s26 =	simm.s32 $0x8C00  }
0x37: {  	[tilespmem:s26], [sflag:$0x1] =	stream.indirect.gather [hbm4b:s8+s21], $0x8, s25, s21, $0xb8;
	[tilespmem:$0x9B30] =	vst v63  }
0x38: {  	s28 =	simm.s32 $0x100;
	s29 =	simm.s32 $0x2800  }
0x39: {  	[tilespmem:s29], [sflag:$0x1] =	stream.indirect.gather [hbm4b:s6+s21], $0x20, s28, s21, $0xb8;
	[tilespmem:$0x9B30] =	vst v63  }
0x3a: {  	s20 =	simm.s32 $0x6800;
	s19 =	simm.s32 $0x300  }
0x3b: {  	[tilespmem:s20], [sflag:$0x1] =	stream.indirect.gather [hbm4b:s7+s21], $0x20, s19, s21, $0xb8;
	[tilespmem:$0x9B30] =	vst v63  }
0x3c: {  	s22 =	simm.s32 $0x500;
	s23 =	simm.s32 $0x9000  }
0x3d: {  	[tilespmem:s23], [sflag:$0x1] =	stream.indirect.gather [hbm4b:s8+s21], $0x8, s22, s21, $0xb8;
	[tilespmem:$0x9B30] =	vst v63  }
0x3e: {  	s25 =	simm.s32 $0x180;
	s26 =	simm.s32 $0x3800  }
0x3f: {  	[tilespmem:s26], [sflag:$0x1] =	stream.indirect.gather [hbm4b:s6+s21], $0x20, s25, s21, $0xb8;
	[tilespmem:$0x9B30] =	vst v63  }
0x40: {  	s28 =	simm.s32 $0x380;
	s29 =	simm.s32 $0x7800  }
0x41: {  	[tilespmem:s29], [sflag:$0x1] =	stream.indirect.gather [hbm4b:s7+s21], $0x20, s28, s21, $0xb8;
	[tilespmem:$0x9B30] =	vst v63  }
0x42: {  	s20 =	simm.s32 $0x580;
	s22 =	simm.s32 $0x9400  }
0x43: {  	[tilespmem:s22], [sflag:$0x1] =	stream.indirect.gather [hbm4b:s8+s21], $0x8, s20, s21, $0xb8;
	[tilespmem:$0x9B30] =	vst v63  }
0x44: {  	_ =	swait.ge [sflag:s30], $0x1000  }
0x45: {  	[sflag:s30] =	ssyncset.done $0x0  }
0x46: {  	[sflag:s30] =	ssyncadd.s32 $0xFFFFF000  }
0x47: {  	_ =	swait.ge [sflag:s30], $0x1000  }
0x48: {  	[sflag:s30] =	ssyncset.done $0x0  }
0x49: {  	[sflag:s30] =	ssyncadd.s32 $0xFFFFF000  }
0x4a: {  	_ =	swait.ge [sflag:s30], $0x400  }
0x4b: {  	[sflag:s30] =	ssyncset.done $0x0  }
0x4c: {  	[sflag:s30] =	ssyncadd.s32 $0xFFFFFC00  }
0x4d: {  	_ =	swait.ge [sflag:s30], $0x1000  }
0x4e: {  	[sflag:s30] =	ssyncset.done $0x0  }
0x4f: {  	[sflag:s30] =	ssyncadd.s32 $0xFFFFF000  }
0x50: {  	_ =	swait.ge [sflag:s30], $0x1000  }
0x51: {  	[sflag:s30] =	ssyncset.done $0x0  }
0x52: {  	[sflag:s30] =	ssyncadd.s32 $0xFFFFF000  }
0x53: {  	_ =	swait.ge [sflag:s30], $0x400  }
0x54: {  	[sflag:s30] =	ssyncset.done $0x0  }
0x55: {  	[sflag:s30] =	ssyncadd.s32 $0xFFFFFC00  }
0x56: {  	_ =	swait.ge [sflag:s30], $0x1000  }
0x57: {  	[sflag:s30] =	ssyncset.done $0x0  }
0x58: {  	[sflag:s30] =	ssyncadd.s32 $0xFFFFF000  }
0x59: {  	_ =	swait.ge [sflag:s30], $0x1000  }
0x5a: {  	[sflag:s30] =	ssyncset.done $0x0  }
0x5b: {  	[sflag:s30] =	ssyncadd.s32 $0xFFFFF000  }
0x5c: {  	_ =	swait.ge [sflag:s30], $0x400  }
0x5d: {  	[sflag:s30] =	ssyncset.done $0x0  }
0x5e: {  	[sflag:s30] =	ssyncadd.s32 $0xFFFFFC00  }
0x5f: {  	_ =	swait.ge [sflag:s30], $0x1000  }
0x60: {  	[sflag:s30] =	ssyncset.done $0x0  }
0x61: {  	[sflag:s30] =	ssyncadd.s32 $0xFFFFF000  }
0x62: {  	_ =	swait.ge [sflag:s30], $0x1000  }
0x63: {  	[sflag:s30] =	ssyncset.done $0x0  }
0x64: {  	[sflag:s30] =	ssyncadd.s32 $0xFFFFF000  }
0x65: {  	_ =	swait.ge [sflag:s30], $0x400  }
0x66: {  	[sflag:s30] =	ssyncset.done $0x0  }
0x67: {  	[sflag:s30] =	ssyncadd.s32 $0xFFFFFC00  }
0x68: {  	v25 =	vld [tilespmem:$0x9900]  }
0x69: {  	v17 =	vld [tilespmem:$0x9910];
	_ =	sdelay $0x3  }
0x6a: {  	(v2sf) =	vpush v25, $0x9  }
0x6b: {  	(v2sf) =	vpush v17, $0x0  }
0x6c: {  	(v2sf) =	vpush v25, $0xA  }
0x6d: {  	v18 =	vld [tilespmem:$0x9920];
	(v2sf) =	vpush v17, $0x1  }
0x6e: {  	(v2sf) =	vpush v25, $0xB  }
0x6f: {  	(v2sf) =	vpush v17, $0x2  }
0x70: {  	(v2sf) =	vpush v25, $0xC  }
0x71: {  	(v2sf) =	vpush v17, $0x3  }
0x72: {  	(v2sf) =	vpush v18, $0x0  }
0x73: {  	(v2sf) =	vpush v18, $0x1;
	_ =	sdelay $0x1  }
0x74: {  	(v2sf) =	vpush v18, $0x2;
	_ =	sdelay $0x1  }
0x75: {  	(v2sf) =	vpush v18, $0x3;
	_ =	sdelay $0x1  }
0x76: {  	s19 =	spop (v2sf)  }
0x77: {  	s20 =	spop (v2sf)  }
0x78: {  	(v2sf) =	vpush v25, $0xD;
	s22 =	spop (v2sf)  }
0x79: {  	s23 =	spop (v2sf)  }
0x7a: {  	s25 =	spop (v2sf)  }
0x7b: {  	s26 =	spop (v2sf)  }
0x7c: {  	s28 =	spop (v2sf)  }
0x7d: {  	s20 =	smul.f32 s20, s19;
	s29 =	spop (v2sf)  }
0x7e: {  	s23 =	smul.f32 s23, s22;
	s0 =	spop (v2sf)  }
0x7f: {  	s0 =	smul.f32 s0, s19;
	s19 =	spop (v2sf)  }
0x80: {  	s19 =	smul.f32 s19, s22  }
0x81: {  	s20 =	sadd.f32 s23, s20;
	s23 =	spop (v2sf)  }
0x82: {  	s23 =	smul.f32 s23, s25;
	s0 =	sadd.f32 s19, s0  }
0x83: {  	s22 =	smul.f32 s26, s25;
	s25 =	spop (v2sf)  }
0x84: {  	s26 =	smul.f32 s25, s28;
	s0 =	sadd.f32 s0, s23  }
0x85: {  	s20 =	sadd.f32 s20, s22;
	s28 =	smul.f32 s29, s28  }
0x86: {  	v19 =	vbroadcast v25, $0x3;
	v20 =	vbroadcast v25, $0x4;
	s0 =	sadd.f32 s0, s26  }
0x87: {  	v21 =	vbroadcast v25, $0x5;
	v22 =	vbroadcast v25, $0x6;
	s20 =	sadd.f32 s20, s28;
	s29 =	spop (v2sf)  }
0x88: {  	v23 =	vbroadcast v25, $0x7;
	v24 =	vbroadcast v25, $0x8;
	s0 =	sadd.f32 s0, s29  }
0x89: {  	v17 =	vbroadcast v25, $0x1;
	v18 =	vbroadcast v25, $0x2;
	s19 =	simm.s32 $0x900  }
0x8a: {  	v25 =	vbroadcast v25, $0x0;
	s22 =	simm.s32 $0x9930;
	s23 =	simm.s32 $0x0;
	v26 =	vmov s20;
	s20 =	simm.s32 $0x4900;
	v27 =	vmov s0  }
.LBB2_2:
0x8b: {  	v28 =	vld [tilespmem:s19+$0xFFFFFF00]  }
0x8c: {  	v29 =	vld [tilespmem:s20+$0xFFFFFF00]  }
0x8d: {  	v30 =	vld [tilespmem:s19+$0xFFFFFF10]  }
0x8e: {  	v31 =	vld [tilespmem:s20+$0xFFFFFF10];
	_ =	sdelay $0x1  }
0x8f: {  	v32 =	vunpack.i.u.bf16.f32 v28  }
0x90: {  	v28 =	vunpack.i.l.bf16.f32 v28;
	v33 =	vunpack.i.u.bf16.f32 v29;
	v29 =	vunpack.i.l.bf16.f32 v29  }
0x91: {  	v28 =	vmul.f32 v29, v28;
	v29 =	vmul.f32 v33, v32  }
0x92: {  	v59 =	vunpack.i.l.bf16.f32 v30;
	v60 =	vunpack.i.l.bf16.f32 v31  }
0x93: {  	v28 =	vadd.f32 v28, v29;
	v29 =	vmul.f32 v60, v59  }
0x94: {  	v30 =	vunpack.i.u.bf16.f32 v30;
	v31 =	vunpack.i.u.bf16.f32 v31  }
0x95: {  	v28 =	vadd.f32 v29, v28;
	v29 =	vmul.f32 v31, v30;
	_ =	sdelay $0x1  }
0x96: {  	v28 =	vadd.f32 v28, v29;
	_ =	sdelay $0x1  }
0x97: {  	[tilespmem:$0x9800] =	vst v28  }
0x98: {  	v28 =	vld [tilespmem:s19+$0xFFFFFF20]  }
0x99: {  	v29 =	vld [tilespmem:s20+$0xFFFFFF20]  }
0x9a: {  	v61 =	vld [tilespmem:s19+$0xFFFFFF30]  }
0x9b: {  	v62 =	vld [tilespmem:s20+$0xFFFFFF30];
	_ =	sdelay $0x1  }
0x9c: {  	v63 =	vunpack.i.u.bf16.f32 v28  }
0x9d: {  	v28 =	vunpack.i.l.bf16.f32 v28;
	v36 =	vunpack.i.u.bf16.f32 v29;
	v29 =	vunpack.i.l.bf16.f32 v29  }
0x9e: {  	v28 =	vmul.f32 v29, v28;
	v29 =	vmul.f32 v36, v63  }
0x9f: {  	v37 =	vunpack.i.l.bf16.f32 v61;
	v38 =	vunpack.i.l.bf16.f32 v62  }
0xa0: {  	v28 =	vadd.f32 v28, v29;
	v29 =	vmul.f32 v38, v37  }
0xa1: {  	v30 =	vunpack.i.u.bf16.f32 v61;
	v31 =	vunpack.i.u.bf16.f32 v62  }
0xa2: {  	v28 =	vadd.f32 v29, v28;
	v29 =	vmul.f32 v31, v30;
	_ =	sdelay $0x1  }
0xa3: {  	v28 =	vadd.f32 v28, v29;
	_ =	sdelay $0x1  }
0xa4: {  	[tilespmem:$0x9810] =	vst v28  }
0xa5: {  	v28 =	vld [tilespmem:s19+$0xFFFFFF40]  }
0xa6: {  	v29 =	vld [tilespmem:s20+$0xFFFFFF40]  }
0xa7: {  	v39 =	vld [tilespmem:s19+$0xFFFFFF50]  }
0xa8: {  	v40 =	vld [tilespmem:s20+$0xFFFFFF50];
	_ =	sdelay $0x1  }
0xa9: {  	v41 =	vunpack.i.u.bf16.f32 v28  }
0xaa: {  	v28 =	vunpack.i.l.bf16.f32 v28;
	v42 =	vunpack.i.u.bf16.f32 v29;
	v29 =	vunpack.i.l.bf16.f32 v29  }
0xab: {  	v28 =	vmul.f32 v29, v28;
	v29 =	vmul.f32 v42, v41  }
0xac: {  	v43 =	vunpack.i.l.bf16.f32 v39;
	v44 =	vunpack.i.l.bf16.f32 v40  }
0xad: {  	v28 =	vadd.f32 v28, v29;
	v29 =	vmul.f32 v44, v43  }
0xae: {  	v30 =	vunpack.i.u.bf16.f32 v39;
	v31 =	vunpack.i.u.bf16.f32 v40  }
0xaf: {  	v28 =	vadd.f32 v29, v28;
	v29 =	vmul.f32 v31, v30;
	_ =	sdelay $0x1  }
0xb0: {  	v28 =	vadd.f32 v28, v29;
	_ =	sdelay $0x1  }
0xb1: {  	[tilespmem:$0x9820] =	vst v28  }
0xb2: {  	v28 =	vld [tilespmem:s19+$0xFFFFFF60]  }
0xb3: {  	v29 =	vld [tilespmem:s20+$0xFFFFFF60]  }
0xb4: {  	v45 =	vld [tilespmem:s19+$0xFFFFFF70]  }
0xb5: {  	v46 =	vld [tilespmem:s20+$0xFFFFFF70];
	_ =	sdelay $0x1  }
0xb6: {  	v47 =	vunpack.i.u.bf16.f32 v28  }
0xb7: {  	v28 =	vunpack.i.l.bf16.f32 v28;
	v48 =	vunpack.i.u.bf16.f32 v29;
	v29 =	vunpack.i.l.bf16.f32 v29  }
0xb8: {  	v28 =	vmul.f32 v29, v28;
	v29 =	vmul.f32 v48, v47  }
0xb9: {  	v49 =	vunpack.i.l.bf16.f32 v45;
	v50 =	vunpack.i.l.bf16.f32 v46  }
0xba: {  	v28 =	vadd.f32 v28, v29;
	v29 =	vmul.f32 v50, v49  }
0xbb: {  	v30 =	vunpack.i.u.bf16.f32 v45;
	v31 =	vunpack.i.u.bf16.f32 v46  }
0xbc: {  	v28 =	vadd.f32 v29, v28;
	v29 =	vmul.f32 v31, v30;
	_ =	sdelay $0x1  }
0xbd: {  	v28 =	vadd.f32 v28, v29;
	_ =	sdelay $0x1  }
0xbe: {  	[tilespmem:$0x9830] =	vst v28  }
0xbf: {  	v28 =	vld [tilespmem:s19+$0xFFFFFF80]  }
0xc0: {  	v29 =	vld [tilespmem:s20+$0xFFFFFF80]  }
0xc1: {  	v51 =	vld [tilespmem:s19+$0xFFFFFF90]  }
0xc2: {  	v52 =	vld [tilespmem:s20+$0xFFFFFF90];
	_ =	sdelay $0x1  }
0xc3: {  	v53 =	vunpack.i.u.bf16.f32 v28  }
0xc4: {  	v28 =	vunpack.i.l.bf16.f32 v28;
	v54 =	vunpack.i.u.bf16.f32 v29;
	v29 =	vunpack.i.l.bf16.f32 v29  }
0xc5: {  	v28 =	vmul.f32 v29, v28;
	v29 =	vmul.f32 v54, v53  }
0xc6: {  	v55 =	vunpack.i.l.bf16.f32 v51;
	v56 =	vunpack.i.l.bf16.f32 v52  }
0xc7: {  	v28 =	vadd.f32 v28, v29;
	v29 =	vmul.f32 v56, v55  }
0xc8: {  	v30 =	vunpack.i.u.bf16.f32 v51;
	v31 =	vunpack.i.u.bf16.f32 v52  }
0xc9: {  	v28 =	vadd.f32 v29, v28;
	v29 =	vmul.f32 v31, v30;
	_ =	sdelay $0x1  }
0xca: {  	v28 =	vadd.f32 v28, v29;
	_ =	sdelay $0x1  }
0xcb: {  	[tilespmem:$0x9840] =	vst v28  }
0xcc: {  	v28 =	vld [tilespmem:s19+$0xFFFFFFA0]  }
0xcd: {  	v29 =	vld [tilespmem:s20+$0xFFFFFFA0]  }
0xce: {  	v57 =	vld [tilespmem:s19+$0xFFFFFFB0]  }
0xcf: {  	v58 =	vld [tilespmem:s20+$0xFFFFFFB0];
	_ =	sdelay $0x1  }
0xd0: {  	v59 =	vunpack.i.u.bf16.f32 v28  }
0xd1: {  	v28 =	vunpack.i.l.bf16.f32 v28;
	v60 =	vunpack.i.u.bf16.f32 v29;
	v29 =	vunpack.i.l.bf16.f32 v29  }
0xd2: {  	v28 =	vmul.f32 v29, v28;
	v29 =	vmul.f32 v60, v59  }
0xd3: {  	v61 =	vunpack.i.l.bf16.f32 v57;
	v62 =	vunpack.i.l.bf16.f32 v58  }
0xd4: {  	v28 =	vadd.f32 v28, v29;
	v29 =	vmul.f32 v62, v61  }
0xd5: {  	v30 =	vunpack.i.u.bf16.f32 v57;
	v31 =	vunpack.i.u.bf16.f32 v58  }
0xd6: {  	v28 =	vadd.f32 v29, v28;
	v29 =	vmul.f32 v31, v30;
	_ =	sdelay $0x1  }
0xd7: {  	v28 =	vadd.f32 v28, v29;
	_ =	sdelay $0x1  }
0xd8: {  	[tilespmem:$0x9850] =	vst v28  }
0xd9: {  	v28 =	vld [tilespmem:s19+$0xFFFFFFC0]  }
0xda: {  	v29 =	vld [tilespmem:s20+$0xFFFFFFC0]  }
0xdb: {  	v63 =	vld [tilespmem:s19+$0xFFFFFFD0]  }
0xdc: {  	v36 =	vld [tilespmem:s20+$0xFFFFFFD0];
	_ =	sdelay $0x1  }
0xdd: {  	v37 =	vunpack.i.u.bf16.f32 v28  }
0xde: {  	v28 =	vunpack.i.l.bf16.f32 v28;
	v38 =	vunpack.i.u.bf16.f32 v29;
	v29 =	vunpack.i.l.bf16.f32 v29  }
0xdf: {  	v28 =	vmul.f32 v29, v28;
	v29 =	vmul.f32 v38, v37  }
0xe0: {  	v39 =	vunpack.i.l.bf16.f32 v63;
	v40 =	vunpack.i.l.bf16.f32 v36  }
0xe1: {  	v28 =	vadd.f32 v28, v29;
	v29 =	vmul.f32 v40, v39  }
0xe2: {  	v30 =	vunpack.i.u.bf16.f32 v63;
	v31 =	vunpack.i.u.bf16.f32 v36  }
0xe3: {  	v28 =	vadd.f32 v29, v28;
	v29 =	vmul.f32 v31, v30;
	_ =	sdelay $0x1  }
0xe4: {  	v28 =	vadd.f32 v28, v29;
	_ =	sdelay $0x1  }
0xe5: {  	[tilespmem:$0x9860] =	vst v28  }
0xe6: {  	v28 =	vld [tilespmem:s19+$0xFFFFFFE0]  }
0xe7: {  	v29 =	vld [tilespmem:s20+$0xFFFFFFE0]  }
0xe8: {  	v41 =	vld [tilespmem:s19+$0xFFFFFFF0]  }
0xe9: {  	v42 =	vld [tilespmem:s20+$0xFFFFFFF0];
	_ =	sdelay $0x1  }
0xea: {  	v43 =	vunpack.i.u.bf16.f32 v28  }
0xeb: {  	v28 =	vunpack.i.l.bf16.f32 v28;
	v44 =	vunpack.i.u.bf16.f32 v29;
	v29 =	vunpack.i.l.bf16.f32 v29  }
0xec: {  	v28 =	vmul.f32 v29, v28;
	v29 =	vmul.f32 v44, v43  }
0xed: {  	v45 =	vunpack.i.l.bf16.f32 v41;
	v46 =	vunpack.i.l.bf16.f32 v42  }
0xee: {  	v28 =	vadd.f32 v28, v29;
	v29 =	vmul.f32 v46, v45  }
0xef: {  	v30 =	vunpack.i.u.bf16.f32 v41;
	v31 =	vunpack.i.u.bf16.f32 v42  }
0xf0: {  	v28 =	vadd.f32 v29, v28;
	v29 =	vmul.f32 v31, v30;
	_ =	sdelay $0x1  }
0xf1: {  	v28 =	vadd.f32 v28, v29;
	_ =	sdelay $0x1  }
0xf2: {  	[tilespmem:$0x9870] =	vst v28  }
0xf3: {  	v28 =	vld [tilespmem:s19+$0x0]  }
0xf4: {  	v29 =	vld [tilespmem:s20+$0x0]  }
0xf5: {  	v47 =	vld [tilespmem:s19+$0x10]  }
0xf6: {  	v48 =	vld [tilespmem:s20+$0x10];
	_ =	sdelay $0x1  }
0xf7: {  	v49 =	vunpack.i.u.bf16.f32 v28  }
0xf8: {  	v28 =	vunpack.i.l.bf16.f32 v28;
	v50 =	vunpack.i.u.bf16.f32 v29;
	v29 =	vunpack.i.l.bf16.f32 v29  }
0xf9: {  	v28 =	vmul.f32 v29, v28;
	v29 =	vmul.f32 v50, v49  }
0xfa: {  	v51 =	vunpack.i.l.bf16.f32 v47;
	v52 =	vunpack.i.l.bf16.f32 v48  }
0xfb: {  	v28 =	vadd.f32 v28, v29;
	v29 =	vmul.f32 v52, v51  }
0xfc: {  	v30 =	vunpack.i.u.bf16.f32 v47;
	v31 =	vunpack.i.u.bf16.f32 v48  }
0xfd: {  	v28 =	vadd.f32 v29, v28;
	v29 =	vmul.f32 v31, v30;
	_ =	sdelay $0x1  }
0xfe: {  	v28 =	vadd.f32 v28, v29;
	_ =	sdelay $0x1  }
0xff: {  	[tilespmem:$0x9880] =	vst v28  }
0x100: {  	v28 =	vld [tilespmem:s19+$0x20]  }
0x101: {  	v29 =	vld [tilespmem:s20+$0x20]  }
0x102: {  	v53 =	vld [tilespmem:s19+$0x30]  }
0x103: {  	v54 =	vld [tilespmem:s20+$0x30];
	_ =	sdelay $0x1  }
0x104: {  	v55 =	vunpack.i.u.bf16.f32 v28  }
0x105: {  	v28 =	vunpack.i.l.bf16.f32 v28;
	v56 =	vunpack.i.u.bf16.f32 v29;
	v29 =	vunpack.i.l.bf16.f32 v29  }
0x106: {  	v28 =	vmul.f32 v29, v28;
	v29 =	vmul.f32 v56, v55  }
0x107: {  	v57 =	vunpack.i.l.bf16.f32 v53;
	v58 =	vunpack.i.l.bf16.f32 v54  }
0x108: {  	v28 =	vadd.f32 v28, v29;
	v29 =	vmul.f32 v58, v57  }
0x109: {  	v30 =	vunpack.i.u.bf16.f32 v53;
	v31 =	vunpack.i.u.bf16.f32 v54  }
0x10a: {  	v28 =	vadd.f32 v29, v28;
	v29 =	vmul.f32 v31, v30;
	_ =	sdelay $0x1  }
0x10b: {  	v28 =	vadd.f32 v28, v29;
	_ =	sdelay $0x1  }
0x10c: {  	[tilespmem:$0x9890] =	vst v28  }
0x10d: {  	v28 =	vld [tilespmem:s19+$0x40]  }
0x10e: {  	v29 =	vld [tilespmem:s20+$0x40]  }
0x10f: {  	v59 =	vld [tilespmem:s19+$0x50]  }
0x110: {  	v60 =	vld [tilespmem:s20+$0x50];
	_ =	sdelay $0x1  }
0x111: {  	v61 =	vunpack.i.u.bf16.f32 v28  }
0x112: {  	v28 =	vunpack.i.l.bf16.f32 v28;
	v62 =	vunpack.i.u.bf16.f32 v29;
	v29 =	vunpack.i.l.bf16.f32 v29  }
0x113: {  	v28 =	vmul.f32 v29, v28;
	v29 =	vmul.f32 v62, v61  }
0x114: {  	v63 =	vunpack.i.l.bf16.f32 v59;
	v36 =	vunpack.i.l.bf16.f32 v60  }
0x115: {  	v28 =	vadd.f32 v28, v29;
	v29 =	vmul.f32 v36, v63  }
0x116: {  	v30 =	vunpack.i.u.bf16.f32 v59;
	v31 =	vunpack.i.u.bf16.f32 v60  }
0x117: {  	v28 =	vadd.f32 v29, v28;
	v29 =	vmul.f32 v31, v30;
	_ =	sdelay $0x1  }
0x118: {  	v28 =	vadd.f32 v28, v29;
	_ =	sdelay $0x1  }
0x119: {  	[tilespmem:$0x98A0] =	vst v28  }
0x11a: {  	v28 =	vld [tilespmem:s19+$0x60]  }
0x11b: {  	v29 =	vld [tilespmem:s20+$0x60]  }
0x11c: {  	v37 =	vld [tilespmem:s19+$0x70]  }
0x11d: {  	v38 =	vld [tilespmem:s20+$0x70];
	_ =	sdelay $0x1  }
0x11e: {  	v39 =	vunpack.i.u.bf16.f32 v28  }
0x11f: {  	v28 =	vunpack.i.l.bf16.f32 v28;
	v40 =	vunpack.i.u.bf16.f32 v29;
	v29 =	vunpack.i.l.bf16.f32 v29  }
0x120: {  	v28 =	vmul.f32 v29, v28;
	v29 =	vmul.f32 v40, v39  }
0x121: {  	v41 =	vunpack.i.l.bf16.f32 v37;
	v42 =	vunpack.i.l.bf16.f32 v38  }
0x122: {  	v28 =	vadd.f32 v28, v29;
	v29 =	vmul.f32 v42, v41  }
0x123: {  	v30 =	vunpack.i.u.bf16.f32 v37;
	v31 =	vunpack.i.u.bf16.f32 v38  }
0x124: {  	v28 =	vadd.f32 v29, v28;
	v29 =	vmul.f32 v31, v30;
	_ =	sdelay $0x1  }
0x125: {  	v28 =	vadd.f32 v28, v29;
	_ =	sdelay $0x1  }
0x126: {  	[tilespmem:$0x98B0] =	vst v28  }
0x127: {  	v28 =	vld [tilespmem:s19+$0x80]  }
0x128: {  	v29 =	vld [tilespmem:s20+$0x80]  }
0x129: {  	v43 =	vld [tilespmem:s19+$0x90]  }
0x12a: {  	v44 =	vld [tilespmem:s20+$0x90];
	_ =	sdelay $0x1  }
0x12b: {  	v45 =	vunpack.i.u.bf16.f32 v28  }
0x12c: {  	v28 =	vunpack.i.l.bf16.f32 v28;
	v46 =	vunpack.i.u.bf16.f32 v29;
	v29 =	vunpack.i.l.bf16.f32 v29  }
0x12d: {  	v28 =	vmul.f32 v29, v28;
	v29 =	vmul.f32 v46, v45  }
0x12e: {  	v47 =	vunpack.i.l.bf16.f32 v43;
	v48 =	vunpack.i.l.bf16.f32 v44  }
0x12f: {  	v28 =	vadd.f32 v28, v29;
	v29 =	vmul.f32 v48, v47  }
0x130: {  	v30 =	vunpack.i.u.bf16.f32 v43;
	v31 =	vunpack.i.u.bf16.f32 v44  }
0x131: {  	v28 =	vadd.f32 v29, v28;
	v29 =	vmul.f32 v31, v30;
	_ =	sdelay $0x1  }
0x132: {  	v28 =	vadd.f32 v28, v29;
	_ =	sdelay $0x1  }
0x133: {  	[tilespmem:$0x98C0] =	vst v28  }
0x134: {  	v28 =	vld [tilespmem:s19+$0xA0]  }
0x135: {  	v29 =	vld [tilespmem:s20+$0xA0]  }
0x136: {  	v49 =	vld [tilespmem:s19+$0xB0]  }
0x137: {  	v50 =	vld [tilespmem:s20+$0xB0];
	_ =	sdelay $0x1  }
0x138: {  	v51 =	vunpack.i.u.bf16.f32 v28  }
0x139: {  	v28 =	vunpack.i.l.bf16.f32 v28;
	v52 =	vunpack.i.u.bf16.f32 v29;
	v29 =	vunpack.i.l.bf16.f32 v29  }
0x13a: {  	v28 =	vmul.f32 v29, v28;
	v29 =	vmul.f32 v52, v51  }
0x13b: {  	v53 =	vunpack.i.l.bf16.f32 v49;
	v54 =	vunpack.i.l.bf16.f32 v50  }
0x13c: {  	v28 =	vadd.f32 v28, v29;
	v29 =	vmul.f32 v54, v53  }
0x13d: {  	v30 =	vunpack.i.u.bf16.f32 v49;
	v31 =	vunpack.i.u.bf16.f32 v50  }
0x13e: {  	v28 =	vadd.f32 v29, v28;
	v29 =	vmul.f32 v31, v30;
	_ =	sdelay $0x1  }
0x13f: {  	v28 =	vadd.f32 v28, v29;
	_ =	sdelay $0x1  }
0x140: {  	[tilespmem:$0x98D0] =	vst v28  }
0x141: {  	v28 =	vld [tilespmem:s19+$0xC0]  }
0x142: {  	v29 =	vld [tilespmem:s20+$0xC0]  }
0x143: {  	v55 =	vld [tilespmem:s19+$0xD0]  }
0x144: {  	v56 =	vld [tilespmem:s20+$0xD0];
	_ =	sdelay $0x1  }
0x145: {  	v57 =	vunpack.i.u.bf16.f32 v28  }
0x146: {  	v28 =	vunpack.i.l.bf16.f32 v28;
	v58 =	vunpack.i.u.bf16.f32 v29;
	v29 =	vunpack.i.l.bf16.f32 v29  }
0x147: {  	v28 =	vmul.f32 v29, v28;
	v29 =	vmul.f32 v58, v57  }
0x148: {  	v59 =	vunpack.i.l.bf16.f32 v55;
	v60 =	vunpack.i.l.bf16.f32 v56  }
0x149: {  	v28 =	vadd.f32 v28, v29;
	v29 =	vmul.f32 v60, v59  }
0x14a: {  	v30 =	vunpack.i.u.bf16.f32 v55;
	v31 =	vunpack.i.u.bf16.f32 v56  }
0x14b: {  	v28 =	vadd.f32 v29, v28;
	v29 =	vmul.f32 v31, v30;
	_ =	sdelay $0x1  }
0x14c: {  	v28 =	vadd.f32 v28, v29;
	_ =	sdelay $0x1  }
0x14d: {  	[tilespmem:$0x98E0] =	vst v28  }
0x14e: {  	v28 =	vld [tilespmem:s19+$0xE0]  }
0x14f: {  	v29 =	vld [tilespmem:s20+$0xE0]  }
0x150: {  	v61 =	vld [tilespmem:s19+$0xF0]  }
0x151: {  	v62 =	vld [tilespmem:s20+$0xF0];
	_ =	sdelay $0x1  }
0x152: {  	v63 =	vunpack.i.u.bf16.f32 v28  }
0x153: {  	v28 =	vunpack.i.l.bf16.f32 v28;
	v36 =	vunpack.i.u.bf16.f32 v29;
	v29 =	vunpack.i.l.bf16.f32 v29  }
0x154: {  	v28 =	vmul.f32 v29, v28;
	v29 =	vmul.f32 v36, v63  }
0x155: {  	v37 =	vunpack.i.l.bf16.f32 v61;
	v38 =	vunpack.i.l.bf16.f32 v62  }
0x156: {  	v28 =	vadd.f32 v28, v29;
	v29 =	vmul.f32 v38, v37  }
0x157: {  	v30 =	vunpack.i.u.bf16.f32 v61;
	v31 =	vunpack.i.u.bf16.f32 v62  }
0x158: {  	v28 =	vadd.f32 v29, v28;
	v29 =	vmul.f32 v31, v30;
	_ =	sdelay $0x1  }
0x159: {  	v28 =	vadd.f32 v28, v29;
	_ =	sdelay $0x1  }
0x15a: {  	[tilespmem:$0x98F0] =	vst v28  }
0x15b: {  	v28 =	vld.idx.msk [tilespmem:v0+s31+$0x0], $0xffff  }
0x15c: {  	v29 =	vld.idx.msk [tilespmem:v1+s31+$0x0], $0xffff;
	_ =	sdelay $0x1  }
0x15d: {  	v39 =	vld.idx.msk [tilespmem:v2+s31+$0x0], $0xffff;
	_ =	sdelay $0x1  }
0x15e: {  	v40 =	vld.idx.msk [tilespmem:v3+s31+$0x0], $0xffff  }
0x15f: {  	v28 =	vadd.f32 v29, v28  }
0x160: {  	v29 =	vld.idx.msk [tilespmem:v4+s31+$0x0], $0xffff  }
0x161: {  	v42 =	vmov s23;
	v28 =	vadd.f32 v39, v28  }
0x162: {  	v43 =	vshll.u32 v42, $0x3;
	v41 =	vld.idx.msk [tilespmem:v5+s31+$0x0], $0xffff  }
0x163: {  	v31 =	vor.u32 v16, v43;
	v28 =	vadd.f32 v40, v28  }
0x164: {  	v44 =	vld.idx.msk [tilespmem:v6+s31+$0x0], $0xffff  }
0x165: {  	v28 =	vadd.f32 v29, v28  }
0x166: {  	v45 =	vor.u32 $0x1, v31;
	v29 =	vld.idx.msk [tilespmem:v7+s31+$0x0], $0xffff  }
0x167: {  	v34 =	vor.u32 $0x2, v31;
	v28 =	vadd.f32 v41, v28  }
0x168: {  	v47 =	vld.idx.msk [tilespmem:v31+s24+$0x0], $0xffff  }
0x169: {  	v46 =	vld.idx.msk [tilespmem:v8+s31+$0x0], $0xffff;
	v28 =	vadd.f32 v44, v28  }
0x16a: {  	v36 =	vor.u32 $0x3, v31;
	v35 =	vld.idx.msk [tilespmem:v9+s31+$0x0], $0xffff  }
0x16b: {  	v28 =	vadd.f32 v29, v28;
	v29 =	vld.idx.msk [tilespmem:v45+s24+$0x0], $0xffff  }
0x16c: {  	v37 =	vor.u32 $0x4, v31;
	v49 =	vld.idx.msk [tilespmem:v34+s24+$0x0], $0xffff  }
0x16d: {  	v48 =	vld.idx.msk [tilespmem:v10+s31+$0x0], $0xffff;
	v32 =	vmul.f32 v47, v17  }
0x16e: {  	v38 =	vor.u32 $0x5, v31;
	v50 =	vld.idx.msk [tilespmem:v11+s31+$0x0], $0xffff;
	v28 =	vadd.f32 v46, v28  }
0x16f: {  	v51 =	vld.idx.msk [tilespmem:v36+s24+$0x0], $0xffff;
	v32 =	vadd.f32 $0.0e+00, v32  }
0x170: {  	v52 =	vld.idx.msk [tilespmem:v12+s31+$0x0], $0xffff;
	v39 =	vor.u32 $0x6, v31;
	v28 =	vadd.f32 v35, v28;
	v29 =	vmul.f32 v29, v18  }
0x171: {  	v53 =	vld.idx.msk [tilespmem:v37+s24+$0x0], $0xffff;
	v30 =	vmul.f32 v49, v19  }
0x172: {  	v54 =	vld.idx.msk [tilespmem:v13+s31+$0x0], $0xffff;
	v31 =	vor.u32 $0x7, v31;
	v28 =	vadd.f32 v48, v28;
	v29 =	vadd.f32 v29, v32  }
0x173: {  	v55 =	vld.idx.msk [tilespmem:v38+s24+$0x0], $0xffff  }
0x174: {  	v56 =	vld.idx.msk [tilespmem:v14+s31+$0x0], $0xffff;
	v57 =	vmul.f32 v51, v20;
	v28 =	vadd.f32 v50, v28;
	v29 =	vadd.f32 v30, v29  }
0x175: {  	v58 =	vld.idx.msk [tilespmem:v39+s24+$0x0], $0xffff  }
0x176: {  	v59 =	vld.idx.msk [tilespmem:v15+s31+$0x0], $0xffff;
	v33 =	vmul.f32 v53, v21;
	v28 =	vadd.f32 v52, v28;
	v29 =	vadd.f32 v57, v29  }
0x177: {  	v31 =	vld.idx.msk [tilespmem:v31+s24+$0x0], $0xffff  }
0x178: {  	v60 =	vmul.f32 v55, v22;
	v28 =	vadd.f32 v54, v28;
	v29 =	vadd.f32 v33, v29;
	_ =	sdelay $0x1  }
0x179: {  	v61 =	vmul.f32 v58, v23;
	v28 =	vadd.f32 v56, v28;
	v29 =	vadd.f32 v60, v29  }
0x17a: {  	v62 =	vld [tilespmem:s18+$0x0]  }
0x17b: {  	v63 =	vmul.f32 v31, v24;
	v28 =	vadd.f32 v59, v28;
	v29 =	vadd.f32 v61, v29;
	_ =	sdelay $0x1  }
0x17c: {  	v28 =	vmul.f32 v28, v25;
	v29 =	vadd.f32 v63, v29;
	_ =	sdelay $0x1  }
0x17d: {  	v28 =	vadd.f32 v29, v28;
	v29 =	vmul.f32 v62, v26  }
0x17e: {  	p0 =	sne.s32 s23, $0x1F0  }
.Ltmp0:
0x17f: {  	v28 =	vadd.f32 v28, v29;
	(pc) =	sbr.rel @p0 .LBB2_2-.Ltmp0, $4  }
0x180: {  	_ = 	snop  }
0x181: {  	v28 =	vadd.f32 v28, v27  }
0x182: {  	s23 =	sadd.s32 $0x10, s23;
	s19 =	sadd.s32 $0x200, s19  }
0x183: {  	s20 =	sadd.s32 $0x200, s20;
	s18 =	sadd.s32 $0x10, s18;
	[tilespmem:s22+$0x0] =	vst v28;
	s22 =	sadd.s32 $0x10, s22  }
0x184: {  	s3 =	sadd.s32 $0x1, s3  }
0x185: {  	p0 =	sne.s32 s3, s14  }
.Ltmp1:
0x186: {  	s0 =	simm.s32 $0x9930;
	(pc) =	sbr.rel @p0 .LBB2_1-.Ltmp1, $4  }
0x187: {  	[hbm4b:s13+s1] =	stream.linear.scatter [tilespmem:s0], [sflag:$0x2], $0x200, $0x38;
	[tilespmem:$0x9B30] =	vst v63  }
0x188: {  	_ =	swait.ge [sflag:s15], $0x200  }
0x189: {  	[sflag:s15] =	ssyncset.done $0x0  }
0x18a: {  	[sflag:s15] =	ssyncadd.s32 $0xFFFFFE00  }
0x18b: {  	_ =	sfence.sel $0x180000  }
0x18c: {  	[bflag:$0x0] =	sbarrier.arrive $0xFFFF  }
0x18d: {  	_ =	strace $0x90000053  }
0x18e: {  	s0 =	stileid.u32;
	[bflag:$0x2] =	sbarrier.arrive $0xFFFF  }
0x18f: {  	p0 =	sne.s32 s0, $0x0;
	s0 =	rddreg [dreg:$0x6]  }
0x190: {  	s0 =	sadd.s32 @!p0 $0x100000, s0  }
0x191: {  	[sflag:s0] =	ssyncadd.tile.s32 @!p0 $0x1;
	_ =	shalt  }
.Lfunc_end2:
_tile_overlayer_lowered:
.L_overlay_start_2:
0x192: {  	(tag) =	ssettag $0x2  }
0x193: {  	s0 =	rddreg [dreg:$0x0];
	s2 =	stileid.u32  }
0x194: {  	s1 =	rddreg [dreg:$0x1];
	p0 =	sne.s32 s2, $0x0  }
0x195: {  	s3 =	rddreg [dreg:$0x2];
	[bflag:$0x3] =	sbarrier.arrive $0xFFFF;
	s2 =	simm.s32 @!p0 $0x1C02  }
0x196: {  	[timem:s3], [sflag:s2] =	dma.local @!p0 [hbm:s0], s1  }
0x197: {  	s0 =	simm.s32 @!p0 $0x2  }
0x198: {  	_ =	swait.ge @!p0 [sflag:s0], s1  }
0x199: {  	s1 =	ssub.s32 @!p0 $0x0, s1;
	[sflag:s0] =	ssyncset.done @!p0 $0x0  }
0x19a: {  	[sflag:s0] =	ssyncadd.s32 @!p0 s1  }
0x19b: {  	[bflag:$0x3] =	sbarrier.arrive $0xFFFF  }
0x19c: {  	_ =	shalt  }

// kernel: sparse-core-data-format-call.1.cloned.1.call-start
scs
called_computation.1_lowered:
.L_overlay_start_0:
0x0: {  	s1 =	sld [smem:$0x3FD9]  }
0x1: {  	s2 =	sld [smem:$0x3FFE];
	_ =	sdelay $0x1  }
0x2: {  	s3 =	srdreg.scid  }
0x3: {  	s0 =	sand.u32 $0x1, s3  }
0x4: {  	s17 =	sshll.u32 s0, $0xA;
	s1 =	sadd.s32 s2, s1  }
0x5: {  	s1 =	sadd.s32 s1, s17  }
0x6: {  	[smem:$0x3FBD] =	sst s1  }
0x7: {  	_ = 	snop  }
0x8: {  	(tm) =	ssettm $0x1  }
0x9: {  	s18 =	sld [smem:$0x3FFB];
	_ =	sdelay $0x3  }
0xa: {  	_ =	strace s18  }
0xb: {  	s1 =	sld [smem:$0x3FFC];
	_ =	sdelay $0x3  }
0xc: {  	_ =	strace s1  }
0xd: {  	s1 =	sld [smem:$0x3FFD];
	_ =	sdelay $0x3  }
0xe: {  	_ =	strace s1  }
0xf: {  	_ =	strace $0x8FFFFFFF  }
0x10: {  	s19 =	sld [smem:$0x3FDB];
	_ =	sdelay $0x1  }
0x11: {  	s20 =	simm.s32 $_scs_section_size  }
0x12: {  	s4 =	simm.s32 $_size__tile_overlayer_lowered;
	s5 =	simm.s32 $_tile_overlayer_lowered  }
0x13: {  	s23 =	simm.s32 $0x1BFF;
	s22 =	sshll.u32 s5, $0x1;
	s1 =	sadd.s32 s20, s19  }
0x14: {  	s6 =	simm.s32 $0x0;
	s21 =	sshll.u32 s4, $0x1;
	s4 =	sadd.s32 s22, s1  }
0x15: {  	[timem:s6], [sflag:s23] =	dma.local [hbm:s4], s21  }
0x16: {  	_ =	swait.ge [sflag:s23], s21  }
0x17: {  	s2 =	ssub.s32 $0x0, s21;
	[sflag:s23] =	ssyncset.done $0x0  }
0x18: {  	[sflag:s23] =	ssyncadd.s32 s2;
	_ =	sdelay $0x1  }
0x19: {  	s24 =	simm.s32 $0x1B8B  }
0x1a: {  	_ =	swait.ge [sflag:s24], $0x1  }
0x1b: {  	[sflag:s24] =	ssyncset.done $0x0  }
0x1c: {  	s26 =	simm.s32 $0x1B8E;
	s25 =	sld [smem:$0x3FFE];
	[sflag:s24] =	ssyncadd.s32 $0xFFFFFFFF  }
0x1d: {  	s27 =	simm.s32 $execute0_lowered;
	[smem:$0x3FD2] =	sst s26  }
0x1e: {  	s4 =	sshll.u32 s27, $0x1;
	_ =	strace $0x80000046;
	[dreg:$0x1] =	wrdreg $0xFFFFFFFF  }
0x1f: {  	s28 =	simm.s32 $_size_execute0_lowered;
	s1 =	sadd.s32 s1, s4;
	[dreg:$0x0] =	wrdreg $0x0  }
0x20: {  	s4 =	sshll.u32 s28, $0x1;
	[dreg:$0x2] =	wrdreg s1  }
0x21: {  	[dreg:$0x3] =	wrdreg s4  }
0x22: {  	[dreg:$0x4] =	wrdreg $0xC0  }
0x23: {  	_ =	task [dreg:s6], $0x5FFFF  }
0x24: {  	[dreg:$0x1] =	wrdreg $0xFFFFFFFF  }
0x25: {  	[dreg:$0x0] =	wrdreg $0x60  }
0x26: {  	[dreg:$0x2] =	wrdreg s25  }
0x27: {  	[dreg:$0x3] =	wrdreg $0x9  }
0x28: {  	_ =	task.clear_ibuf [dreg:s6], $0x4FFFF;
	_ =	strace $0x90000046  }
0x29: {  	s29 =	simm.s32 $0x9;
	_ =	strace $0x80000048  }
0x2a: {  	_ =	swait.ge [sflag:s29], $0x1  }
0x2b: {  	[sflag:s29] =	ssyncadd.s32 $0xFFFFFFFF  }
0x2c: {  	_ =	strace $0x90000048  }
0x2d: {  	_ =	sfence  }
0x2e: {  	s30 =	sld [smem:$0x0];
	_ =	sdelay $0x2  }
0x2f: {  	s31 =	sshll.u32 s3, $0xD;
	s3 =	sshrl.u32 s3, $0x2  }
0x30: {  	s2 =	sand.u32 $0x4000, s31;
	s1 =	sadd.s32 s3, s30  }
0x31: {  	s0 =	sor.u32 s2, s0;
	s1 =	sshll.u32 s1, $0x11  }
0x32: {  	s0 =	sor.u32 s1, s0  }
0x33: {  	s0 =	sadd.s32 $0x8F2B, s0  }
0x34: {  	[sflag:s0] =	ssyncadd.remote.s32 $0x1  }
0x35: {  	_ =	sfence.sel $0xFFFF  }
0x36: {  	[dreg:$0x0] =	wrdreg $0xFFFFFFFF;
	(pc) =	sbr.abs _section_cstart, $3  }
0x37: {  	[dreg:$0x1] =	wrdreg $0xFFFFFFFF  }
0x38: {  	_ =	task.clear_ibuf [dreg:s6], $0x2FFFF;
	_ =	strace $0x9FFFFFFF  }
0x39: {  	(tm) =	ssettm $0x7FFFFFFF  }
tec
execute0_lowered:
.L_overlay_start_1:
0x0: {  	(tag) =	ssettag $0x1  }
0x1: {  	s0 =	srdreg.scid  }
0x2: {  	s5 =	rddreg [dreg:$0x0];
	s1 =	stileid.u32;
	s4 =	simm.s32 $0x1  }
0x3: {  	s6 =	simm.s32 $0x2;
	s15 =	simm.s32 $0x0;
	p0 =	por $0x0, $0x0  }
0x4: {  	s8 =	simm.s32 $0x80;
	s14 =	simm.s32 $0x0;
	s2 =	sshll.u32 s0, $0x4  }
0x5: {  	s9 =	simm.s32 $0x0;
	s10 =	simm.s32 $0x0;
	s2 =	sand.u32 $0x10, s2  }
.Ltmp0:
0x6: {  	s12 =	simm.s32 $0x0;
	s3 =	sor.u32 s1, s2;
	(pc) =	sbr.rel .LBB1_1-.Ltmp0, $4  }
0x7: {  	s0 =	rddreg [dreg:$0x1];
	_ =	strace $0x80000047;
	s3 =	sshll.u32 s3, $0x7  }
0x8: {  	s13 =	simm.s32 $0x0;
	[sflag:s4] =	ssyncpa.u1 $0x0;
	s7 =	ssub.s32 $0xF4200, s3  }
0x9: {  	s2 =	sadd.s32 $0x1C00, s5;
	[sflag:s6] =	ssyncpa.u1 $0x0;
	s6 =	sshrl.u32 s7, $0xC  }
0xa: {  	s5 =	sadd.s32 $0x3D2600, s5;
	s11 =	smov.u32 s3;
	s7 =	sadd.s32 $0x2, s6  }
.LBB1_5:
0xb: {  	p1 =	slt.u32 s13, $0x2  }
0xc: {  	s17 =	smov.u32 s15;
	p2 =	sgt.s32 @!p1 s15, $0xF41C0;
	s16 =	sshra.s32 @!p1 s15, $0x1F  }
0xd: {  	p3 =	sgt.s32 @!p1 s14, $0x40;
	s18 =	sshra.s32 @!p1 s14, $0x1F;
	p2 =	por !p2, p1  }
0xe: {  	s15 =	sand.u32 @!p1 s16, s15;
	p3 =	por !p3, p1;
	s16 =	smov.u32 s14  }
0xf: {  	s14 =	sand.u32 @!p1 s18, s14;
	s17 =	simm.s32 @p2 $0xF41C0;
	s16 =	simm.s32 @p3 $0x40  }
0x10: {  	s15 =	ssub.s32 @!p1 s17, s15;
	s14 =	ssub.s32 @!p1 s16, s14  }
0x11: {  	s18 =	smov.u32 s12;
	s16 =	sadd.s32 @!p1 $0xFFF0BE40, s15;
	s17 =	sadd.s32 @!p1 $0xFFFFFFC0, s14  }
0x12: {  	s15 =	ssub.s32 @!p1 $0xF4240, s15;
	p2 =	sgt.s32 @!p1 s16, $0x7F;
	p3 =	sgt.s32 @!p1 s17, $0x3F  }
0x13: {  	s14 =	ssub.s32 @!p1 $0x80, s14;
	p2 =	por !p2, p1;
	p3 =	por !p3, p1  }
0x14: {  	s16 =	sadd.s32 $0x1000, s11;
	s15 =	simm.s32 @!p2 $0x0;
	s14 =	simm.s32 @!p3 $0x0  }
0x15: {  	p2 =	sgt.s32 s16, $0xF423F;
	s14 =	smul.u32 @!p1 s14, s15;
	s15 =	sadd.s32 $0x40, s12  }
0x16: {  	s18 =	smov.u32 @p2 s15  }
0x17: {  	s16 =	smov.u32 @p2 s3;
	p2 =	sgt.s32 s18, $0x3F  }
0x18: {  	p0 =	por !p0, !p0;
	s18 =	simm.s32 @p2 $0x0;
	p2 =	sne.s32 s13, s7  }
.Ltmp1:
0x19: {  	s17 =	simm.s32 @!p1 $0x2;
	s14 =	sshrl.u32 @!p1 s14, $0x1;
	(pc) =	sbr.rel @!p2 .LBB1_6-.Ltmp1, $4  }
0x1a: {  	s15 =	smov.u32 s9;
	s9 =	smov.u32 s11;
	s14 =	sand.u32 @!p1 $0x3FFFFFFF, s14  }
0x1b: {  	s11 =	smov.u32 s16;
	s13 =	sadd.s32 $0x1, s13;
	_ =	swait.ge @!p1 [sflag:s17], s14  }
0x1c: {  	s19 =	ssub.s32 @!p1 $0x0, s14;
	s14 =	smov.u32 s10;
	[sflag:s17] =	ssyncset.done @!p1 $0x0  }
0x1d: {  	s10 =	smov.u32 s12;
	s12 =	smov.u32 s18;
	[sflag:s17] =	ssyncadd.s32 @!p1 s19  }
.LBB1_1:
0x1e: {  	p1 =	sgt.u32 s13, s6  }
0x1f: {  	s16 =	sshrl.u32 @!p1 s12, $0x4  }
0x20: {  	s17 =	sshll.u32 @!p1 s11, $0x4;
	s16 =	smul.u32 @!p1 $0xF42800, s16  }
0x21: {  	s18 =	sshll.u32 @!p1 s12, $0x7;
	s17 =	sand.u32 @!p1 $0xFFFFF800, s17  }
0x22: {  	s16 =	sadd.s32 @!p1 s16, s17;
	s17 =	sand.u32 @!p1 $0x700, s18;
	s18 =	sshll.u32 @!p1 s11, $0x1  }
0x23: {  	s16 =	sor.u32 @!p1 s17, s16;
	s17 =	sand.u32 @!p1 $0xFE, s18  }
0x24: {  	s18 =	sand.u32 @!p1 $0x1, s12;
	s16 =	sor.u32 @!p1 s17, s16  }
0x25: {  	s17 =	sor.u32 @!p1 s18, s16  }
0x26: {  	s18 =	smulhi.u32 @!p1 $0x218D6287, s17;
	_ =	sdelay $0x1  }
0x27: {  	s16 =	smulhi.u32 @!p1 $0x218D6287, s16;
	s18 =	sshrl.u32 @!p1 s18, $0x11  }
0x28: {  	s18 =	smul.u32 @!p1 $0xF4280, s18  }
0x29: {  	s16 =	sshrl.u32 @!p1 s16, $0x11  }
0x2a: {  	s16 =	sand.u32 @!p1 $0x3F, s16;
	s17 =	ssub.s32 @!p1 s17, s18  }
0x2b: {  	s16 =	smul.u32 @!p1 $0xF428, s16;
	s18 =	sshrl.u32 @!p1 s17, $0x4  }
0x2c: {  	s19 =	sxor.u32 @!p1 $0xFFFFFFFF, s13;
	s17 =	sshll.u32 @!p1 s17, $0x11;
	s18 =	sadd.s32 @!p1 s2, s18  }
0x2d: {  	s17 =	sand.u32 @!p1 $0x1C0000, s17;
	s16 =	sadd.s32 @!p1 s16, s18;
	s18 =	sshll.u32 @!p1 s19, $0xC  }
0x2e: {  	s17 =	sor.u32 @!p1 $0x400, s17;
	s19 =	simm.s32 @!p1 $0x7A1400;
	s18 =	sand.u32 @!p1 $0x1000, s18  }
0x2f: {  	[tilespmem:s18], [sflag:$0x1] =	stream.strided.gather @!p1 [hbm4b:s16+s17], $0x1000, s19, s17, $0x38;
	[tilespmem:$0x4080] =	vst v63  }
0x30: {  	p1 =	seq.s32 s13, $0x0  }
0x31: {  	p2 =	sge.u32 @!p1 s13, s7  }
0x32: {  	p1 =	por p1, p2  }
.Ltmp2:
0x33: {  	_ = 	snop;
	(pc) =	sbr.rel @p1 .LBB1_5-.Ltmp2, $1  }
0x34: {  	_ =	sdelay $0x3  }
0x35: {  	s16 =	simm.s32 $0x1  }
0x36: {  	_ =	swait.ge [sflag:s4], $0x1000;
	s16 =	simm.s32 @!p0 $0x0  }
0x37: {  	[sflag:s4] =	ssyncset.done $0x0;
	s16 =	sshll.u32 s16, $0xC  }
0x38: {  	[sflag:s4] =	ssyncadd.s32 $0xFFFFF000;
	s16 =	sor.u32 $0x40, s16  }
0x39: {  	v0 =	vld [tilespmem:s16+$0x20]  }
0x3a: {  	v1 =	vld [tilespmem:s16+$0x30]  }
0x3b: {  	v2 =	vld [tilespmem:s16+$0xFFFFFFD0]  }
0x3c: {  	v5 =	vld [tilespmem:s16+$0x0]  }
0x3d: {  	v6 =	vld [tilespmem:s16+$0x10]  }
0x3e: {  	s17 =	sand.u32 $0x1, s13;
	v3 =	vld [tilespmem:s16+$0xFFFFFFE0]  }
0x3f: {  	s17 =	smul.u32 $0x4100, s17;
	v4 =	vld [tilespmem:s16+$0xFFFFFFF0]  }
0x40: {  	s18 =	simm.s32 $0x0;
	v1 =	vperm.xlane.i2c.b16 v1  }
0x41: {  	s19 =	sand.u32 $0x3C, s18;
	s17 =	sshrl.u32 s17, $0x2;
	v8 =	vld [tilespmem:s16+$0xFFFFFFC0];
	s20 =	sadd.s32 $0x80, s16;
	v7 =	vperm.xlane.i2c.b16 v0;
	v0 =	vperm.xlane.i2c.b16 v2  }
0x42: {  	s30 =	sand.u32 $0x40, s18;
	s31 =	sshrl.u32 s19, $0x1;
	s16 =	sor.u32 $0x2000, s17;
	v11 =	vld [tilespmem:s20+$0x30];
	v10 =	vperm.xlane.i2c.b16 v5;
	v13 =	vperm.xlane.i2c.b16 v6  }
0x43: {  	s17 =	sshrl.u32 s30, $0x1;
	s18 =	sadd.s32 s31, s16;
	v2 =	vld [tilespmem:s20+$0x20];
	v3 =	vperm.xlane.i2c.b16 v3;
	v9 =	vcombine.low v7, v1  }
0x44: {  	v12 =	vld [tilespmem:s20+$0xFFFFFFD0];
	s17 =	sadd.s32 s17, s18;
	v4 =	vperm.xlane.i2c.b16 v4;
	v14 =	vcombine.low v10, v13  }
0x45: {  	v1 =	vcombine.high v7, v1;
	v7 =	vld [tilespmem:s20+$0xFFFFFFE0];
	[tilespmem:s17+$0xC30 ss:$0x41] =	vst.msk $0xffff, v9  }
0x46: {  	v6 =	vld [tilespmem:s20+$0xFFFFFFF0];
	v5 =	vperm.xlane.i2c.b16 v8;
	v9 =	vcombine.low v3, v4;
	[tilespmem:s17+$0x820 ss:$0x41] =	vst.msk $0xffff, v14  }
0x47: {  	s18 =	simm.s32 $0x4;
	v8 =	vperm.xlane.i2c.b16 v11;
	[tilespmem:s17+$0xC31 ss:$0x41] =	vst.msk $0xffff, v1;
	v1 =	vcombine.high v3, v4;
	v4 =	vld [tilespmem:s20+$0x0]  }
0x48: {  	s19 =	simm.s32 $0x2;
	s22 =	sand.u32 $0x3C, s18;
	v10 =	vcombine.high v10, v13;
	v3 =	vld [tilespmem:s20+$0x10];
	[tilespmem:s17+$0x410 ss:$0x41] =	vst.msk $0xffff, v9;
	v9 =	vperm.xlane.i2c.b16 v2  }
0x49: {  	s21 =	sand.u32 $0x40, s18;
	s22 =	sshrl.u32 s22, $0x1;
	v11 =	vcombine.low v5, v0;
	v2 =	vld [tilespmem:s20+$0xFFFFFFC0];
	s20 =	sadd.s32 $0x80, s20;
	[tilespmem:s17+$0x411 ss:$0x41] =	vst.msk $0xffff, v1;
	v1 =	vperm.xlane.i2c.b16 v12  }
.LBB1_3:
0x4a: {  	v12 =	vld [tilespmem:s20+$0x20];
	s22 =	sadd.s32 s22, s16;
	s21 =	sshrl.u32 s21, $0x1;
	v13 =	vperm.xlane.i2c.b16 v7;
	v7 =	vcombine.low v9, v8;
	[tilespmem:s17+$0x821 ss:$0x41] =	vst.msk $0xffff, v10  }
0x4b: {  	s19 =	sadd.s32 $0x2, s19;
	v14 =	vld [tilespmem:s20+$0x30];
	s21 =	sadd.s32 s21, s22;
	v10 =	vperm.xlane.i2c.b16 v6;
	v6 =	vcombine.high v9, v8;
	[tilespmem:s17+$0x0 ss:$0x41] =	vst.msk $0xffff, v11  }
0x4c: {  	p1 =	slt.u32 s19, $0x3E;
	v11 =	vld [tilespmem:s20+$0xFFFFFFD0];
	v8 =	vperm.xlane.i2c.b16 v4;
	[tilespmem:s21+$0xC30 ss:$0x41] =	vst.msk $0xffff, v7;
	v4 =	vcombine.high v5, v0;
	v0 =	vmov v1  }
.Ltmp3:
0x4d: {  	v7 =	vld [tilespmem:s20+$0xFFFFFFE0];
	v1 =	vcombine.low v13, v10;
	v3 =	vperm.xlane.i2c.b16 v3;
	[tilespmem:s21+$0xC31 ss:$0x41] =	vst.msk $0xffff, v6;
	(pc) =	sbr.rel @p1 .LBB1_3-.Ltmp3, $4  }
0x4e: {  	v6 =	vld [tilespmem:s20+$0xFFFFFFF0];
	v5 =	vperm.xlane.i2c.b16 v2;
	v2 =	vcombine.high v13, v10;
	[tilespmem:s17+$0x1 ss:$0x41] =	vst.msk $0xffff, v4;
	s17 =	smov.u32 s21  }
0x4f: {  	s18 =	sadd.s32 $0x4, s18;
	v4 =	vld [tilespmem:s20+$0x0];
	[tilespmem:s17+$0x410 ss:$0x41] =	vst.msk $0xffff, v1;
	v13 =	vcombine.low v8, v3;
	v10 =	vcombine.high v8, v3  }
0x50: {  	s22 =	sand.u32 $0x3C, s18;
	v9 =	vperm.xlane.i2c.b16 v12;
	v3 =	vld [tilespmem:s20+$0x10];
	v8 =	vperm.xlane.i2c.b16 v14;
	[tilespmem:s17+$0x411 ss:$0x41] =	vst.msk $0xffff, v2  }
0x51: {  	s22 =	sshrl.u32 s22, $0x1;
	s21 =	sand.u32 $0x40, s18;
	v2 =	vld [tilespmem:s20+$0xFFFFFFC0];
	v1 =	vperm.xlane.i2c.b16 v11;
	s20 =	sadd.s32 $0x80, s20;
	v11 =	vcombine.low v5, v0;
	[tilespmem:s17+$0x820 ss:$0x41] =	vst.msk $0xffff, v13  }
0x52: {  	s18 =	sadd.s32 s22, s16;
	s19 =	sshll.u32 s9, $0x7;
	s20 =	sshll.u32 s10, $0x4  }
0x53: {  	s21 =	sshrl.u32 s21, $0x1;
	s24 =	sshll.u32 s10, $0x1;
	p1 =	sgt.s32 s9, $0xF41C0  }
0x54: {  	s22 =	smov.u32 s9;
	s26 =	sshra.s32 s9, $0x1F;
	s23 =	sand.u32 $0xFFFFF800, s19  }
0x55: {  	s20 =	sand.u32 $0xFFFFF800, s20;
	s19 =	sand.u32 $0x700, s19;
	s25 =	sand.u32 $0x80, s24  }
0x56: {  	s18 =	sadd.s32 s21, s18;
	s22 =	simm.s32 @!p1 $0xF41C0;
	p1 =	sgt.s32 s10, $0x40  }
0x57: {  	s21 =	smov.u32 s10;
	s20 =	sadd.s32 s20, s23;
	s23 =	sshra.s32 s10, $0x1F  }
0x58: {  	s21 =	simm.s32 @!p1 $0x40;
	s19 =	sor.u32 s19, s20;
	s20 =	sand.u32 s26, s9  }
0x59: {  	v7 =	vperm.xlane.i2c.b16 v7;
	[tilespmem:s17+$0x821 ss:$0x41] =	vst.msk $0xffff, v10;
	v0 =	vcombine.high v5, v0;
	s23 =	sand.u32 s23, s10;
	s19 =	sor.u32 s25, s19;
	s20 =	ssub.s32 s22, s20  }
0x5a: {  	v57 =	vcombine.low v9, v8;
	v6 =	vperm.xlane.i2c.b16 v6;
	[tilespmem:s17+$0x0 ss:$0x41] =	vst.msk $0xffff, v11;
	s21 =	ssub.s32 s21, s23;
	s19 =	sshrl.u32 s19, $0x7;
	s22 =	sadd.s32 $0xFFF0BE40, s20  }
0x5b: {  	v58 =	vcombine.high v9, v8;
	v4 =	vperm.xlane.i2c.b16 v4;
	[tilespmem:s17+$0x1 ss:$0x41] =	vst.msk $0xffff, v0;
	s23 =	sadd.s32 $0xFFFFFFC0, s21;
	s20 =	ssub.s32 $0xF4240, s20;
	s21 =	ssub.s32 $0x80, s21  }
0x5c: {  	[tilespmem:s18+$0xC30 ss:$0x41] =	vst.msk $0xffff, v57;
	v59 =	vcombine.low v7, v6;
	v3 =	vperm.xlane.i2c.b16 v3;
	s27 =	smulhi.u32 $0x218DEF5, s19;
	p1 =	sgt.s32 s22, $0x7F;
	p2 =	sgt.s32 s23, $0x3F  }
0x5d: {  	[tilespmem:s18+$0xC31 ss:$0x41] =	vst.msk $0xffff, v58;
	v60 =	vcombine.high v7, v6;
	s20 =	simm.s32 @p1 $0x0;
	s21 =	simm.s32 @p2 $0x0  }
0x5e: {  	v2 =	vperm.xlane.i2c.b16 v2;
	[tilespmem:s18+$0x410 ss:$0x41] =	vst.msk $0xffff, v59;
	v61 =	vcombine.low v4, v3;
	s17 =	sshrl.u32 s27, $0xD;
	s20 =	smul.u32 s21, s20  }
0x5f: {  	v3 =	vcombine.high v4, v3;
	[tilespmem:s18+$0x411 ss:$0x41] =	vst.msk $0xffff, v60;
	s17 =	smul.u32 $0xF4240, s17  }
.Ltmp4:
0x60: {  	s28 =	sshrl.u32 s10, $0x3;
	s29 =	sand.u32 $0x7, s10;
	v62 =	vcombine.low v2, v1;
	[tilespmem:s18+$0x820 ss:$0x41] =	vst.msk $0xffff, v61;
	(pc) =	sbr.rel .LBB1_5-.Ltmp4, $4  }
0x61: {  	v63 =	vcombine.high v2, v1;
	[tilespmem:s18+$0x821 ss:$0x41] =	vst.msk $0xffff, v3;
	s21 =	sshll.u32 s29, $0x12;
	s17 =	ssub.s32 s19, s17;
	s19 =	sand.u32 $0x7, s28  }
0x62: {  	[tilespmem:s18+$0x0 ss:$0x41] =	vst.msk $0xffff, v62;
	s20 =	sshrl.u32 s20, $0x1;
	s17 =	sshll.u32 s17, $0x3;
	s19 =	sadd.s32 s5, s19  }
0x63: {  	[tilespmem:s18+$0x1 ss:$0x41] =	vst.msk $0xffff, v63;
	s31 =	sor.u32 $0x40, s21;
	s30 =	sand.u32 $0x3FFFFFFF, s20;
	s17 =	sadd.s32 s17, s19  }
0x64: {  	[hbm4b:s17+s31] =	stream.strided.scatter [tilespmem:s16], [sflag:$0x2], s30, s8, s31, $0x18;
	[tilespmem:$0x4080] =	vst v63  }
.LBB1_6:
0x65: {  	_ =	sfence.sel $0x180000  }
0x66: {  	s2 =	simm.s32 $0x1;
	[bflag:$0x0] =	sbarrier.arrive $0xFFFF  }
0x67: {  	s31 =	simm.s32 $0x2;
	[sflag:s2] =	ssyncpa.u1 $0x1  }
0x68: {  	[sflag:s31] =	ssyncpa.u1 $0x1  }
0x69: {  	p0 =	sne.s32 s1, $0x0;
	_ =	strace $0x90000047  }
0x6a: {  	s0 =	sadd.s32 @!p0 $0x100000, s0;
	[bflag:$0x2] =	sbarrier.arrive $0xFFFF  }
0x6b: {  	[sflag:s0] =	ssyncadd.tile.s32 @!p0 $0x1;
	_ =	shalt  }
.Lfunc_end1:
_tile_overlayer_lowered:
.L_overlay_start_2:
0x6c: {  	(tag) =	ssettag $0x2  }
0x6d: {  	s0 =	rddreg [dreg:$0x0];
	s2 =	stileid.u32  }
0x6e: {  	s1 =	rddreg [dreg:$0x1];
	p0 =	sne.s32 s2, $0x0  }
0x6f: {  	s3 =	rddreg [dreg:$0x2];
	[bflag:$0x3] =	sbarrier.arrive $0xFFFF;
	s2 =	simm.s32 @!p0 $0x1C01  }
0x70: {  	[timem:s3], [sflag:s2] =	dma.local @!p0 [hbm:s0], s1  }
0x71: {  	s0 =	simm.s32 @!p0 $0x1  }
0x72: {  	_ =	swait.ge @!p0 [sflag:s0], s1  }
0x73: {  	s1 =	ssub.s32 @!p0 $0x0, s1;
	[sflag:s0] =	ssyncset.done @!p0 $0x0  }
0x74: {  	[sflag:s0] =	ssyncadd.s32 @!p0 s1  }
0x75: {  	[bflag:$0x3] =	sbarrier.arrive $0xFFFF  }
0x76: {  	_ =	shalt  }

// kernel: sparse-core-data-format-call.2.cloned.1.call-start
scs
called_computation.2_lowered:
.L_overlay_start_0:
0x0: {  	s2 =	sld [smem:$0x3FD9]  }
0x1: {  	s3 =	sld [smem:$0x3FFE];
	_ =	sdelay $0x1  }
0x2: {  	s1 =	srdreg.scid  }
0x3: {  	s0 =	sand.u32 $0x1, s1  }
0x4: {  	s18 =	sshll.u32 s0, $0xA;
	s2 =	sadd.s32 s3, s2  }
0x5: {  	s2 =	sadd.s32 s2, s18  }
0x6: {  	[smem:$0x3FBD] =	sst s2  }
0x7: {  	_ = 	snop  }
0x8: {  	(tm) =	ssettm $0x1  }
0x9: {  	s19 =	sld [smem:$0x3FFB];
	_ =	sdelay $0x3  }
0xa: {  	_ =	strace s19  }
0xb: {  	s2 =	sld [smem:$0x3FFC];
	_ =	sdelay $0x3  }
0xc: {  	_ =	strace s2  }
0xd: {  	s2 =	sld [smem:$0x3FFD];
	_ =	sdelay $0x3  }
0xe: {  	_ =	strace s2  }
0xf: {  	_ =	strace $0x8FFFFFFF  }
0x10: {  	s20 =	sld [smem:$0x3FDB];
	_ =	sdelay $0x1  }
0x11: {  	s21 =	simm.s32 $_scs_section_size  }
0x12: {  	s4 =	simm.s32 $_size__tile_overlayer_lowered;
	s5 =	simm.s32 $_tile_overlayer_lowered  }
0x13: {  	s6 =	simm.s32 $0x1BFF;
	s22 =	sshll.u32 s5, $0x1;
	s3 =	sadd.s32 s21, s20  }
0x14: {  	s23 =	simm.s32 $0x0;
	s4 =	sshll.u32 s4, $0x1;
	s5 =	sadd.s32 s22, s3  }
0x15: {  	[timem:s23], [sflag:s6] =	dma.local [hbm:s5], s4  }
0x16: {  	_ =	swait.ge [sflag:s6], s4  }
0x17: {  	s4 =	ssub.s32 $0x0, s4;
	[sflag:s6] =	ssyncset.done $0x0  }
0x18: {  	[sflag:s6] =	ssyncadd.s32 s4;
	_ =	sdelay $0x1  }
0x19: {  	s24 =	simm.s32 $0x1B8B  }
0x1a: {  	_ =	swait.ge [sflag:s24], $0x1  }
0x1b: {  	[sflag:s24] =	ssyncset.done $0x0  }
0x1c: {  	[sflag:s24] =	ssyncadd.s32 $0xFFFFFFFF  }
0x1d: {  	s4 =	sld [smem:$0x0]  }
0x1e: {  	s5 =	sand.u32 $0xFFFFFFFE, s1  }
0x1f: {  	p0 =	sne.s32 s1, s5  }
0x20: {  	s5 =	sshll.u32 @p0 s5, $0xE  }
0x21: {  	s5 =	sadd.s32 @p0 $0x11B8D, s5;
	s6 =	sshll.u32 @p0 s4, $0x11  }
0x22: {  	s5 =	sor.u32 @p0 s6, s5  }
0x23: {  	[sflag:s5] =	ssyncadd.remote.s32 @p0 $0x1;
	_ =	sdelay $0x1  }
0x24: {  	s5 =	simm.s32 @p0 $0x1B8D  }
0x25: {  	_ =	swait.eq @p0 [sflag:s5], $0x1  }
0x26: {  	[sflag:s5] =	ssyncadd.s32 @p0 $0xFFFFFFFF  }
0x27: {  	s6 =	sshll.u32 @!p0 s1, $0xE  }
0x28: {  	s6 =	sor.u32 @!p0 $0x4000, s6;
	s5 =	simm.s32 @!p0 $0x1B8D  }
0x29: {  	s4 =	sshll.u32 @!p0 s4, $0x11;
	s6 =	sadd.s32 @!p0 $0x11B8D, s6;
	_ =	swait.eq @!p0 [sflag:s5], $0x1  }
0x2a: {  	s4 =	sor.u32 @!p0 s4, s6;
	[sflag:s5] =	ssyncadd.s32 @!p0 $0xFFFFFFFF  }
0x2b: {  	s26 =	simm.s32 $0x1B8E;
	s25 =	sld [smem:$0x3FFE];
	[sflag:s4] =	ssyncadd.remote.s32 @!p0 $0x1  }
0x2c: {  	s27 =	simm.s32 $execute0_lowered;
	[smem:$0x3FD2] =	sst s26  }
0x2d: {  	s5 =	sshll.u32 s27, $0x1;
	_ =	strace $0x8000004F;
	[dreg:$0x1] =	wrdreg $0xFFFFFFFF  }
0x2e: {  	s28 =	simm.s32 $_size_execute0_lowered;
	s3 =	sadd.s32 s3, s5;
	[dreg:$0x0] =	wrdreg $0x0  }
0x2f: {  	s5 =	sshll.u32 s28, $0x1;
	[dreg:$0x2] =	wrdreg s3  }
0x30: {  	[dreg:$0x3] =	wrdreg s5  }
0x31: {  	[dreg:$0x4] =	wrdreg $0xC0  }
0x32: {  	_ =	task [dreg:s23], $0x5FFFF  }
0x33: {  	[dreg:$0x1] =	wrdreg $0xFFFFFFFF  }
0x34: {  	[dreg:$0x0] =	wrdreg $0x60  }
0x35: {  	[dreg:$0x2] =	wrdreg s25  }
0x36: {  	[dreg:$0x3] =	wrdreg $0xA  }
0x37: {  	_ =	task.clear_ibuf [dreg:s23], $0x4FFFF;
	_ =	strace $0x9000004F  }
0x38: {  	s29 =	simm.s32 $0xA;
	_ =	strace $0x80000051  }
0x39: {  	_ =	swait.ge [sflag:s29], $0x1  }
0x3a: {  	[sflag:s29] =	ssyncadd.s32 $0xFFFFFFFF  }
0x3b: {  	_ =	strace $0x90000051  }
0x3c: {  	_ =	sfence  }
0x3d: {  	s30 =	sld [smem:$0x0];
	_ =	sdelay $0x2  }
0x3e: {  	s31 =	sshll.u32 s1, $0xD;
	s1 =	sshrl.u32 s1, $0x2  }
0x3f: {  	s4 =	sand.u32 $0x4000, s31;
	s1 =	sadd.s32 s1, s30  }
0x40: {  	s0 =	sor.u32 s4, s0;
	s1 =	sshll.u32 s1, $0x11  }
0x41: {  	s0 =	sor.u32 s1, s0  }
0x42: {  	s0 =	sadd.s32 $0x8F2B, s0  }
0x43: {  	[sflag:s0] =	ssyncadd.remote.s32 $0x1  }
0x44: {  	_ =	sfence.sel $0xFFFF  }
0x45: {  	[dreg:$0x0] =	wrdreg $0xFFFFFFFF;
	(pc) =	sbr.abs _section_cstart, $3  }
0x46: {  	[dreg:$0x1] =	wrdreg $0xFFFFFFFF  }
0x47: {  	_ =	task.clear_ibuf [dreg:s23], $0x2FFFF;
	_ =	strace $0x9FFFFFFF  }
0x48: {  	(tm) =	ssettm $0x7FFFFFFF  }
0x49: {  	_ =	shalt  }
tec
execute0_lowered:
.L_overlay_start_1:
0x0: {  	(tag) =	ssettag $0x1  }
0x1: {  	s0 =	srdreg.scid  }
0x2: {  	s5 =	rddreg [dreg:$0x0];
	s1 =	stileid.u32;
	s4 =	simm.s32 $0x1  }
0x3: {  	s6 =	simm.s32 $0x2;
	s8 =	simm.s32 $0x0;
	s2 =	sshll.u32 s0, $0x4  }
0x4: {  	s9 =	simm.s32 $0x0;
	s13 =	simm.s32 $0x0;
	s2 =	sand.u32 $0x10, s2  }
.Ltmp0:
0x5: {  	s10 =	simm.s32 $0x0;
	s3 =	sor.u32 s1, s2;
	(pc) =	sbr.rel .LBB1_1-.Ltmp0, $4  }
0x6: {  	s0 =	rddreg [dreg:$0x1];
	_ =	strace $0x80000050;
	s3 =	sshll.u32 s3, $0x4  }
0x7: {  	s12 =	simm.s32 $0x0;
	[sflag:s4] =	ssyncpa.u1 $0x0;
	s7 =	ssub.s32 $0x7A10, s3  }
0x8: {  	s2 =	sadd.s32 $0xB73A00, s5;
	[sflag:s6] =	ssyncpa.u1 $0x0;
	s6 =	sshrl.u32 s7, $0x9  }
0x9: {  	s5 =	sadd.s32 $0x7A3000, s5;
	s11 =	smov.u32 s3;
	s7 =	sor.u32 $0x2, s6  }
.LBB1_7:
0xa: {  	s15 =	sshll.u32 s12, $0xF  }
0xb: {  	s15 =	sand.u32 $0x8000, s15  }
0xc: {  	s16 =	sshll.u32 s10, $0x7;
	s15 =	sshrl.u32 s15, $0x1  }
0xd: {  	s16 =	sadd.s32 s5, s16;
	s15 =	sor.u32 $0x8000, s15  }
0xe: {  	[hbm4b:s16+s8] =	stream.linear.scatter [tilespmem:s15], [sflag:$0x2], s14, $0x38;
	[tilespmem:$0x10000] =	vst v63  }
.LBB1_8:
0xf: {  	p0 =	slt.u32 s12, $0x2  }
0x10: {  	p1 =	sgt.s32 @!p0 s13, $0x7A02  }
0x11: {  	s14 =	smov.u32 s13;
	s15 =	sshra.s32 @!p0 s13, $0x1F;
	p1 =	por !p1, p0  }
0x12: {  	s13 =	sand.u32 @!p0 s15, s13;
	s14 =	simm.s32 @p1 $0x7A02  }
0x13: {  	s13 =	ssub.s32 @!p0 s14, s13  }
0x14: {  	s13 =	sadd.s32 @!p0 $0xFFFF85FE, s13  }
0x15: {  	s14 =	sshll.u32 @!p0 s13, $0xC  }
0x16: {  	p1 =	sgt.s32 @!p0 s13, $0xF;
	s13 =	ssub.s32 @!p0 $0x10000, s14  }
0x17: {  	s15 =	sadd.s32 $0x200, s11;
	p1 =	por !p1, p0;
	s13 =	sshrl.u32 @!p0 s13, $0x2  }
0x18: {  	s13 =	simm.s32 @!p1 $0x0;
	p1 =	sgt.s32 s15, $0x7A11  }
0x19: {  	s15 =	smov.u32 @p1 s3;
	p1 =	sne.s32 s12, s7  }
.Ltmp1:
0x1a: {  	_ = 	snop;
	(pc) =	sbr.rel @!p1 .LBB1_9-.Ltmp1, $4  }
0x1b: {  	s14 =	simm.s32 @!p0 $0x2  }
0x1c: {  	s9 =	sadd.s32 $0x8000, s9;
	_ =	swait.ge @!p0 [sflag:s14], s13;
	s16 =	ssub.s32 @!p0 $0x0, s13  }
0x1d: {  	s13 =	smov.u32 s10;
	s12 =	sadd.s32 $0x1, s12;
	[sflag:s14] =	ssyncset.done @!p0 $0x0  }
0x1e: {  	s10 =	smov.u32 s11;
	s11 =	smov.u32 s15;
	[sflag:s14] =	ssyncadd.s32 @!p0 s16  }
.LBB1_1:
0x1f: {  	p0 =	sgt.u32 s12, s6  }
0x20: {  	p1 =	sgt.s32 @!p0 s11, $0x7A02  }
0x21: {  	s14 =	smov.u32 s11;
	s15 =	sshra.s32 @!p0 s11, $0x1F;
	p1 =	por !p1, p0  }
0x22: {  	s15 =	sand.u32 @!p0 s15, s11;
	s14 =	simm.s32 @p1 $0x7A02  }
0x23: {  	s14 =	ssub.s32 @!p0 s14, s15  }
0x24: {  	s14 =	sadd.s32 @!p0 $0xFFFF85FE, s14  }
0x25: {  	s16 =	sshll.u32 @!p0 s11, $0x7;
	s17 =	simm.s32 @!p0 $0x0;
	s15 =	sshll.u32 @!p0 s14, $0xC  }
0x26: {  	p1 =	sgt.s32 @!p0 s14, $0xF;
	s14 =	ssub.s32 @!p0 $0x10000, s15;
	s15 =	sxor.u32 @!p0 $0xFFFFFFFF, s12  }
0x27: {  	p1 =	por !p1, p0;
	s14 =	sshrl.u32 @!p0 s14, $0x2;
	s15 =	sshll.u32 @!p0 s15, $0xE  }
0x28: {  	s16 =	sadd.s32 @!p0 s2, s16;
	s14 =	simm.s32 @!p1 $0x0;
	s15 =	sand.u32 @!p0 $0x4000, s15  }
0x29: {  	[tilespmem:s15], [sflag:$0x1] =	stream.linear.gather @!p0 [hbm4b:s16+s17], s14, $0x38;
	[tilespmem:$0x10000] =	vst v63  }
0x2a: {  	p0 =	seq.s32 s12, $0x0  }
0x2b: {  	p1 =	sge.u32 @!p0 s12, s7  }
0x2c: {  	p0 =	por p0, p1  }
.Ltmp2:
0x2d: {  	_ = 	snop;
	(pc) =	sbr.rel @p0 .LBB1_8-.Ltmp2, $1  }
0x2e: {  	_ =	sdelay $0x3  }
0x2f: {  	p0 =	sgt.s32 s10, $0x7A02;
	s14 =	smov.u32 s10;
	s15 =	sshra.s32 s10, $0x1F  }
0x30: {  	s14 =	simm.s32 @!p0 $0x7A02;
	s15 =	sand.u32 s15, s10  }
0x31: {  	s14 =	ssub.s32 s14, s15  }
0x32: {  	s16 =	sadd.s32 $0x10, s10;
	s14 =	sadd.s32 $0xFFFF85FE, s14  }
0x33: {  	p1 =	slt.s32 s16, $0x7A12;
	s30 =	sshll.u32 s14, $0xC  }
0x34: {  	s16 =	simm.s32 @!p1 $0x7A12;
	s15 =	ssub.s32 $0x10000, s30  }
0x35: {  	p0 =	sgt.s32 s14, $0xF;
	s14 =	sshrl.u32 s15, $0x2;
	s15 =	ssub.s32 s16, s10  }
0x36: {  	s14 =	simm.s32 @p0 $0x0;
	p0 =	slt.s32 s15, $0x1  }
.Ltmp3:
0x37: {  	_ = 	snop;
	(pc) =	sbr.rel @p0 .LBB1_7-.Ltmp3, $4  }
0x38: {  	_ = 	snop  }
0x39: {  	_ =	swait.ge [sflag:s4], s14  }
0x3a: {  	s31 =	ssub.s32 $0x0, s14;
	[sflag:s4] =	ssyncset.done $0x0  }
0x3b: {  	[sflag:s4] =	ssyncadd.s32 s31  }
0x3c: {  	s16 =	sshrl.u32 s9, $0x1  }
0x3d: {  	s17 =	sand.u32 $0x4000, s16  }
0x3e: {  	s18 =	simm.s32 $0x0;
	s16 =	sor.u32 $0x200, s17;
	s17 =	sor.u32 $0x8080, s17  }
.LBB1_4:
0x3f: {  	v0 =	vld [tilespmem:s16+$0xFFFFFE70]  }
0x40: {  	v1 =	vld [tilespmem:s16+$0x70]  }
0x41: {  	v2 =	vld [tilespmem:s16+$0x0]  }
0x42: {  	v3 =	vld [tilespmem:s16+$0xFFFFFE10]  }
0x43: {  	v4 =	vld [tilespmem:s16+$0x10]  }
0x44: {  	v5 =	vld [tilespmem:s16+$0xFFFFFE20]  }
0x45: {  	v7 =	vld [tilespmem:s16+$0x20]  }
0x46: {  	v11 =	vld [tilespmem:s16+$0x30];
	v6 =	vunpack.i.l.s16.s32 v0;
	v8 =	vunpack.i.u.s16.s32 v0;
	v9 =	vunpack.i.u.s16.s32 v1  }
0x47: {  	v10 =	vunpack.i.l.s16.s32 v1;
	v0 =	vunpack.i.u.s16.s32 v2;
	v1 =	vunpack.i.l.s16.s32 v2;
	v2 =	vld [tilespmem:s16+$0xFFFFFE30]  }
0x48: {  	v8 =	vpack.i.b32.b16 v9, v8;
	v9 =	vunpack.i.u.s16.s32 v3;
	v3 =	vunpack.i.l.s16.s32 v3  }
0x49: {  	v12 =	vld [tilespmem:s16+$0xFFFFFE40];
	v6 =	vpack.i.b32.b16 v10, v6;
	[tilespmem:s17+$0x70] =	vst v8;
	v8 =	vunpack.i.u.s16.s32 v4;
	v4 =	vunpack.i.l.s16.s32 v4  }
0x4a: {  	v13 =	vld [tilespmem:s16+$0x40];
	v10 =	vunpack.i.u.s16.s32 v5;
	v5 =	vunpack.i.l.s16.s32 v5;
	[tilespmem:s17+$0xFFFFFFF0] =	vst v6;
	v3 =	vpack.i.b32.b16 v4, v3  }
0x4b: {  	v6 =	vunpack.i.l.s16.s32 v7;
	v4 =	vld [tilespmem:s16+$0xFFFFFE50];
	[tilespmem:s17+$0xFFFFFF90] =	vst v3;
	v3 =	vpack.i.b32.b16 v8, v9;
	v8 =	vunpack.i.u.s16.s32 v7  }
0x4c: {  	v7 =	vunpack.i.l.s16.s32 v11;
	[tilespmem:s17+$0x10] =	vst v3;
	v3 =	vpack.i.b32.b16 v6, v5;
	v9 =	vunpack.i.u.s16.s32 v2;
	v6 =	vld [tilespmem:s16+$0x50]  }
0x4d: {  	v5 =	vunpack.i.l.s16.s32 v2;
	v2 =	vld [tilespmem:s16+$0xFFFFFE60];
	[tilespmem:s17+$0xFFFFFFA0] =	vst v3;
	v3 =	vpack.i.b32.b16 v8, v10;
	v10 =	vunpack.i.u.s16.s32 v11  }
0x4e: {  	s21 =	simm.s32 $0x0;
	v11 =	vpack.i.b32.b16 v7, v5;
	v7 =	vunpack.i.u.s16.s32 v12;
	v8 =	vunpack.i.l.s16.s32 v12;
	[tilespmem:s17+$0x20] =	vst v3;
	v3 =	vld [tilespmem:s16+$0x60]  }
0x4f: {  	s22 =	sadd.s32 $0x80, s16;
	s20 =	smov.u32 s17;
	s19 =	smov.u32 s17;
	v5 =	vld [tilespmem:s16+$0xFFFFFE00];
	[tilespmem:s17+$0xFFFFFFB0] =	vst v11;
	v10 =	vpack.i.b32.b16 v10, v9;
	v9 =	vunpack.i.u.s16.s32 v13;
	v11 =	vunpack.i.l.s16.s32 v13  }
.LBB1_5:
0x50: {  	v12 =	vld [tilespmem:s22+$0xFFFFFE70];
	[tilespmem:s20+$0x30] =	vst v10;
	v8 =	vpack.i.b32.b16 v11, v8;
	v10 =	vunpack.i.u.s16.s32 v4;
	v4 =	vunpack.i.l.s16.s32 v4  }
0x51: {  	s21 =	sadd.s32 $0x2, s21;
	v7 =	vpack.i.b32.b16 v9, v7;
	v11 =	vld [tilespmem:s22+$0x70];
	[tilespmem:s20+$0xFFFFFFC0] =	vst v8;
	v8 =	vunpack.i.u.s16.s32 v6;
	v6 =	vunpack.i.l.s16.s32 v6  }
0x52: {  	p0 =	slt.u32 s21, $0x6;
	v9 =	vld [tilespmem:s22+$0x0];
	[tilespmem:s20+$0x40] =	vst v7;
	v4 =	vpack.i.b32.b16 v6, v4;
	v6 =	vunpack.i.u.s16.s32 v2;
	v2 =	vunpack.i.l.s16.s32 v2  }
0x53: {  	v7 =	vld [tilespmem:s22+$0xFFFFFE10];
	[tilespmem:s20+$0xFFFFFFD0] =	vst v4;
	v4 =	vpack.i.b32.b16 v8, v10;
	v8 =	vunpack.i.u.s16.s32 v3;
	v3 =	vunpack.i.l.s16.s32 v3  }
0x54: {  	v10 =	vld [tilespmem:s22+$0x10];
	v13 =	vunpack.i.u.s16.s32 v5;
	v5 =	vunpack.i.l.s16.s32 v5;
	[tilespmem:s20+$0x50] =	vst v4;
	v2 =	vpack.i.b32.b16 v3, v2  }
0x55: {  	v3 =	vld [tilespmem:s22+$0xFFFFFE20];
	v4 =	vunpack.i.l.s16.s32 v12;
	v1 =	vpack.i.b32.b16 v1, v5;
	v5 =	vpack.i.b32.b16 v0, v13;
	[tilespmem:s20+$0xFFFFFFE0] =	vst v2  }
0x56: {  	v12 =	vunpack.i.u.s16.s32 v12;
	v2 =	vld [tilespmem:s22+$0x20];
	v13 =	vunpack.i.u.s16.s32 v11;
	v11 =	vunpack.i.l.s16.s32 v11;
	[tilespmem:s20+$0xFFFFFF80] =	vst v1  }
0x57: {  	s20 =	sadd.s32 $0x100, s20;
	v0 =	vunpack.i.u.s16.s32 v9;
	v1 =	vunpack.i.l.s16.s32 v9;
	v9 =	vld [tilespmem:s22+$0xFFFFFE30];
	v12 =	vpack.i.b32.b16 v13, v12;
	[tilespmem:s19+$0x0] =	vst v5  }
0x58: {  	v6 =	vpack.i.b32.b16 v8, v6;
	v5 =	vunpack.i.u.s16.s32 v7;
	v7 =	vunpack.i.l.s16.s32 v7;
	v13 =	vld [tilespmem:s22+$0x30];
	[tilespmem:s20+$0x70] =	vst v12  }
0x59: {  	v4 =	vpack.i.b32.b16 v11, v4;
	v8 =	vunpack.i.u.s16.s32 v10;
	v10 =	vunpack.i.l.s16.s32 v10;
	v12 =	vld [tilespmem:s22+$0xFFFFFE40];
	[tilespmem:s19+$0x60] =	vst v6;
	s19 =	smov.u32 s20  }
0x5a: {  	v6 =	vpack.i.b32.b16 v10, v7;
	v7 =	vunpack.i.u.s16.s32 v3;
	v3 =	vunpack.i.l.s16.s32 v3;
	v11 =	vld [tilespmem:s22+$0x40];
	[tilespmem:s20+$0xFFFFFFF0] =	vst v4  }
.Ltmp4:
0x5b: {  	v5 =	vpack.i.b32.b16 v8, v5;
	[tilespmem:s20+$0xFFFFFF90] =	vst v6;
	v8 =	vunpack.i.u.s16.s32 v2;
	v2 =	vunpack.i.l.s16.s32 v2;
	v4 =	vld [tilespmem:s22+$0xFFFFFE50];
	(pc) =	sbr.rel @p0 .LBB1_5-.Ltmp4, $4  }
0x5c: {  	[tilespmem:s20+$0x10] =	vst v5;
	v2 =	vpack.i.b32.b16 v2, v3;
	v10 =	vunpack.i.u.s16.s32 v9;
	v3 =	vunpack.i.l.s16.s32 v9;
	v6 =	vld [tilespmem:s22+$0x50]  }
0x5d: {  	v5 =	vpack.i.b32.b16 v8, v7;
	[tilespmem:s20+$0xFFFFFFA0] =	vst v2;
	v9 =	vunpack.i.u.s16.s32 v13;
	v7 =	vunpack.i.l.s16.s32 v13;
	v2 =	vld [tilespmem:s22+$0xFFFFFE60]  }
0x5e: {  	[tilespmem:s20+$0x20] =	vst v5;
	v13 =	vpack.i.b32.b16 v7, v3;
	v7 =	vunpack.i.u.s16.s32 v12;
	v8 =	vunpack.i.l.s16.s32 v12;
	v3 =	vld [tilespmem:s22+$0x60]  }
0x5f: {  	v10 =	vpack.i.b32.b16 v9, v10;
	v5 =	vld [tilespmem:s22+$0xFFFFFE00];
	[tilespmem:s20+$0xFFFFFFB0] =	vst v13;
	v9 =	vunpack.i.u.s16.s32 v11;
	v11 =	vunpack.i.l.s16.s32 v11;
	s22 =	sadd.s32 $0x80, s22  }
0x60: {  	[tilespmem:s20+$0x30] =	vst v10;
	v8 =	vpack.i.b32.b16 v11, v8  }
0x61: {  	v51 =	vunpack.i.l.s16.s32 v4;
	v7 =	vpack.i.b32.b16 v9, v7;
	[tilespmem:s20+$0xFFFFFFC0] =	vst v8;
	v52 =	vunpack.i.l.s16.s32 v6  }
0x62: {  	v53 =	vunpack.i.u.s16.s32 v4;
	s18 =	sadd.s32 $0x1, s18;
	v54 =	vunpack.i.u.s16.s32 v6;
	[tilespmem:s20+$0x40] =	vst v7;
	v55 =	vpack.i.b32.b16 v52, v51  }
0x63: {  	p0 =	sne.s32 s18, s15;
	v56 =	vunpack.i.l.s16.s32 v2;
	v4 =	vpack.i.b32.b16 v54, v53;
	[tilespmem:s20+$0xFFFFFFD0] =	vst v55;
	v57 =	vunpack.i.l.s16.s32 v3  }
.Ltmp5:
0x64: {  	[tilespmem:s20+$0x50] =	vst v4;
	v58 =	vunpack.i.l.s16.s32 v5;
	v59 =	vpack.i.b32.b16 v57, v56;
	(pc) =	sbr.rel @p0 .LBB1_4-.Ltmp5, $4  }
.Ltmp6:
0x65: {  	v61 =	vunpack.i.u.s16.s32 v2;
	v62 =	vunpack.i.u.s16.s32 v3;
	v1 =	vpack.i.b32.b16 v1, v58;
	[tilespmem:s20+$0xFFFFFFE0] =	vst v59;
	(pc) =	sbr.rel @!p0 .LBB1_7-.Ltmp6, $4  }
0x66: {  	v60 =	vunpack.i.u.s16.s32 v5;
	v63 =	vpack.i.b32.b16 v62, v61;
	[tilespmem:s20+$0xFFFFFF80] =	vst v1  }
0x67: {  	v0 =	vpack.i.b32.b16 v0, v60;
	[tilespmem:s19+$0x60] =	vst v63  }
0x68: {  	s16 =	sadd.s32 $0x400, s16;
	s17 =	sadd.s32 $0x400, s17;
	[tilespmem:s19+$0x0] =	vst v0  }
0x69: {  	_ = 	snop  }
.LBB1_9:
0x6a: {  	_ =	sfence.sel $0x180000  }
0x6b: {  	s2 =	simm.s32 $0x1;
	[bflag:$0x0] =	sbarrier.arrive $0xFFFF  }
0x6c: {  	s31 =	simm.s32 $0x2;
	[sflag:s2] =	ssyncpa.u1 $0x1  }
0x6d: {  	[sflag:s31] =	ssyncpa.u1 $0x1  }
0x6e: {  	p0 =	sne.s32 s1, $0x0;
	_ =	strace $0x90000050  }
0x6f: {  	s0 =	sadd.s32 @!p0 $0x100000, s0;
	[bflag:$0x2] =	sbarrier.arrive $0xFFFF  }
0x70: {  	[sflag:s0] =	ssyncadd.tile.s32 @!p0 $0x1;
	_ =	shalt  }
.Lfunc_end1:
_tile_overlayer_lowered:
.L_overlay_start_2:
0x71: {  	(tag) =	ssettag $0x2  }
0x72: {  	s0 =	rddreg [dreg:$0x0];
	s2 =	stileid.u32  }
0x73: {  	s1 =	rddreg [dreg:$0x1];
	p0 =	sne.s32 s2, $0x0  }
0x74: {  	s3 =	rddreg [dreg:$0x2];
	[bflag:$0x3] =	sbarrier.arrive $0xFFFF;
	s2 =	simm.s32 @!p0 $0x1C01  }
0x75: {  	[timem:s3], [sflag:s2] =	dma.local @!p0 [hbm:s0], s1  }
0x76: {  	s0 =	simm.s32 @!p0 $0x1  }
0x77: {  	_ =	swait.ge @!p0 [sflag:s0], s1  }
0x78: {  	s1 =	ssub.s32 @!p0 $0x0, s1;
	[sflag:s0] =	ssyncset.done @!p0 $0x0  }
0x79: {  	[sflag:s0] =	ssyncadd.s32 @!p0 s1  }
0x7a: {  	[bflag:$0x3] =	sbarrier.arrive $0xFFFF  }
0x7b: {  	_ =	shalt  }

// kernel: sparse-core-data-format-call.3.cloned.1.call-start
scs
called_computation.3_lowered:
.L_overlay_start_0:
0x0: {  	s2 =	sld [smem:$0x3FD9]  }
0x1: {  	s3 =	sld [smem:$0x3FFE];
	_ =	sdelay $0x1  }
0x2: {  	s1 =	srdreg.scid  }
0x3: {  	s0 =	sand.u32 $0x1, s1  }
0x4: {  	s18 =	sshll.u32 s0, $0xA;
	s2 =	sadd.s32 s3, s2  }
0x5: {  	s2 =	sadd.s32 s2, s18  }
0x6: {  	[smem:$0x3FBD] =	sst s2  }
0x7: {  	_ = 	snop  }
0x8: {  	(tm) =	ssettm $0x1  }
0x9: {  	s19 =	sld [smem:$0x3FFB];
	_ =	sdelay $0x3  }
0xa: {  	_ =	strace s19  }
0xb: {  	s2 =	sld [smem:$0x3FFC];
	_ =	sdelay $0x3  }
0xc: {  	_ =	strace s2  }
0xd: {  	s2 =	sld [smem:$0x3FFD];
	_ =	sdelay $0x3  }
0xe: {  	_ =	strace s2  }
0xf: {  	_ =	strace $0x8FFFFFFF  }
0x10: {  	s20 =	sld [smem:$0x3FDB];
	_ =	sdelay $0x1  }
0x11: {  	s21 =	simm.s32 $_scs_section_size  }
0x12: {  	s4 =	simm.s32 $_size__tile_overlayer_lowered;
	s5 =	simm.s32 $_tile_overlayer_lowered  }
0x13: {  	s6 =	simm.s32 $0x1BFF;
	s22 =	sshll.u32 s5, $0x1;
	s3 =	sadd.s32 s21, s20  }
0x14: {  	s23 =	simm.s32 $0x0;
	s4 =	sshll.u32 s4, $0x1;
	s5 =	sadd.s32 s22, s3  }
0x15: {  	[timem:s23], [sflag:s6] =	dma.local [hbm:s5], s4  }
0x16: {  	_ =	swait.ge [sflag:s6], s4  }
0x17: {  	s4 =	ssub.s32 $0x0, s4;
	[sflag:s6] =	ssyncset.done $0x0  }
0x18: {  	[sflag:s6] =	ssyncadd.s32 s4;
	_ =	sdelay $0x1  }
0x19: {  	s24 =	simm.s32 $0x1B8B  }
0x1a: {  	_ =	swait.ge [sflag:s24], $0x1  }
0x1b: {  	[sflag:s24] =	ssyncset.done $0x0  }
0x1c: {  	[sflag:s24] =	ssyncadd.s32 $0xFFFFFFFF  }
0x1d: {  	s4 =	sld [smem:$0x0]  }
0x1e: {  	s5 =	sand.u32 $0xFFFFFFFE, s1  }
0x1f: {  	p0 =	sne.s32 s1, s5  }
0x20: {  	s5 =	sshll.u32 @p0 s5, $0xE  }
0x21: {  	s5 =	sadd.s32 @p0 $0x11B8D, s5;
	s6 =	sshll.u32 @p0 s4, $0x11  }
0x22: {  	s5 =	sor.u32 @p0 s6, s5  }
0x23: {  	[sflag:s5] =	ssyncadd.remote.s32 @p0 $0x1;
	_ =	sdelay $0x1  }
0x24: {  	s5 =	simm.s32 @p0 $0x1B8D  }
0x25: {  	_ =	swait.eq @p0 [sflag:s5], $0x1  }
0x26: {  	[sflag:s5] =	ssyncadd.s32 @p0 $0xFFFFFFFF  }
0x27: {  	s6 =	sshll.u32 @!p0 s1, $0xE  }
0x28: {  	s6 =	sor.u32 @!p0 $0x4000, s6;
	s5 =	simm.s32 @!p0 $0x1B8D  }
0x29: {  	s4 =	sshll.u32 @!p0 s4, $0x11;
	s6 =	sadd.s32 @!p0 $0x11B8D, s6;
	_ =	swait.eq @!p0 [sflag:s5], $0x1  }
0x2a: {  	s4 =	sor.u32 @!p0 s4, s6;
	[sflag:s5] =	ssyncadd.s32 @!p0 $0xFFFFFFFF  }
0x2b: {  	s26 =	simm.s32 $0x1B8E;
	s25 =	sld [smem:$0x3FFE];
	[sflag:s4] =	ssyncadd.remote.s32 @!p0 $0x1  }
0x2c: {  	s27 =	simm.s32 $execute0_lowered;
	[smem:$0x3FD2] =	sst s26  }
0x2d: {  	s5 =	sshll.u32 s27, $0x1;
	_ =	strace $0x80000049;
	[dreg:$0x1] =	wrdreg $0xFFFFFFFF  }
0x2e: {  	s28 =	simm.s32 $_size_execute0_lowered;
	s3 =	sadd.s32 s3, s5;
	[dreg:$0x0] =	wrdreg $0x0  }
0x2f: {  	s5 =	sshll.u32 s28, $0x1;
	[dreg:$0x2] =	wrdreg s3  }
0x30: {  	[dreg:$0x3] =	wrdreg s5  }
0x31: {  	[dreg:$0x4] =	wrdreg $0xC0  }
0x32: {  	_ =	task [dreg:s23], $0x5FFFF  }
0x33: {  	[dreg:$0x1] =	wrdreg $0xFFFFFFFF  }
0x34: {  	[dreg:$0x0] =	wrdreg $0x60  }
0x35: {  	[dreg:$0x2] =	wrdreg s25  }
0x36: {  	[dreg:$0x3] =	wrdreg $0xA  }
0x37: {  	_ =	task.clear_ibuf [dreg:s23], $0x4FFFF;
	_ =	strace $0x90000049  }
0x38: {  	s29 =	simm.s32 $0xA;
	_ =	strace $0x8000004B  }
0x39: {  	_ =	swait.ge [sflag:s29], $0x1  }
0x3a: {  	[sflag:s29] =	ssyncadd.s32 $0xFFFFFFFF  }
0x3b: {  	_ =	strace $0x9000004B  }
0x3c: {  	_ =	sfence  }
0x3d: {  	s30 =	sld [smem:$0x0];
	_ =	sdelay $0x2  }
0x3e: {  	s31 =	sshll.u32 s1, $0xD;
	s1 =	sshrl.u32 s1, $0x2  }
0x3f: {  	s4 =	sand.u32 $0x4000, s31;
	s1 =	sadd.s32 s1, s30  }
0x40: {  	s0 =	sor.u32 s4, s0;
	s1 =	sshll.u32 s1, $0x11  }
0x41: {  	s0 =	sor.u32 s1, s0  }
0x42: {  	s0 =	sadd.s32 $0x8F2B, s0  }
0x43: {  	[sflag:s0] =	ssyncadd.remote.s32 $0x1  }
0x44: {  	_ =	sfence.sel $0xFFFF  }
0x45: {  	[dreg:$0x0] =	wrdreg $0xFFFFFFFF;
	(pc) =	sbr.abs _section_cstart, $3  }
0x46: {  	[dreg:$0x1] =	wrdreg $0xFFFFFFFF  }
0x47: {  	_ =	task.clear_ibuf [dreg:s23], $0x2FFFF;
	_ =	strace $0x9FFFFFFF  }
0x48: {  	(tm) =	ssettm $0x7FFFFFFF  }
0x49: {  	_ =	shalt  }
tec
execute0_lowered:
.L_overlay_start_1:
0x0: {  	(tag) =	ssettag $0x1  }
0x1: {  	s0 =	srdreg.scid  }
0x2: {  	s5 =	rddreg [dreg:$0x0];
	s1 =	stileid.u32;
	s4 =	simm.s32 $0x1  }
0x3: {  	s6 =	simm.s32 $0x2;
	s15 =	simm.s32 $0x0;
	p0 =	por $0x0, $0x0  }
0x4: {  	s8 =	simm.s32 $0x80;
	s14 =	simm.s32 $0x0;
	s2 =	sshll.u32 s0, $0x4  }
0x5: {  	s9 =	simm.s32 $0x0;
	s10 =	simm.s32 $0x0;
	s2 =	sand.u32 $0x10, s2  }
.Ltmp0:
0x6: {  	s12 =	simm.s32 $0x0;
	s3 =	sor.u32 s1, s2;
	(pc) =	sbr.rel .LBB1_1-.Ltmp0, $4  }
0x7: {  	s0 =	rddreg [dreg:$0x1];
	_ =	strace $0x8000004A;
	s3 =	sshll.u32 s3, $0x7  }
0x8: {  	s13 =	simm.s32 $0x0;
	[sflag:s4] =	ssyncpa.u1 $0x0;
	s7 =	ssub.s32 $0xF4200, s3  }
0x9: {  	s2 =	sadd.s32 $0xB73800, s5;
	[sflag:s6] =	ssyncpa.u1 $0x0;
	s6 =	sshrl.u32 s7, $0xC  }
0xa: {  	s5 =	sadd.s32 $0xF44200, s5;
	s11 =	smov.u32 s3;
	s7 =	sadd.s32 $0x2, s6  }
.LBB1_5:
0xb: {  	p1 =	slt.u32 s13, $0x2  }
0xc: {  	s17 =	smov.u32 s15;
	p2 =	sgt.s32 @!p1 s15, $0xF41C0;
	s16 =	sshra.s32 @!p1 s15, $0x1F  }
0xd: {  	p3 =	sgt.s32 @!p1 s14, $0x40;
	s18 =	sshra.s32 @!p1 s14, $0x1F;
	p2 =	por !p2, p1  }
0xe: {  	s15 =	sand.u32 @!p1 s16, s15;
	p3 =	por !p3, p1;
	s16 =	smov.u32 s14  }
0xf: {  	s14 =	sand.u32 @!p1 s18, s14;
	s17 =	simm.s32 @p2 $0xF41C0;
	s16 =	simm.s32 @p3 $0x40  }
0x10: {  	s15 =	ssub.s32 @!p1 s17, s15;
	s14 =	ssub.s32 @!p1 s16, s14  }
0x11: {  	s18 =	smov.u32 s12;
	s16 =	sadd.s32 @!p1 $0xFFF0BE40, s15;
	s17 =	sadd.s32 @!p1 $0xFFFFFFC0, s14  }
0x12: {  	s15 =	ssub.s32 @!p1 $0xF4240, s15;
	p2 =	sgt.s32 @!p1 s16, $0x7F;
	p3 =	sgt.s32 @!p1 s17, $0x3F  }
0x13: {  	s14 =	ssub.s32 @!p1 $0x80, s14;
	p2 =	por !p2, p1;
	p3 =	por !p3, p1  }
0x14: {  	s16 =	sadd.s32 $0x1000, s11;
	s15 =	simm.s32 @!p2 $0x0;
	s14 =	simm.s32 @!p3 $0x0  }
0x15: {  	p2 =	sgt.s32 s16, $0xF423F;
	s14 =	smul.u32 @!p1 s14, s15;
	s15 =	sadd.s32 $0x40, s12  }
0x16: {  	s18 =	smov.u32 @p2 s15  }
0x17: {  	s16 =	smov.u32 @p2 s3;
	p2 =	sgt.s32 s18, $0x3F  }
0x18: {  	p0 =	por !p0, !p0;
	s18 =	simm.s32 @p2 $0x0;
	p2 =	sne.s32 s13, s7  }
.Ltmp1:
0x19: {  	s17 =	simm.s32 @!p1 $0x2;
	s14 =	sshrl.u32 @!p1 s14, $0x1;
	(pc) =	sbr.rel @!p2 .LBB1_6-.Ltmp1, $4  }
0x1a: {  	s15 =	smov.u32 s9;
	s9 =	smov.u32 s11;
	s14 =	sand.u32 @!p1 $0x3FFFFFFF, s14  }
0x1b: {  	s11 =	smov.u32 s16;
	s13 =	sadd.s32 $0x1, s13;
	_ =	swait.ge @!p1 [sflag:s17], s14  }
0x1c: {  	s19 =	ssub.s32 @!p1 $0x0, s14;
	s14 =	smov.u32 s10;
	[sflag:s17] =	ssyncset.done @!p1 $0x0  }
0x1d: {  	s10 =	smov.u32 s12;
	s12 =	smov.u32 s18;
	[sflag:s17] =	ssyncadd.s32 @!p1 s19  }
.LBB1_1:
0x1e: {  	p1 =	sgt.u32 s13, s6  }
0x1f: {  	s16 =	sshrl.u32 @!p1 s12, $0x4  }
0x20: {  	s17 =	sshll.u32 @!p1 s11, $0x4;
	s16 =	smul.u32 @!p1 $0xF42800, s16  }
0x21: {  	s18 =	sshll.u32 @!p1 s12, $0x7;
	s17 =	sand.u32 @!p1 $0xFFFFF800, s17  }
0x22: {  	s16 =	sadd.s32 @!p1 s16, s17;
	s17 =	sand.u32 @!p1 $0x700, s18;
	s18 =	sshll.u32 @!p1 s11, $0x1  }
0x23: {  	s16 =	sor.u32 @!p1 s17, s16;
	s17 =	sand.u32 @!p1 $0xFE, s18  }
0x24: {  	s18 =	sand.u32 @!p1 $0x1, s12;
	s16 =	sor.u32 @!p1 s17, s16  }
0x25: {  	s17 =	sor.u32 @!p1 s18, s16  }
0x26: {  	s18 =	smulhi.u32 @!p1 $0x218D6287, s17;
	_ =	sdelay $0x1  }
0x27: {  	s16 =	smulhi.u32 @!p1 $0x218D6287, s16;
	s18 =	sshrl.u32 @!p1 s18, $0x11  }
0x28: {  	s18 =	smul.u32 @!p1 $0xF4280, s18  }
0x29: {  	s16 =	sshrl.u32 @!p1 s16, $0x11  }
0x2a: {  	s16 =	sand.u32 @!p1 $0x3F, s16;
	s17 =	ssub.s32 @!p1 s17, s18  }
0x2b: {  	s16 =	smul.u32 @!p1 $0xF428, s16;
	s18 =	sshrl.u32 @!p1 s17, $0x4  }
0x2c: {  	s19 =	sxor.u32 @!p1 $0xFFFFFFFF, s13;
	s17 =	sshll.u32 @!p1 s17, $0x11;
	s18 =	sadd.s32 @!p1 s2, s18  }
0x2d: {  	s17 =	sand.u32 @!p1 $0x1C0000, s17;
	s16 =	sadd.s32 @!p1 s16, s18;
	s18 =	sshll.u32 @!p1 s19, $0xC  }
0x2e: {  	s17 =	sor.u32 @!p1 $0x400, s17;
	s19 =	simm.s32 @!p1 $0x7A1400;
	s18 =	sand.u32 @!p1 $0x1000, s18  }
0x2f: {  	[tilespmem:s18], [sflag:$0x1] =	stream.strided.gather @!p1 [hbm4b:s16+s17], $0x1000, s19, s17, $0x38;
	[tilespmem:$0x4080] =	vst v63  }
0x30: {  	p1 =	seq.s32 s13, $0x0  }
0x31: {  	p2 =	sge.u32 @!p1 s13, s7  }
0x32: {  	p1 =	por p1, p2  }
.Ltmp2:
0x33: {  	_ = 	snop;
	(pc) =	sbr.rel @p1 .LBB1_5-.Ltmp2, $1  }
0x34: {  	_ =	sdelay $0x3  }
0x35: {  	s16 =	simm.s32 $0x1  }
0x36: {  	_ =	swait.ge [sflag:s4], $0x1000;
	s16 =	simm.s32 @!p0 $0x0  }
0x37: {  	[sflag:s4] =	ssyncset.done $0x0;
	s16 =	sshll.u32 s16, $0xC  }
0x38: {  	[sflag:s4] =	ssyncadd.s32 $0xFFFFF000;
	s16 =	sor.u32 $0x40, s16  }
0x39: {  	v0 =	vld [tilespmem:s16+$0x20]  }
0x3a: {  	v1 =	vld [tilespmem:s16+$0x30]  }
0x3b: {  	v2 =	vld [tilespmem:s16+$0xFFFFFFD0]  }
0x3c: {  	v5 =	vld [tilespmem:s16+$0x0]  }
0x3d: {  	v6 =	vld [tilespmem:s16+$0x10]  }
0x3e: {  	s17 =	sand.u32 $0x1, s13;
	v3 =	vld [tilespmem:s16+$0xFFFFFFE0]  }
0x3f: {  	s17 =	smul.u32 $0x4100, s17;
	v4 =	vld [tilespmem:s16+$0xFFFFFFF0]  }
0x40: {  	s18 =	simm.s32 $0x0;
	v1 =	vperm.xlane.i2c.b16 v1  }
0x41: {  	s19 =	sand.u32 $0x3C, s18;
	s17 =	sshrl.u32 s17, $0x2;
	v8 =	vld [tilespmem:s16+$0xFFFFFFC0];
	s20 =	sadd.s32 $0x80, s16;
	v7 =	vperm.xlane.i2c.b16 v0;
	v0 =	vperm.xlane.i2c.b16 v2  }
0x42: {  	s30 =	sand.u32 $0x40, s18;
	s31 =	sshrl.u32 s19, $0x1;
	s16 =	sor.u32 $0x2000, s17;
	v11 =	vld [tilespmem:s20+$0x30];
	v10 =	vperm.xlane.i2c.b16 v5;
	v13 =	vperm.xlane.i2c.b16 v6  }
0x43: {  	s17 =	sshrl.u32 s30, $0x1;
	s18 =	sadd.s32 s31, s16;
	v2 =	vld [tilespmem:s20+$0x20];
	v3 =	vperm.xlane.i2c.b16 v3;
	v9 =	vcombine.low v7, v1  }
0x44: {  	v12 =	vld [tilespmem:s20+$0xFFFFFFD0];
	s17 =	sadd.s32 s17, s18;
	v4 =	vperm.xlane.i2c.b16 v4;
	v14 =	vcombine.low v10, v13  }
0x45: {  	v1 =	vcombine.high v7, v1;
	v7 =	vld [tilespmem:s20+$0xFFFFFFE0];
	[tilespmem:s17+$0xC30 ss:$0x41] =	vst.msk $0xffff, v9  }
0x46: {  	v6 =	vld [tilespmem:s20+$0xFFFFFFF0];
	v5 =	vperm.xlane.i2c.b16 v8;
	v9 =	vcombine.low v3, v4;
	[tilespmem:s17+$0x820 ss:$0x41] =	vst.msk $0xffff, v14  }
0x47: {  	s18 =	simm.s32 $0x4;
	v8 =	vperm.xlane.i2c.b16 v11;
	[tilespmem:s17+$0xC31 ss:$0x41] =	vst.msk $0xffff, v1;
	v1 =	vcombine.high v3, v4;
	v4 =	vld [tilespmem:s20+$0x0]  }
0x48: {  	s19 =	simm.s32 $0x2;
	s22 =	sand.u32 $0x3C, s18;
	v10 =	vcombine.high v10, v13;
	v3 =	vld [tilespmem:s20+$0x10];
	[tilespmem:s17+$0x410 ss:$0x41] =	vst.msk $0xffff, v9;
	v9 =	vperm.xlane.i2c.b16 v2  }
0x49: {  	s21 =	sand.u32 $0x40, s18;
	s22 =	sshrl.u32 s22, $0x1;
	v11 =	vcombine.low v5, v0;
	v2 =	vld [tilespmem:s20+$0xFFFFFFC0];
	s20 =	sadd.s32 $0x80, s20;
	[tilespmem:s17+$0x411 ss:$0x41] =	vst.msk $0xffff, v1;
	v1 =	vperm.xlane.i2c.b16 v12  }
.LBB1_3:
0x4a: {  	v12 =	vld [tilespmem:s20+$0x20];
	s22 =	sadd.s32 s22, s16;
	s21 =	sshrl.u32 s21, $0x1;
	v13 =	vperm.xlane.i2c.b16 v7;
	v7 =	vcombine.low v9, v8;
	[tilespmem:s17+$0x821 ss:$0x41] =	vst.msk $0xffff, v10  }
0x4b: {  	s19 =	sadd.s32 $0x2, s19;
	v14 =	vld [tilespmem:s20+$0x30];
	s21 =	sadd.s32 s21, s22;
	v10 =	vperm.xlane.i2c.b16 v6;
	v6 =	vcombine.high v9, v8;
	[tilespmem:s17+$0x0 ss:$0x41] =	vst.msk $0xffff, v11  }
0x4c: {  	p1 =	slt.u32 s19, $0x3E;
	v11 =	vld [tilespmem:s20+$0xFFFFFFD0];
	v8 =	vperm.xlane.i2c.b16 v4;
	[tilespmem:s21+$0xC30 ss:$0x41] =	vst.msk $0xffff, v7;
	v4 =	vcombine.high v5, v0;
	v0 =	vmov v1  }
.Ltmp3:
0x4d: {  	v7 =	vld [tilespmem:s20+$0xFFFFFFE0];
	v1 =	vcombine.low v13, v10;
	v3 =	vperm.xlane.i2c.b16 v3;
	[tilespmem:s21+$0xC31 ss:$0x41] =	vst.msk $0xffff, v6;
	(pc) =	sbr.rel @p1 .LBB1_3-.Ltmp3, $4  }
0x4e: {  	v6 =	vld [tilespmem:s20+$0xFFFFFFF0];
	v5 =	vperm.xlane.i2c.b16 v2;
	v2 =	vcombine.high v13, v10;
	[tilespmem:s17+$0x1 ss:$0x41] =	vst.msk $0xffff, v4;
	s17 =	smov.u32 s21  }
0x4f: {  	s18 =	sadd.s32 $0x4, s18;
	v4 =	vld [tilespmem:s20+$0x0];
	[tilespmem:s17+$0x410 ss:$0x41] =	vst.msk $0xffff, v1;
	v13 =	vcombine.low v8, v3;
	v10 =	vcombine.high v8, v3  }
0x50: {  	s22 =	sand.u32 $0x3C, s18;
	v9 =	vperm.xlane.i2c.b16 v12;
	v3 =	vld [tilespmem:s20+$0x10];
	v8 =	vperm.xlane.i2c.b16 v14;
	[tilespmem:s17+$0x411 ss:$0x41] =	vst.msk $0xffff, v2  }
0x51: {  	s22 =	sshrl.u32 s22, $0x1;
	s21 =	sand.u32 $0x40, s18;
	v2 =	vld [tilespmem:s20+$0xFFFFFFC0];
	v1 =	vperm.xlane.i2c.b16 v11;
	s20 =	sadd.s32 $0x80, s20;
	v11 =	vcombine.low v5, v0;
	[tilespmem:s17+$0x820 ss:$0x41] =	vst.msk $0xffff, v13  }
0x52: {  	s18 =	sadd.s32 s22, s16;
	s19 =	sshll.u32 s9, $0x7;
	s20 =	sshll.u32 s10, $0x4  }
0x53: {  	s21 =	sshrl.u32 s21, $0x1;
	s24 =	sshll.u32 s10, $0x1;
	p1 =	sgt.s32 s9, $0xF41C0  }
0x54: {  	s22 =	smov.u32 s9;
	s26 =	sshra.s32 s9, $0x1F;
	s23 =	sand.u32 $0xFFFFF800, s19  }
0x55: {  	s20 =	sand.u32 $0xFFFFF800, s20;
	s19 =	sand.u32 $0x700, s19;
	s25 =	sand.u32 $0x80, s24  }
0x56: {  	s18 =	sadd.s32 s21, s18;
	s22 =	simm.s32 @!p1 $0xF41C0;
	p1 =	sgt.s32 s10, $0x40  }
0x57: {  	s21 =	smov.u32 s10;
	s20 =	sadd.s32 s20, s23;
	s23 =	sshra.s32 s10, $0x1F  }
0x58: {  	s21 =	simm.s32 @!p1 $0x40;
	s19 =	sor.u32 s19, s20;
	s20 =	sand.u32 s26, s9  }
0x59: {  	v7 =	vperm.xlane.i2c.b16 v7;
	[tilespmem:s17+$0x821 ss:$0x41] =	vst.msk $0xffff, v10;
	v0 =	vcombine.high v5, v0;
	s23 =	sand.u32 s23, s10;
	s19 =	sor.u32 s25, s19;
	s20 =	ssub.s32 s22, s20  }
0x5a: {  	v57 =	vcombine.low v9, v8;
	v6 =	vperm.xlane.i2c.b16 v6;
	[tilespmem:s17+$0x0 ss:$0x41] =	vst.msk $0xffff, v11;
	s21 =	ssub.s32 s21, s23;
	s19 =	sshrl.u32 s19, $0x7;
	s22 =	sadd.s32 $0xFFF0BE40, s20  }
0x5b: {  	v58 =	vcombine.high v9, v8;
	v4 =	vperm.xlane.i2c.b16 v4;
	[tilespmem:s17+$0x1 ss:$0x41] =	vst.msk $0xffff, v0;
	s23 =	sadd.s32 $0xFFFFFFC0, s21;
	s20 =	ssub.s32 $0xF4240, s20;
	s21 =	ssub.s32 $0x80, s21  }
0x5c: {  	[tilespmem:s18+$0xC30 ss:$0x41] =	vst.msk $0xffff, v57;
	v59 =	vcombine.low v7, v6;
	v3 =	vperm.xlane.i2c.b16 v3;
	s27 =	smulhi.u32 $0x218DEF5, s19;
	p1 =	sgt.s32 s22, $0x7F;
	p2 =	sgt.s32 s23, $0x3F  }
0x5d: {  	[tilespmem:s18+$0xC31 ss:$0x41] =	vst.msk $0xffff, v58;
	v60 =	vcombine.high v7, v6;
	s20 =	simm.s32 @p1 $0x0;
	s21 =	simm.s32 @p2 $0x0  }
0x5e: {  	v2 =	vperm.xlane.i2c.b16 v2;
	[tilespmem:s18+$0x410 ss:$0x41] =	vst.msk $0xffff, v59;
	v61 =	vcombine.low v4, v3;
	s17 =	sshrl.u32 s27, $0xD;
	s20 =	smul.u32 s21, s20  }
0x5f: {  	v3 =	vcombine.high v4, v3;
	[tilespmem:s18+$0x411 ss:$0x41] =	vst.msk $0xffff, v60;
	s17 =	smul.u32 $0xF4240, s17  }
.Ltmp4:
0x60: {  	s28 =	sshrl.u32 s10, $0x3;
	s29 =	sand.u32 $0x7, s10;
	v62 =	vcombine.low v2, v1;
	[tilespmem:s18+$0x820 ss:$0x41] =	vst.msk $0xffff, v61;
	(pc) =	sbr.rel .LBB1_5-.Ltmp4, $4  }
0x61: {  	v63 =	vcombine.high v2, v1;
	[tilespmem:s18+$0x821 ss:$0x41] =	vst.msk $0xffff, v3;
	s21 =	sshll.u32 s29, $0x12;
	s17 =	ssub.s32 s19, s17;
	s19 =	sand.u32 $0x7, s28  }
0x62: {  	[tilespmem:s18+$0x0 ss:$0x41] =	vst.msk $0xffff, v62;
	s20 =	sshrl.u32 s20, $0x1;
	s17 =	sshll.u32 s17, $0x3;
	s19 =	sadd.s32 s5, s19  }
0x63: {  	[tilespmem:s18+$0x1 ss:$0x41] =	vst.msk $0xffff, v63;
	s31 =	sor.u32 $0x40, s21;
	s30 =	sand.u32 $0x3FFFFFFF, s20;
	s17 =	sadd.s32 s17, s19  }
0x64: {  	[hbm4b:s17+s31] =	stream.strided.scatter [tilespmem:s16], [sflag:$0x2], s30, s8, s31, $0x18;
	[tilespmem:$0x4080] =	vst v63  }
.LBB1_6:
0x65: {  	_ =	sfence.sel $0x180000  }
0x66: {  	s2 =	simm.s32 $0x1;
	[bflag:$0x0] =	sbarrier.arrive $0xFFFF  }
0x67: {  	s31 =	simm.s32 $0x2;
	[sflag:s2] =	ssyncpa.u1 $0x1  }
0x68: {  	[sflag:s31] =	ssyncpa.u1 $0x1  }
0x69: {  	p0 =	sne.s32 s1, $0x0;
	_ =	strace $0x9000004A  }
0x6a: {  	s0 =	sadd.s32 @!p0 $0x100000, s0;
	[bflag:$0x2] =	sbarrier.arrive $0xFFFF  }
0x6b: {  	[sflag:s0] =	ssyncadd.tile.s32 @!p0 $0x1;
	_ =	shalt  }
.Lfunc_end1:
_tile_overlayer_lowered:
.L_overlay_start_2:
0x6c: {  	(tag) =	ssettag $0x2  }
0x6d: {  	s0 =	rddreg [dreg:$0x0];
	s2 =	stileid.u32  }
0x6e: {  	s1 =	rddreg [dreg:$0x1];
	p0 =	sne.s32 s2, $0x0  }
0x6f: {  	s3 =	rddreg [dreg:$0x2];
	[bflag:$0x3] =	sbarrier.arrive $0xFFFF;
	s2 =	simm.s32 @!p0 $0x1C01  }
0x70: {  	[timem:s3], [sflag:s2] =	dma.local @!p0 [hbm:s0], s1  }
0x71: {  	s0 =	simm.s32 @!p0 $0x1  }
0x72: {  	_ =	swait.ge @!p0 [sflag:s0], s1  }
0x73: {  	s1 =	ssub.s32 @!p0 $0x0, s1;
	[sflag:s0] =	ssyncset.done @!p0 $0x0  }
0x74: {  	[sflag:s0] =	ssyncadd.s32 @!p0 s1  }
0x75: {  	[bflag:$0x3] =	sbarrier.arrive $0xFFFF  }
0x76: {  	_ =	shalt  }

// kernel: sparse-core-data-format-call.cloned.1.call-start
scs
called_computation_lowered:
.L_overlay_start_0:
0x0: {  	s2 =	sld [smem:$0x3FD9]  }
0x1: {  	s3 =	sld [smem:$0x3FFE];
	_ =	sdelay $0x1  }
0x2: {  	s1 =	srdreg.scid  }
0x3: {  	s0 =	sand.u32 $0x1, s1  }
0x4: {  	s18 =	sshll.u32 s0, $0xA;
	s2 =	sadd.s32 s3, s2  }
0x5: {  	s2 =	sadd.s32 s2, s18  }
0x6: {  	[smem:$0x3FBD] =	sst s2  }
0x7: {  	_ = 	snop  }
0x8: {  	(tm) =	ssettm $0x1  }
0x9: {  	s19 =	sld [smem:$0x3FFB];
	_ =	sdelay $0x3  }
0xa: {  	_ =	strace s19  }
0xb: {  	s2 =	sld [smem:$0x3FFC];
	_ =	sdelay $0x3  }
0xc: {  	_ =	strace s2  }
0xd: {  	s2 =	sld [smem:$0x3FFD];
	_ =	sdelay $0x3  }
0xe: {  	_ =	strace s2  }
0xf: {  	_ =	strace $0x8FFFFFFF  }
0x10: {  	s20 =	sld [smem:$0x3FDB];
	_ =	sdelay $0x1  }
0x11: {  	s21 =	simm.s32 $_scs_section_size  }
0x12: {  	s4 =	simm.s32 $_size__tile_overlayer_lowered;
	s5 =	simm.s32 $_tile_overlayer_lowered  }
0x13: {  	s6 =	simm.s32 $0x1BFF;
	s22 =	sshll.u32 s5, $0x1;
	s3 =	sadd.s32 s21, s20  }
0x14: {  	s23 =	simm.s32 $0x0;
	s4 =	sshll.u32 s4, $0x1;
	s5 =	sadd.s32 s22, s3  }
0x15: {  	[timem:s23], [sflag:s6] =	dma.local [hbm:s5], s4  }
0x16: {  	_ =	swait.ge [sflag:s6], s4  }
0x17: {  	s4 =	ssub.s32 $0x0, s4;
	[sflag:s6] =	ssyncset.done $0x0  }
0x18: {  	[sflag:s6] =	ssyncadd.s32 s4;
	_ =	sdelay $0x1  }
0x19: {  	s24 =	simm.s32 $0x1B8B  }
0x1a: {  	_ =	swait.ge [sflag:s24], $0x1  }
0x1b: {  	[sflag:s24] =	ssyncset.done $0x0  }
0x1c: {  	[sflag:s24] =	ssyncadd.s32 $0xFFFFFFFF  }
0x1d: {  	s4 =	sld [smem:$0x0]  }
0x1e: {  	s5 =	sand.u32 $0xFFFFFFFE, s1  }
0x1f: {  	p0 =	sne.s32 s1, s5  }
0x20: {  	s5 =	sshll.u32 @p0 s5, $0xE  }
0x21: {  	s5 =	sadd.s32 @p0 $0x11B8D, s5;
	s6 =	sshll.u32 @p0 s4, $0x11  }
0x22: {  	s5 =	sor.u32 @p0 s6, s5  }
0x23: {  	[sflag:s5] =	ssyncadd.remote.s32 @p0 $0x1;
	_ =	sdelay $0x1  }
0x24: {  	s5 =	simm.s32 @p0 $0x1B8D  }
0x25: {  	_ =	swait.eq @p0 [sflag:s5], $0x1  }
0x26: {  	[sflag:s5] =	ssyncadd.s32 @p0 $0xFFFFFFFF  }
0x27: {  	s6 =	sshll.u32 @!p0 s1, $0xE  }
0x28: {  	s6 =	sor.u32 @!p0 $0x4000, s6;
	s5 =	simm.s32 @!p0 $0x1B8D  }
0x29: {  	s4 =	sshll.u32 @!p0 s4, $0x11;
	s6 =	sadd.s32 @!p0 $0x11B8D, s6;
	_ =	swait.eq @!p0 [sflag:s5], $0x1  }
0x2a: {  	s4 =	sor.u32 @!p0 s4, s6;
	[sflag:s5] =	ssyncadd.s32 @!p0 $0xFFFFFFFF  }
0x2b: {  	s26 =	simm.s32 $0x1B8E;
	s25 =	sld [smem:$0x3FFE];
	[sflag:s4] =	ssyncadd.remote.s32 @!p0 $0x1  }
0x2c: {  	s27 =	simm.s32 $execute0_lowered;
	[smem:$0x3FD2] =	sst s26  }
0x2d: {  	s5 =	sshll.u32 s27, $0x1;
	_ =	strace $0x8000004C;
	[dreg:$0x1] =	wrdreg $0xFFFFFFFF  }
0x2e: {  	s28 =	simm.s32 $_size_execute0_lowered;
	s3 =	sadd.s32 s3, s5;
	[dreg:$0x0] =	wrdreg $0x0  }
0x2f: {  	s5 =	sshll.u32 s28, $0x1;
	[dreg:$0x2] =	wrdreg s3  }
0x30: {  	[dreg:$0x3] =	wrdreg s5  }
0x31: {  	[dreg:$0x4] =	wrdreg $0xC0  }
0x32: {  	_ =	task [dreg:s23], $0x5FFFF  }
0x33: {  	[dreg:$0x1] =	wrdreg $0xFFFFFFFF  }
0x34: {  	[dreg:$0x0] =	wrdreg $0x60  }
0x35: {  	[dreg:$0x2] =	wrdreg s25  }
0x36: {  	[dreg:$0x3] =	wrdreg $0x9  }
0x37: {  	_ =	task.clear_ibuf [dreg:s23], $0x4FFFF;
	_ =	strace $0x9000004C  }
0x38: {  	s29 =	simm.s32 $0x9;
	_ =	strace $0x8000004E  }
0x39: {  	_ =	swait.ge [sflag:s29], $0x1  }
0x3a: {  	[sflag:s29] =	ssyncadd.s32 $0xFFFFFFFF  }
0x3b: {  	_ =	strace $0x9000004E  }
0x3c: {  	_ =	sfence  }
0x3d: {  	s30 =	sld [smem:$0x0];
	_ =	sdelay $0x2  }
0x3e: {  	s31 =	sshll.u32 s1, $0xD;
	s1 =	sshrl.u32 s1, $0x2  }
0x3f: {  	s4 =	sand.u32 $0x4000, s31;
	s1 =	sadd.s32 s1, s30  }
0x40: {  	s0 =	sor.u32 s4, s0;
	s1 =	sshll.u32 s1, $0x11  }
0x41: {  	s0 =	sor.u32 s1, s0  }
0x42: {  	s0 =	sadd.s32 $0x8F2B, s0  }
0x43: {  	[sflag:s0] =	ssyncadd.remote.s32 $0x1  }
0x44: {  	_ =	sfence.sel $0xFFFF  }
0x45: {  	[dreg:$0x0] =	wrdreg $0xFFFFFFFF;
	(pc) =	sbr.abs _section_cstart, $3  }
0x46: {  	[dreg:$0x1] =	wrdreg $0xFFFFFFFF  }
0x47: {  	_ =	task.clear_ibuf [dreg:s23], $0x2FFFF;
	_ =	strace $0x9FFFFFFF  }
0x48: {  	(tm) =	ssettm $0x7FFFFFFF  }
0x49: {  	_ =	shalt  }
tec
execute0_lowered:
.L_overlay_start_1:
0x0: {  	(tag) =	ssettag $0x1  }
0x1: {  	s0 =	srdreg.scid  }
0x2: {  	s5 =	rddreg [dreg:$0x0];
	s1 =	stileid.u32;
	s4 =	simm.s32 $0x1  }
0x3: {  	s6 =	simm.s32 $0x2;
	s8 =	simm.s32 $0x0;
	s2 =	sshll.u32 s0, $0x4  }
0x4: {  	s9 =	simm.s32 $0x0;
	s13 =	simm.s32 $0x0;
	s2 =	sand.u32 $0x10, s2  }
.Ltmp0:
0x5: {  	s10 =	simm.s32 $0x0;
	s3 =	sor.u32 s1, s2;
	(pc) =	sbr.rel .LBB1_1-.Ltmp0, $4  }
0x6: {  	s0 =	rddreg [dreg:$0x1];
	_ =	strace $0x8000004D;
	s3 =	sshll.u32 s3, $0x4  }
0x7: {  	s12 =	simm.s32 $0x0;
	[sflag:s4] =	ssyncpa.u1 $0x0;
	s7 =	ssub.s32 $0x7A10, s3  }
0x8: {  	s2 =	sadd.s32 $0x3D2600, s5;
	[sflag:s6] =	ssyncpa.u1 $0x0;
	s6 =	sshrl.u32 s7, $0x9  }
0x9: {  	s5 =	sadd.s32 $0x1C00, s5;
	s11 =	smov.u32 s3;
	s7 =	sor.u32 $0x2, s6  }
.LBB1_7:
0xa: {  	s15 =	sshll.u32 s12, $0xF  }
0xb: {  	s15 =	sand.u32 $0x8000, s15  }
0xc: {  	s16 =	sshll.u32 s10, $0x7;
	s15 =	sshrl.u32 s15, $0x1  }
0xd: {  	s16 =	sadd.s32 s5, s16;
	s15 =	sor.u32 $0x8000, s15  }
0xe: {  	[hbm4b:s16+s8] =	stream.linear.scatter [tilespmem:s15], [sflag:$0x2], s14, $0x38;
	[tilespmem:$0x10000] =	vst v63  }
.LBB1_8:
0xf: {  	p0 =	slt.u32 s12, $0x2  }
0x10: {  	p1 =	sgt.s32 @!p0 s13, $0x7A02  }
0x11: {  	s14 =	smov.u32 s13;
	s15 =	sshra.s32 @!p0 s13, $0x1F;
	p1 =	por !p1, p0  }
0x12: {  	s13 =	sand.u32 @!p0 s15, s13;
	s14 =	simm.s32 @p1 $0x7A02  }
0x13: {  	s13 =	ssub.s32 @!p0 s14, s13  }
0x14: {  	s13 =	sadd.s32 @!p0 $0xFFFF85FE, s13  }
0x15: {  	s14 =	sshll.u32 @!p0 s13, $0xC  }
0x16: {  	p1 =	sgt.s32 @!p0 s13, $0xF;
	s13 =	ssub.s32 @!p0 $0x10000, s14  }
0x17: {  	s15 =	sadd.s32 $0x200, s11;
	p1 =	por !p1, p0;
	s13 =	sshrl.u32 @!p0 s13, $0x2  }
0x18: {  	s13 =	simm.s32 @!p1 $0x0;
	p1 =	sgt.s32 s15, $0x7A11  }
0x19: {  	s15 =	smov.u32 @p1 s3;
	p1 =	sne.s32 s12, s7  }
.Ltmp1:
0x1a: {  	_ = 	snop;
	(pc) =	sbr.rel @!p1 .LBB1_9-.Ltmp1, $4  }
0x1b: {  	s14 =	simm.s32 @!p0 $0x2  }
0x1c: {  	s9 =	sadd.s32 $0x8000, s9;
	_ =	swait.ge @!p0 [sflag:s14], s13;
	s16 =	ssub.s32 @!p0 $0x0, s13  }
0x1d: {  	s13 =	smov.u32 s10;
	s12 =	sadd.s32 $0x1, s12;
	[sflag:s14] =	ssyncset.done @!p0 $0x0  }
0x1e: {  	s10 =	smov.u32 s11;
	s11 =	smov.u32 s15;
	[sflag:s14] =	ssyncadd.s32 @!p0 s16  }
.LBB1_1:
0x1f: {  	p0 =	sgt.u32 s12, s6  }
0x20: {  	p1 =	sgt.s32 @!p0 s11, $0x7A02  }
0x21: {  	s14 =	smov.u32 s11;
	s15 =	sshra.s32 @!p0 s11, $0x1F;
	p1 =	por !p1, p0  }
0x22: {  	s15 =	sand.u32 @!p0 s15, s11;
	s14 =	simm.s32 @p1 $0x7A02  }
0x23: {  	s14 =	ssub.s32 @!p0 s14, s15  }
0x24: {  	s14 =	sadd.s32 @!p0 $0xFFFF85FE, s14  }
0x25: {  	s16 =	sshll.u32 @!p0 s11, $0x7;
	s17 =	simm.s32 @!p0 $0x0;
	s15 =	sshll.u32 @!p0 s14, $0xC  }
0x26: {  	p1 =	sgt.s32 @!p0 s14, $0xF;
	s14 =	ssub.s32 @!p0 $0x10000, s15;
	s15 =	sxor.u32 @!p0 $0xFFFFFFFF, s12  }
0x27: {  	p1 =	por !p1, p0;
	s14 =	sshrl.u32 @!p0 s14, $0x2;
	s15 =	sshll.u32 @!p0 s15, $0xE  }
0x28: {  	s16 =	sadd.s32 @!p0 s2, s16;
	s14 =	simm.s32 @!p1 $0x0;
	s15 =	sand.u32 @!p0 $0x4000, s15  }
0x29: {  	[tilespmem:s15], [sflag:$0x1] =	stream.linear.gather @!p0 [hbm4b:s16+s17], s14, $0x38;
	[tilespmem:$0x10000] =	vst v63  }
0x2a: {  	p0 =	seq.s32 s12, $0x0  }
0x2b: {  	p1 =	sge.u32 @!p0 s12, s7  }
0x2c: {  	p0 =	por p0, p1  }
.Ltmp2:
0x2d: {  	_ = 	snop;
	(pc) =	sbr.rel @p0 .LBB1_8-.Ltmp2, $1  }
0x2e: {  	_ =	sdelay $0x3  }
0x2f: {  	p0 =	sgt.s32 s10, $0x7A02;
	s14 =	smov.u32 s10;
	s15 =	sshra.s32 s10, $0x1F  }
0x30: {  	s14 =	simm.s32 @!p0 $0x7A02;
	s15 =	sand.u32 s15, s10  }
0x31: {  	s14 =	ssub.s32 s14, s15  }
0x32: {  	s16 =	sadd.s32 $0x10, s10;
	s14 =	sadd.s32 $0xFFFF85FE, s14  }
0x33: {  	p1 =	slt.s32 s16, $0x7A12;
	s30 =	sshll.u32 s14, $0xC  }
0x34: {  	s16 =	simm.s32 @!p1 $0x7A12;
	s15 =	ssub.s32 $0x10000, s30  }
0x35: {  	p0 =	sgt.s32 s14, $0xF;
	s14 =	sshrl.u32 s15, $0x2;
	s15 =	ssub.s32 s16, s10  }
0x36: {  	s14 =	simm.s32 @p0 $0x0;
	p0 =	slt.s32 s15, $0x1  }
.Ltmp3:
0x37: {  	_ = 	snop;
	(pc) =	sbr.rel @p0 .LBB1_7-.Ltmp3, $4  }
0x38: {  	_ = 	snop  }
0x39: {  	_ =	swait.ge [sflag:s4], s14  }
0x3a: {  	s31 =	ssub.s32 $0x0, s14;
	[sflag:s4] =	ssyncset.done $0x0  }
0x3b: {  	[sflag:s4] =	ssyncadd.s32 s31  }
0x3c: {  	s16 =	sshrl.u32 s9, $0x1  }
0x3d: {  	s17 =	sand.u32 $0x4000, s16  }
0x3e: {  	s18 =	simm.s32 $0x0;
	s16 =	sor.u32 $0x200, s17;
	s17 =	sor.u32 $0x8080, s17  }
.LBB1_4:
0x3f: {  	v0 =	vld [tilespmem:s16+$0xFFFFFE70]  }
0x40: {  	v1 =	vld [tilespmem:s16+$0x70]  }
0x41: {  	v2 =	vld [tilespmem:s16+$0x0]  }
0x42: {  	v3 =	vld [tilespmem:s16+$0xFFFFFE10]  }
0x43: {  	v4 =	vld [tilespmem:s16+$0x10]  }
0x44: {  	v5 =	vld [tilespmem:s16+$0xFFFFFE20]  }
0x45: {  	v7 =	vld [tilespmem:s16+$0x20]  }
0x46: {  	v11 =	vld [tilespmem:s16+$0x30];
	v6 =	vunpack.i.l.s16.s32 v0;
	v8 =	vunpack.i.u.s16.s32 v0;
	v9 =	vunpack.i.u.s16.s32 v1  }
0x47: {  	v10 =	vunpack.i.l.s16.s32 v1;
	v0 =	vunpack.i.u.s16.s32 v2;
	v1 =	vunpack.i.l.s16.s32 v2;
	v2 =	vld [tilespmem:s16+$0xFFFFFE30]  }
0x48: {  	v8 =	vpack.i.b32.b16 v9, v8;
	v9 =	vunpack.i.u.s16.s32 v3;
	v3 =	vunpack.i.l.s16.s32 v3  }
0x49: {  	v12 =	vld [tilespmem:s16+$0xFFFFFE40];
	v6 =	vpack.i.b32.b16 v10, v6;
	[tilespmem:s17+$0x70] =	vst v8;
	v8 =	vunpack.i.u.s16.s32 v4;
	v4 =	vunpack.i.l.s16.s32 v4  }
0x4a: {  	v13 =	vld [tilespmem:s16+$0x40];
	v10 =	vunpack.i.u.s16.s32 v5;
	v5 =	vunpack.i.l.s16.s32 v5;
	[tilespmem:s17+$0xFFFFFFF0] =	vst v6;
	v3 =	vpack.i.b32.b16 v4, v3  }
0x4b: {  	v6 =	vunpack.i.l.s16.s32 v7;
	v4 =	vld [tilespmem:s16+$0xFFFFFE50];
	[tilespmem:s17+$0xFFFFFF90] =	vst v3;
	v3 =	vpack.i.b32.b16 v8, v9;
	v8 =	vunpack.i.u.s16.s32 v7  }
0x4c: {  	v7 =	vunpack.i.l.s16.s32 v11;
	[tilespmem:s17+$0x10] =	vst v3;
	v3 =	vpack.i.b32.b16 v6, v5;
	v9 =	vunpack.i.u.s16.s32 v2;
	v6 =	vld [tilespmem:s16+$0x50]  }
0x4d: {  	v5 =	vunpack.i.l.s16.s32 v2;
	v2 =	vld [tilespmem:s16+$0xFFFFFE60];
	[tilespmem:s17+$0xFFFFFFA0] =	vst v3;
	v3 =	vpack.i.b32.b16 v8, v10;
	v10 =	vunpack.i.u.s16.s32 v11  }
0x4e: {  	s21 =	simm.s32 $0x0;
	v11 =	vpack.i.b32.b16 v7, v5;
	v7 =	vunpack.i.u.s16.s32 v12;
	v8 =	vunpack.i.l.s16.s32 v12;
	[tilespmem:s17+$0x20] =	vst v3;
	v3 =	vld [tilespmem:s16+$0x60]  }
0x4f: {  	s22 =	sadd.s32 $0x80, s16;
	s20 =	smov.u32 s17;
	s19 =	smov.u32 s17;
	v5 =	vld [tilespmem:s16+$0xFFFFFE00];
	[tilespmem:s17+$0xFFFFFFB0] =	vst v11;
	v10 =	vpack.i.b32.b16 v10, v9;
	v9 =	vunpack.i.u.s16.s32 v13;
	v11 =	vunpack.i.l.s16.s32 v13  }
.LBB1_5:
0x50: {  	v12 =	vld [tilespmem:s22+$0xFFFFFE70];
	[tilespmem:s20+$0x30] =	vst v10;
	v8 =	vpack.i.b32.b16 v11, v8;
	v10 =	vunpack.i.u.s16.s32 v4;
	v4 =	vunpack.i.l.s16.s32 v4  }
0x51: {  	s21 =	sadd.s32 $0x2, s21;
	v7 =	vpack.i.b32.b16 v9, v7;
	v11 =	vld [tilespmem:s22+$0x70];
	[tilespmem:s20+$0xFFFFFFC0] =	vst v8;
	v8 =	vunpack.i.u.s16.s32 v6;
	v6 =	vunpack.i.l.s16.s32 v6  }
0x52: {  	p0 =	slt.u32 s21, $0x6;
	v9 =	vld [tilespmem:s22+$0x0];
	[tilespmem:s20+$0x40] =	vst v7;
	v4 =	vpack.i.b32.b16 v6, v4;
	v6 =	vunpack.i.u.s16.s32 v2;
	v2 =	vunpack.i.l.s16.s32 v2  }
0x53: {  	v7 =	vld [tilespmem:s22+$0xFFFFFE10];
	[tilespmem:s20+$0xFFFFFFD0] =	vst v4;
	v4 =	vpack.i.b32.b16 v8, v10;
	v8 =	vunpack.i.u.s16.s32 v3;
	v3 =	vunpack.i.l.s16.s32 v3  }
0x54: {  	v10 =	vld [tilespmem:s22+$0x10];
	v13 =	vunpack.i.u.s16.s32 v5;
	v5 =	vunpack.i.l.s16.s32 v5;
	[tilespmem:s20+$0x50] =	vst v4;
	v2 =	vpack.i.b32.b16 v3, v2  }
0x55: {  	v3 =	vld [tilespmem:s22+$0xFFFFFE20];
	v4 =	vunpack.i.l.s16.s32 v12;
	v1 =	vpack.i.b32.b16 v1, v5;
	v5 =	vpack.i.b32.b16 v0, v13;
	[tilespmem:s20+$0xFFFFFFE0] =	vst v2  }
0x56: {  	v12 =	vunpack.i.u.s16.s32 v12;
	v2 =	vld [tilespmem:s22+$0x20];
	v13 =	vunpack.i.u.s16.s32 v11;
	v11 =	vunpack.i.l.s16.s32 v11;
	[tilespmem:s20+$0xFFFFFF80] =	vst v1  }
0x57: {  	s20 =	sadd.s32 $0x100, s20;
	v0 =	vunpack.i.u.s16.s32 v9;
	v1 =	vunpack.i.l.s16.s32 v9;
	v9 =	vld [tilespmem:s22+$0xFFFFFE30];
	v12 =	vpack.i.b32.b16 v13, v12;
	[tilespmem:s19+$0x0] =	vst v5  }
0x58: {  	v6 =	vpack.i.b32.b16 v8, v6;
	v5 =	vunpack.i.u.s16.s32 v7;
	v7 =	vunpack.i.l.s16.s32 v7;
	v13 =	vld [tilespmem:s22+$0x30];
	[tilespmem:s20+$0x70] =	vst v12  }
0x59: {  	v4 =	vpack.i.b32.b16 v11, v4;
	v8 =	vunpack.i.u.s16.s32 v10;
	v10 =	vunpack.i.l.s16.s32 v10;
	v12 =	vld [tilespmem:s22+$0xFFFFFE40];
	[tilespmem:s19+$0x60] =	vst v6;
	s19 =	smov.u32 s20  }
0x5a: {  	v6 =	vpack.i.b32.b16 v10, v7;
	v7 =	vunpack.i.u.s16.s32 v3;
	v3 =	vunpack.i.l.s16.s32 v3;
	v11 =	vld [tilespmem:s22+$0x40];
	[tilespmem:s20+$0xFFFFFFF0] =	vst v4  }
.Ltmp4:
0x5b: {  	v5 =	vpack.i.b32.b16 v8, v5;
	[tilespmem:s20+$0xFFFFFF90] =	vst v6;
	v8 =	vunpack.i.u.s16.s32 v2;
	v2 =	vunpack.i.l.s16.s32 v2;
	v4 =	vld [tilespmem:s22+$0xFFFFFE50];
	(pc) =	sbr.rel @p0 .LBB1_5-.Ltmp4, $4  }
0x5c: {  	[tilespmem:s20+$0x10] =	vst v5;
	v2 =	vpack.i.b32.b16 v2, v3;
	v10 =	vunpack.i.u.s16.s32 v9;
	v3 =	vunpack.i.l.s16.s32 v9;
	v6 =	vld [tilespmem:s22+$0x50]  }
0x5d: {  	v5 =	vpack.i.b32.b16 v8, v7;
	[tilespmem:s20+$0xFFFFFFA0] =	vst v2;
	v9 =	vunpack.i.u.s16.s32 v13;
	v7 =	vunpack.i.l.s16.s32 v13;
	v2 =	vld [tilespmem:s22+$0xFFFFFE60]  }
0x5e: {  	[tilespmem:s20+$0x20] =	vst v5;
	v13 =	vpack.i.b32.b16 v7, v3;
	v7 =	vunpack.i.u.s16.s32 v12;
	v8 =	vunpack.i.l.s16.s32 v12;
	v3 =	vld [tilespmem:s22+$0x60]  }
0x5f: {  	v10 =	vpack.i.b32.b16 v9, v10;
	v5 =	vld [tilespmem:s22+$0xFFFFFE00];
	[tilespmem:s20+$0xFFFFFFB0] =	vst v13;
	v9 =	vunpack.i.u.s16.s32 v11;
	v11 =	vunpack.i.l.s16.s32 v11;
	s22 =	sadd.s32 $0x80, s22  }
0x60: {  	[tilespmem:s20+$0x30] =	vst v10;
	v8 =	vpack.i.b32.b16 v11, v8  }
0x61: {  	v51 =	vunpack.i.l.s16.s32 v4;
	v7 =	vpack.i.b32.b16 v9, v7;
	[tilespmem:s20+$0xFFFFFFC0] =	vst v8;
	v52 =	vunpack.i.l.s16.s32 v6  }
0x62: {  	v53 =	vunpack.i.u.s16.s32 v4;
	s18 =	sadd.s32 $0x1, s18;
	v54 =	vunpack.i.u.s16.s32 v6;
	[tilespmem:s20+$0x40] =	vst v7;
	v55 =	vpack.i.b32.b16 v52, v51  }
0x63: {  	p0 =	sne.s32 s18, s15;
	v56 =	vunpack.i.l.s16.s32 v2;
	v4 =	vpack.i.b32.b16 v54, v53;
	[tilespmem:s20+$0xFFFFFFD0] =	vst v55;
	v57 =	vunpack.i.l.s16.s32 v3  }
.Ltmp5:
0x64: {  	[tilespmem:s20+$0x50] =	vst v4;
	v58 =	vunpack.i.l.s16.s32 v5;
	v59 =	vpack.i.b32.b16 v57, v56;
	(pc) =	sbr.rel @p0 .LBB1_4-.Ltmp5, $4  }
.Ltmp6:
0x65: {  	v61 =	vunpack.i.u.s16.s32 v2;
	v62 =	vunpack.i.u.s16.s32 v3;
	v1 =	vpack.i.b32.b16 v1, v58;
	[tilespmem:s20+$0xFFFFFFE0] =	vst v59;
	(pc) =	sbr.rel @!p0 .LBB1_7-.Ltmp6, $4  }
0x66: {  	v60 =	vunpack.i.u.s16.s32 v5;
	v63 =	vpack.i.b32.b16 v62, v61;
	[tilespmem:s20+$0xFFFFFF80] =	vst v1  }
0x67: {  	v0 =	vpack.i.b32.b16 v0, v60;
	[tilespmem:s19+$0x60] =	vst v63  }
0x68: {  	s16 =	sadd.s32 $0x400, s16;
	s17 =	sadd.s32 $0x400, s17;
	[tilespmem:s19+$0x0] =	vst v0  }
0x69: {  	_ = 	snop  }
.LBB1_9:
0x6a: {  	_ =	sfence.sel $0x180000  }
0x6b: {  	s2 =	simm.s32 $0x1;
	[bflag:$0x0] =	sbarrier.arrive $0xFFFF  }
0x6c: {  	s31 =	simm.s32 $0x2;
	[sflag:s2] =	ssyncpa.u1 $0x1  }
0x6d: {  	[sflag:s31] =	ssyncpa.u1 $0x1  }
0x6e: {  	p0 =	sne.s32 s1, $0x0;
	_ =	strace $0x9000004D  }
0x6f: {  	s0 =	sadd.s32 @!p0 $0x100000, s0;
	[bflag:$0x2] =	sbarrier.arrive $0xFFFF  }
0x70: {  	[sflag:s0] =	ssyncadd.tile.s32 @!p0 $0x1;
	_ =	shalt  }
.Lfunc_end1:
_tile_overlayer_lowered:
.L_overlay_start_2:
0x71: {  	(tag) =	ssettag $0x2  }
0x72: {  	s0 =	rddreg [dreg:$0x0];
	s2 =	stileid.u32  }
0x73: {  	s1 =	rddreg [dreg:$0x1];
	p0 =	sne.s32 s2, $0x0  }
0x74: {  	s3 =	rddreg [dreg:$0x2];
	[bflag:$0x3] =	sbarrier.arrive $0xFFFF;
	s2 =	simm.s32 @!p0 $0x1C01  }
0x75: {  	[timem:s3], [sflag:s2] =	dma.local @!p0 [hbm:s0], s1  }
0x76: {  	s0 =	simm.s32 @!p0 $0x1  }
0x77: {  	_ =	swait.ge @!p0 [sflag:s0], s1  }
0x78: {  	s1 =	ssub.s32 @!p0 $0x0, s1;
	[sflag:s0] =	ssyncset.done @!p0 $0x0  }
0x79: {  	[sflag:s0] =	ssyncadd.s32 @!p0 s1  }
0x7a: {  	[bflag:$0x3] =	sbarrier.arrive $0xFFFF  }
0x7b: {  	_ =	shalt  }

</sc_bundles>
